<compile_context>
chip_gen: v7x
topology: tpu7x:2x2x1
jax: 0.10.2.dev20260603
libtpu: 0.0.44.dev20260713+nightly
codegen_flags: <defaults>
</compile_context>

<pallas_src>
import jax
import jax.numpy as jnp
from jax import lax
from jax.experimental import pallas as pl
from jax.experimental.pallas import tpu as pltpu
from jax.experimental.pallas import tpu_sc as plsc

N_NODES = 10000
N_EDGES = 320000
D_FEAT = 128

NC = 2
NS = 16
NW = NC * NS
EDGES_PER_W = N_EDGES // NW
CHUNK = 128
NCHUNK = EDGES_PER_W // CHUNK
TAIL = EDGES_PER_W - NCHUNK * CHUNK
NBLK = 6
BLKCH = NCHUNK // NBLK
BLKE = BLKCH * CHUNK
ROWS_PER_TILE = N_NODES // NS


def _sc_body(ei_hbm, x_hbm, za_hbm, zc_hbm, outa_hbm, outc_hbm,
             src_a, src_b, dst_a, dst_b, src_t, dst_t, rows0, rows1,
             c_tile, a_sh, sem0, sem1, semi, semt):
    c = lax.axis_index("c")
    s = lax.axis_index("s")
    wid = s * NC + c
    lo = s * ROWS_PER_TILE
    ebase = wid * EDGES_PER_W

    init_copies = [
        pltpu.async_copy(za_hbm.at[pl.ds(lo, ROWS_PER_TILE)],
                         a_sh.at[pl.ds(lo, ROWS_PER_TILE)], semi),
        pltpu.async_copy(zc_hbm, c_tile, semi),
        pltpu.async_copy(ei_hbm.at[0].at[pl.ds(ebase, BLKE)], src_a, semi),
        pltpu.async_copy(ei_hbm.at[1].at[pl.ds(ebase, BLKE)], dst_a, semi),
        pltpu.async_copy(ei_hbm.at[0].at[pl.ds(ebase + NCHUNK * CHUNK, TAIL)],
                         src_t, semi),
        pltpu.async_copy(ei_hbm.at[1].at[pl.ds(ebase + NCHUNK * CHUNK, TAIL)],
                         dst_t, semi),
    ]
    for cp in init_copies:
        cp.wait()
    plsc.subcore_barrier()

    ones16 = jnp.ones((16,), jnp.float32)

    def gather(sv, j, rows, sem):
        return pltpu.async_copy(
            x_hbm.at[sv.at[pl.ds(j * CHUNK, CHUNK)]], rows, sem)

    def drain(rows, sem):
        pltpu.make_async_copy(x_hbm.at[src_a.at[pl.ds(0, CHUNK)]], rows,
                              sem).wait()

    def counts(dv, j):
        for k in range(CHUNK // 16):
            idx = dv[pl.ds(j * CHUNK + k * 16, 16)]
            plsc.addupdate_scatter(c_tile, [idx], ones16)

    def scatter(dv, j, rows):
        pltpu.sync_copy(rows, a_sh.at[dv.at[pl.ds(j * CHUNK, CHUNK)]],
                        add=True)

    assert BLKCH % 2 == 1
    idx_bufs = (src_a, dst_a), (src_b, dst_b)
    row_bufs = (rows0, sem0, rows1, sem1), (rows1, sem1, rows0, sem0)
    gather(src_a, 0, rows0, sem0)
    for blk in range(NBLK):
        sv, dv = idx_bufs[blk % 2]
        nsv, ndv = idx_bufs[(blk + 1) % 2]
        ra, sa, rb, sb = row_bufs[blk % 2]
        if blk + 1 < NBLK:
            nbase = ebase + (blk + 1) * BLKE
            pltpu.async_copy(ei_hbm.at[0].at[pl.ds(nbase, BLKE)], nsv, semi)
            pltpu.async_copy(ei_hbm.at[1].at[pl.ds(nbase, BLKE)], ndv, semi)

        def pair_body(i, carry, sv=sv, dv=dv, ra=ra, sa=sa, rb=rb, sb=sb):
            j = 2 * i
            gather(sv, j + 1, rb, sb)
            counts(dv, j)
            drain(ra, sa)
            scatter(dv, j, ra)
            gather(sv, j + 2, ra, sa)
            counts(dv, j + 1)
            drain(rb, sb)
            scatter(dv, j + 1, rb)
            return carry

        lax.fori_loop(0, (BLKCH - 1) // 2, pair_body, 0)
        if blk + 1 < NBLK:
            pltpu.make_async_copy(ei_hbm.at[0].at[pl.ds(0, BLKE)], nsv,
                                  semi).wait()
            pltpu.make_async_copy(ei_hbm.at[1].at[pl.ds(0, BLKE)], ndv,
                                  semi).wait()
            gather(nsv, 0, rb, sb)
        counts(dv, BLKCH - 1)
        drain(ra, sa)
        scatter(dv, BLKCH - 1, ra)

    pltpu.async_copy(x_hbm.at[src_t], rows0.at[pl.ds(0, TAIL)], semt)
    plsc.addupdate_scatter(c_tile, [dst_t[...]], ones16)
    pltpu.make_async_copy(x_hbm.at[src_t], rows0.at[pl.ds(0, TAIL)],
                          semt).wait()
    pltpu.sync_copy(rows0.at[pl.ds(0, TAIL)], a_sh.at[dst_t], add=True)
    plsc.subcore_barrier()

    out_copies = [
        pltpu.async_copy(a_sh.at[pl.ds(lo, ROWS_PER_TILE)],
                         outa_hbm.at[c].at[pl.ds(lo, ROWS_PER_TILE)], semi),
        pltpu.async_copy(c_tile, outc_hbm.at[c].at[s], semi),
    ]
    for cp in out_copies:
        cp.wait()


def _sc_aggregate(edge_index, x, zeros_a, zeros_c):
    mesh = plsc.VectorSubcoreMesh(core_axis_name="c", subcore_axis_name="s",
                                  num_cores=NC, num_subcores=NS)
    return pl.kernel(
        _sc_body,
        out_type=(
            jax.ShapeDtypeStruct((NC, N_NODES, D_FEAT), jnp.float32),
            jax.ShapeDtypeStruct((NC, NS, N_NODES), jnp.float32),
        ),
        mesh=mesh,
        compiler_params=pltpu.CompilerParams(use_tc_tiling_on_sc=False,
                                             needs_layout_passes=False),
        scratch_types=[
            pltpu.VMEM((BLKE,), jnp.int32),
            pltpu.VMEM((BLKE,), jnp.int32),
            pltpu.VMEM((BLKE,), jnp.int32),
            pltpu.VMEM((BLKE,), jnp.int32),
            pltpu.VMEM((TAIL,), jnp.int32),
            pltpu.VMEM((TAIL,), jnp.int32),
            pltpu.VMEM((CHUNK, D_FEAT), jnp.float32),
            pltpu.VMEM((CHUNK, D_FEAT), jnp.float32),
            pltpu.VMEM((N_NODES,), jnp.float32),
            pltpu.VMEM_SHARED((N_NODES, D_FEAT), jnp.float32),
            pltpu.SemaphoreType.DMA,
            pltpu.SemaphoreType.DMA,
            pltpu.SemaphoreType.DMA,
            pltpu.SemaphoreType.DMA,
        ],
    )(edge_index, x, zeros_a, zeros_c)


def _mm_body(a_ref, c_ref, w_ref, b_ref, o_ref):
    a = a_ref[0] + a_ref[1]
    cnt = jnp.sum(c_ref[...].reshape(NC * NS, N_NODES), axis=0)
    o_ref[...] = (jnp.dot(a, w_ref[...], preferred_element_type=jnp.float32)
                  + cnt[:, None] * b_ref[...])


def _tc_finish(parts_a, parts_c, W, b2d):
    return pl.pallas_call(
        _mm_body,
        out_shape=jax.ShapeDtypeStruct((N_NODES, D_FEAT), jnp.float32),
    )(parts_a, parts_c, W, b2d)


def kernel(x, edge_index, W, b):
    ei = edge_index.astype(jnp.int32)
    zeros_a = jnp.zeros((N_NODES, D_FEAT), jnp.float32)
    zeros_c = jnp.zeros((N_NODES,), jnp.float32)
    parts_a, parts_c = _sc_aggregate(ei, x, zeros_a, zeros_c)
    return _tc_finish(parts_a, parts_c, W, b.reshape(1, D_FEAT))

# --- scband reference (transcript-rebuilt; emitter-appended) ---
"""Pipeline reference for scband-concurrent-message-aggregator-23124103922088 (READ-ONLY COPY).

The authoritative reference and input builder live on the scoring server;
editing this copy changes nothing except your own understanding.
"""

import jax, jax.numpy as jnp
import numpy as np

N_NODES = 10000
N_EDGES = 320000
D_FEAT = 128


def setup_inputs(seed: int = 0) -> dict:
    key = jax.random.key(seed)
    k1, k2, k3, k4 = jax.random.split(key, 4)
    x = jax.random.normal(k1, (N_NODES, D_FEAT), dtype=jnp.float32)
    edge_index = jax.random.randint(k2, (2, N_EDGES), 0, N_NODES, dtype=jnp.int64)
    # MessageEncoder parameters: a linear encoder applied to the sending node's state
    W = jax.random.normal(k3, (D_FEAT, D_FEAT), dtype=jnp.float32) * (1.0 / np.sqrt(D_FEAT))
    b = jax.random.normal(k4, (D_FEAT,), dtype=jnp.float32) * 0.01
    return {"x": x, "edge_index": edge_index, "W": W, "b": b}


def reference(x, edge_index, W, b):
    # Vectorized ConcurrentMessageAggregator over all destination nodes:
    # for each edge, encode the message from src's node state (MessageEncoder
    # == linear encode_for_node), then reduce='sum' over all concurrent
    # messages arriving at each destination node. Nodes with no messages
    # receive zeros_like(state), which segment_sum produces naturally.
    src = edge_index[0]
    dst = edge_index[1]
    gathered = jnp.take(x, src, axis=0)            # gather sender states
    encoded = gathered @ W + b                      # encode_for_node per message
    out = jax.ops.segment_sum(encoded, dst, num_segments=x.shape[0])  # reduce='sum'
    return out

if __name__ == "__main__":
    import jax
    _d = setup_inputs()
    print(jax.jit(kernel)(*tuple(_d.values())))

</pallas_src>

<mosaic_0001>
#map = affine_map<(d0, d1) -> (0, 0)>
#map1 = affine_map<(d0, d1) -> (0)>
#map2 = affine_map<(d0, d1) -> (0, 0, 0)>
module attributes {stable_mosaic.version = 14 : i64} {
  func.func @_sc_body(%arg0: i32, %arg1: i32, %arg2: memref<2x320000xi32, #tpu.memory_space<hbm>>, %arg3: memref<10000x128xf32, #tpu.memory_space<hbm>>, %arg4: memref<10000x128xf32, #tpu.memory_space<hbm>>, %arg5: memref<10000xf32, #tpu.memory_space<hbm>>, %arg6: memref<2x10000x128xf32, #tpu.memory_space<hbm>>, %arg7: memref<2x16x10000xf32, #tpu.memory_space<hbm>>, %arg8: memref<1664xi32, #tpu.memory_space<vmem>>, %arg9: memref<1664xi32, #tpu.memory_space<vmem>>, %arg10: memref<1664xi32, #tpu.memory_space<vmem>>, %arg11: memref<1664xi32, #tpu.memory_space<vmem>>, %arg12: memref<16xi32, #tpu.memory_space<vmem>>, %arg13: memref<16xi32, #tpu.memory_space<vmem>>, %arg14: memref<128x128xf32, #tpu.memory_space<vmem>>, %arg15: memref<128x128xf32, #tpu.memory_space<vmem>>, %arg16: memref<10000xf32, #tpu.memory_space<vmem>>, %arg17: memref<10000x128xf32, #tpu.memory_space<vmem_shared>>, %arg18: memref<!tpu.dma_semaphore, #tpu.memory_space<semaphore_mem>>, %arg19: memref<!tpu.dma_semaphore, #tpu.memory_space<semaphore_mem>>, %arg20: memref<!tpu.dma_semaphore, #tpu.memory_space<semaphore_mem>>, %arg21: memref<!tpu.dma_semaphore, #tpu.memory_space<semaphore_mem>>) attributes {dimension_semantics = [#tpu.dimension_semantics<core_parallel>, #tpu.dimension_semantics<subcore_parallel>], iteration_bounds = array<i64: 2, 16>, scalar_prefetch = 0 : i64, scratch_operands = 14 : i64, tpu.core_type = #tpu.core_type<sc_vector_subcore>, window_params = [{transform_indices = #map}, {transform_indices = #map}, {transform_indices = #map}, {transform_indices = #map1}, {transform_indices = #map2}, {transform_indices = #map2}]} {
    %mul3A = arith.constant 2 : i32
    %mul3A_0 = arith.muli %arg1, %mul3A : i32
    %add3A = arith.addi %mul3A_0, %arg0 : i32
    %mul3A_1 = arith.constant 625 : i32
    %mul3A_2 = arith.muli %arg1, %mul3A_1 : i32
    %mul3A_3 = arith.constant 10000 : i32
    %mul3A_4 = arith.muli %add3A, %mul3A_3 : i32
    %dma_start3A = arith.constant 0 : i32
    %dma_start3A_5 = tpu.memref_slice %arg17[%mul3A_2, %dma_start3A] : memref<10000x128xf32, #tpu.memory_space<vmem_shared>> -> memref<625x128xf32, #tpu.memory_space<vmem_shared>>
    %dma_start3A_6 = arith.constant 0 : i32
    %dma_start3A_7 = tpu.memref_slice %arg4[%mul3A_2, %dma_start3A_6] : memref<10000x128xf32, #tpu.memory_space<hbm>> -> memref<625x128xf32, #tpu.memory_space<hbm>>
    tpu.enqueue_dma source(%dma_start3A_7 : memref<625x128xf32, #tpu.memory_space<hbm>>) target(%dma_start3A_5 : memref<625x128xf32, #tpu.memory_space<vmem_shared>>) target_semaphore(%arg20 : memref<!tpu.dma_semaphore, #tpu.memory_space<semaphore_mem>>)
    tpu.enqueue_dma source(%arg5 : memref<10000xf32, #tpu.memory_space<hbm>>) target(%arg16 : memref<10000xf32, #tpu.memory_space<vmem>>) target_semaphore(%arg20 : memref<!tpu.dma_semaphore, #tpu.memory_space<semaphore_mem>>)
    %dma_start3A_8 = arith.constant 0 : i32
    %dma_start3A_9 = arith.constant 0 : i32
    %dma_start3A_10 = tpu.memref_slice %arg2[%dma_start3A_8, %dma_start3A_9] : memref<2x320000xi32, #tpu.memory_space<hbm>> -> memref<1x320000xi32, #tpu.memory_space<hbm>>
    %dma_start3A_11 = tpu.memref_squeeze %dma_start3A_10 : memref<1x320000xi32, #tpu.memory_space<hbm>> -> memref<320000xi32, #tpu.memory_space<hbm>>
    %dma_start3A_12 = tpu.memref_slice %dma_start3A_11[%mul3A_4] : memref<320000xi32, #tpu.memory_space<hbm>> -> memref<1664xi32, #tpu.memory_space<hbm>>
    %dma_start3A_13 = arith.constant 0 : i32
    %dma_start3A_14 = tpu.memref_slice %arg2[%dma_start3A_8, %dma_start3A_13] : memref<2x320000xi32, #tpu.memory_space<hbm>> -> memref<1x320000xi32, #tpu.memory_space<hbm>>
    %dma_start3A_15 = tpu.memref_squeeze %dma_start3A_14 : memref<1x320000xi32, #tpu.memory_space<hbm>> -> memref<320000xi32, #tpu.memory_space<hbm>>
    %dma_start3A_16 = tpu.memref_slice %dma_start3A_15[%mul3A_4] : memref<320000xi32, #tpu.memory_space<hbm>> -> memref<1664xi32, #tpu.memory_space<hbm>>
    tpu.enqueue_dma source(%dma_start3A_16 : memref<1664xi32, #tpu.memory_space<hbm>>) target(%arg8 : memref<1664xi32, #tpu.memory_space<vmem>>) target_semaphore(%arg20 : memref<!tpu.dma_semaphore, #tpu.memory_space<semaphore_mem>>)
    %dma_start3A_17 = arith.constant 1 : i32
    %dma_start3A_18 = arith.constant 0 : i32
    %dma_start3A_19 = tpu.memref_slice %arg2[%dma_start3A_17, %dma_start3A_18] : memref<2x320000xi32, #tpu.memory_space<hbm>> -> memref<1x320000xi32, #tpu.memory_space<hbm>>
    %dma_start3A_20 = tpu.memref_squeeze %dma_start3A_19 : memref<1x320000xi32, #tpu.memory_space<hbm>> -> memref<320000xi32, #tpu.memory_space<hbm>>
    %dma_start3A_21 = tpu.memref_slice %dma_start3A_20[%mul3A_4] : memref<320000xi32, #tpu.memory_space<hbm>> -> memref<1664xi32, #tpu.memory_space<hbm>>
    %dma_start3A_22 = arith.constant 0 : i32
    %dma_start3A_23 = tpu.memref_slice %arg2[%dma_start3A_17, %dma_start3A_22] : memref<2x320000xi32, #tpu.memory_space<hbm>> -> memref<1x320000xi32, #tpu.memory_space<hbm>>
    %dma_start3A_24 = tpu.memref_squeeze %dma_start3A_23 : memref<1x320000xi32, #tpu.memory_space<hbm>> -> memref<320000xi32, #tpu.memory_space<hbm>>
    %dma_start3A_25 = tpu.memref_slice %dma_start3A_24[%mul3A_4] : memref<320000xi32, #tpu.memory_space<hbm>> -> memref<1664xi32, #tpu.memory_space<hbm>>
    tpu.enqueue_dma source(%dma_start3A_25 : memref<1664xi32, #tpu.memory_space<hbm>>) target(%arg10 : memref<1664xi32, #tpu.memory_space<vmem>>) target_semaphore(%arg20 : memref<!tpu.dma_semaphore, #tpu.memory_space<semaphore_mem>>)
    %add3A_26 = arith.constant 9984 : i32
    %add3A_27 = arith.addi %mul3A_4, %add3A_26 : i32
    %dma_start3A_28 = arith.constant 0 : i32
    %dma_start3A_29 = arith.constant 0 : i32
    %dma_start3A_30 = tpu.memref_slice %arg2[%dma_start3A_28, %dma_start3A_29] : memref<2x320000xi32, #tpu.memory_space<hbm>> -> memref<1x320000xi32, #tpu.memory_space<hbm>>
    %dma_start3A_31 = tpu.memref_squeeze %dma_start3A_30 : memref<1x320000xi32, #tpu.memory_space<hbm>> -> memref<320000xi32, #tpu.memory_space<hbm>>
    %dma_start3A_32 = tpu.memref_slice %dma_start3A_31[%add3A_27] : memref<320000xi32, #tpu.memory_space<hbm>> -> memref<16xi32, #tpu.memory_space<hbm>>
    %dma_start3A_33 = arith.constant 0 : i32
    %dma_start3A_34 = tpu.memref_slice %arg2[%dma_start3A_28, %dma_start3A_33] : memref<2x320000xi32, #tpu.memory_space<hbm>> -> memref<1x320000xi32, #tpu.memory_space<hbm>>
    %dma_start3A_35 = tpu.memref_squeeze %dma_start3A_34 : memref<1x320000xi32, #tpu.memory_space<hbm>> -> memref<320000xi32, #tpu.memory_space<hbm>>
    %dma_start3A_36 = tpu.memref_slice %dma_start3A_35[%add3A_27] : memref<320000xi32, #tpu.memory_space<hbm>> -> memref<16xi32, #tpu.memory_space<hbm>>
    tpu.enqueue_dma source(%dma_start3A_36 : memref<16xi32, #tpu.memory_space<hbm>>) target(%arg12 : memref<16xi32, #tpu.memory_space<vmem>>) target_semaphore(%arg20 : memref<!tpu.dma_semaphore, #tpu.memory_space<semaphore_mem>>)
    %add3A_37 = arith.constant 9984 : i32
    %add3A_38 = arith.addi %mul3A_4, %add3A_37 : i32
    %dma_start3A_39 = arith.constant 1 : i32
    %dma_start3A_40 = arith.constant 0 : i32
    %dma_start3A_41 = tpu.memref_slice %arg2[%dma_start3A_39, %dma_start3A_40] : memref<2x320000xi32, #tpu.memory_space<hbm>> -> memref<1x320000xi32, #tpu.memory_space<hbm>>
    %dma_start3A_42 = tpu.memref_squeeze %dma_start3A_41 : memref<1x320000xi32, #tpu.memory_space<hbm>> -> memref<320000xi32, #tpu.memory_space<hbm>>
    %dma_start3A_43 = tpu.memref_slice %dma_start3A_42[%add3A_38] : memref<320000xi32, #tpu.memory_space<hbm>> -> memref<16xi32, #tpu.memory_space<hbm>>
    %dma_start3A_44 = arith.constant 0 : i32
    %dma_start3A_45 = tpu.memref_slice %arg2[%dma_start3A_39, %dma_start3A_44] : memref<2x320000xi32, #tpu.memory_space<hbm>> -> memref<1x320000xi32, #tpu.memory_space<hbm>>
    %dma_start3A_46 = tpu.memref_squeeze %dma_start3A_45 : memref<1x320000xi32, #tpu.memory_space<hbm>> -> memref<320000xi32, #tpu.memory_space<hbm>>
    %dma_start3A_47 = tpu.memref_slice %dma_start3A_46[%add3A_38] : memref<320000xi32, #tpu.memory_space<hbm>> -> memref<16xi32, #tpu.memory_space<hbm>>
    tpu.enqueue_dma source(%dma_start3A_47 : memref<16xi32, #tpu.memory_space<hbm>>) target(%arg13 : memref<16xi32, #tpu.memory_space<vmem>>) target_semaphore(%arg20 : memref<!tpu.dma_semaphore, #tpu.memory_space<semaphore_mem>>)
    %dma_wait3A = arith.constant 0 : i32
    %dma_wait3A_48 = tpu.memref_slice %arg17[%mul3A_2, %dma_wait3A] : memref<10000x128xf32, #tpu.memory_space<vmem_shared>> -> memref<625x128xf32, #tpu.memory_space<vmem_shared>>
    %dma_wait3A_49 = arith.constant 0 : i32
    %dma_wait3A_50 = tpu.memref_slice %arg4[%mul3A_2, %dma_wait3A_49] : memref<10000x128xf32, #tpu.memory_space<hbm>> -> memref<625x128xf32, #tpu.memory_space<hbm>>
    tpu.wait_dma2 semaphore(%arg20 : memref<!tpu.dma_semaphore, #tpu.memory_space<semaphore_mem>>) src(%dma_wait3A_50 : memref<625x128xf32, #tpu.memory_space<hbm>>) dst(%dma_wait3A_48 : memref<625x128xf32, #tpu.memory_space<vmem_shared>>)
    tpu.wait_dma2 semaphore(%arg20 : memref<!tpu.dma_semaphore, #tpu.memory_space<semaphore_mem>>) src(%arg5 : memref<10000xf32, #tpu.memory_space<hbm>>) dst(%arg16 : memref<10000xf32, #tpu.memory_space<vmem>>)
    %dma_wait3A_51 = arith.constant 0 : i32
    %dma_wait3A_52 = arith.constant 0 : i32
    %dma_wait3A_53 = tpu.memref_slice %arg2[%dma_wait3A_51, %dma_wait3A_52] : memref<2x320000xi32, #tpu.memory_space<hbm>> -> memref<1x320000xi32, #tpu.memory_space<hbm>>
    %dma_wait3A_54 = tpu.memref_squeeze %dma_wait3A_53 : memref<1x320000xi32, #tpu.memory_space<hbm>> -> memref<320000xi32, #tpu.memory_space<hbm>>
    %dma_wait3A_55 = tpu.memref_slice %dma_wait3A_54[%mul3A_4] : memref<320000xi32, #tpu.memory_space<hbm>> -> memref<1664xi32, #tpu.memory_space<hbm>>
    %dma_wait3A_56 = arith.constant 0 : i32
    %dma_wait3A_57 = tpu.memref_slice %arg2[%dma_wait3A_51, %dma_wait3A_56] : memref<2x320000xi32, #tpu.memory_space<hbm>> -> memref<1x320000xi32, #tpu.memory_space<hbm>>
    %dma_wait3A_58 = tpu.memref_squeeze %dma_wait3A_57 : memref<1x320000xi32, #tpu.memory_space<hbm>> -> memref<320000xi32, #tpu.memory_space<hbm>>
    %dma_wait3A_59 = tpu.memref_slice %dma_wait3A_58[%mul3A_4] : memref<320000xi32, #tpu.memory_space<hbm>> -> memref<1664xi32, #tpu.memory_space<hbm>>
    tpu.wait_dma2 semaphore(%arg20 : memref<!tpu.dma_semaphore, #tpu.memory_space<semaphore_mem>>) src(%dma_wait3A_59 : memref<1664xi32, #tpu.memory_space<hbm>>) dst(%arg8 : memref<1664xi32, #tpu.memory_space<vmem>>)
    %dma_wait3A_60 = arith.constant 1 : i32
    %dma_wait3A_61 = arith.constant 0 : i32
    %dma_wait3A_62 = tpu.memref_slice %arg2[%dma_wait3A_60, %dma_wait3A_61] : memref<2x320000xi32, #tpu.memory_space<hbm>> -> memref<1x320000xi32, #tpu.memory_space<hbm>>
    %dma_wait3A_63 = tpu.memref_squeeze %dma_wait3A_62 : memref<1x320000xi32, #tpu.memory_space<hbm>> -> memref<320000xi32, #tpu.memory_space<hbm>>
    %dma_wait3A_64 = tpu.memref_slice %dma_wait3A_63[%mul3A_4] : memref<320000xi32, #tpu.memory_space<hbm>> -> memref<1664xi32, #tpu.memory_space<hbm>>
    %dma_wait3A_65 = arith.constant 0 : i32
    %dma_wait3A_66 = tpu.memref_slice %arg2[%dma_wait3A_60, %dma_wait3A_65] : memref<2x320000xi32, #tpu.memory_space<hbm>> -> memref<1x320000xi32, #tpu.memory_space<hbm>>
    %dma_wait3A_67 = tpu.memref_squeeze %dma_wait3A_66 : memref<1x320000xi32, #tpu.memory_space<hbm>> -> memref<320000xi32, #tpu.memory_space<hbm>>
    %dma_wait3A_68 = tpu.memref_slice %dma_wait3A_67[%mul3A_4] : memref<320000xi32, #tpu.memory_space<hbm>> -> memref<1664xi32, #tpu.memory_space<hbm>>
    tpu.wait_dma2 semaphore(%arg20 : memref<!tpu.dma_semaphore, #tpu.memory_space<semaphore_mem>>) src(%dma_wait3A_68 : memref<1664xi32, #tpu.memory_space<hbm>>) dst(%arg10 : memref<1664xi32, #tpu.memory_space<vmem>>)
    %dma_wait3A_69 = arith.constant 0 : i32
    %dma_wait3A_70 = arith.constant 0 : i32
    %dma_wait3A_71 = tpu.memref_slice %arg2[%dma_wait3A_69, %dma_wait3A_70] : memref<2x320000xi32, #tpu.memory_space<hbm>> -> memref<1x320000xi32, #tpu.memory_space<hbm>>
    %dma_wait3A_72 = tpu.memref_squeeze %dma_wait3A_71 : memref<1x320000xi32, #tpu.memory_space<hbm>> -> memref<320000xi32, #tpu.memory_space<hbm>>
    %dma_wait3A_73 = tpu.memref_slice %dma_wait3A_72[%add3A_27] : memref<320000xi32, #tpu.memory_space<hbm>> -> memref<16xi32, #tpu.memory_space<hbm>>
    %dma_wait3A_74 = arith.constant 0 : i32
    %dma_wait3A_75 = tpu.memref_slice %arg2[%dma_wait3A_69, %dma_wait3A_74] : memref<2x320000xi32, #tpu.memory_space<hbm>> -> memref<1x320000xi32, #tpu.memory_space<hbm>>
    %dma_wait3A_76 = tpu.memref_squeeze %dma_wait3A_75 : memref<1x320000xi32, #tpu.memory_space<hbm>> -> memref<320000xi32, #tpu.memory_space<hbm>>
    %dma_wait3A_77 = tpu.memref_slice %dma_wait3A_76[%add3A_27] : memref<320000xi32, #tpu.memory_space<hbm>> -> memref<16xi32, #tpu.memory_space<hbm>>
    tpu.wait_dma2 semaphore(%arg20 : memref<!tpu.dma_semaphore, #tpu.memory_space<semaphore_mem>>) src(%dma_wait3A_77 : memref<16xi32, #tpu.memory_space<hbm>>) dst(%arg12 : memref<16xi32, #tpu.memory_space<vmem>>)
    %dma_wait3A_78 = arith.constant 1 : i32
    %dma_wait3A_79 = arith.constant 0 : i32
    %dma_wait3A_80 = tpu.memref_slice %arg2[%dma_wait3A_78, %dma_wait3A_79] : memref<2x320000xi32, #tpu.memory_space<hbm>> -> memref<1x320000xi32, #tpu.memory_space<hbm>>
    %dma_wait3A_81 = tpu.memref_squeeze %dma_wait3A_80 : memref<1x320000xi32, #tpu.memory_space<hbm>> -> memref<320000xi32, #tpu.memory_space<hbm>>
    %dma_wait3A_82 = tpu.memref_slice %dma_wait3A_81[%add3A_38] : memref<320000xi32, #tpu.memory_space<hbm>> -> memref<16xi32, #tpu.memory_space<hbm>>
    %dma_wait3A_83 = arith.constant 0 : i32
    %dma_wait3A_84 = tpu.memref_slice %arg2[%dma_wait3A_78, %dma_wait3A_83] : memref<2x320000xi32, #tpu.memory_space<hbm>> -> memref<1x320000xi32, #tpu.memory_space<hbm>>
    %dma_wait3A_85 = tpu.memref_squeeze %dma_wait3A_84 : memref<1x320000xi32, #tpu.memory_space<hbm>> -> memref<320000xi32, #tpu.memory_space<hbm>>
    %dma_wait3A_86 = tpu.memref_slice %dma_wait3A_85[%add3A_38] : memref<320000xi32, #tpu.memory_space<hbm>> -> memref<16xi32, #tpu.memory_space<hbm>>
    tpu.wait_dma2 semaphore(%arg20 : memref<!tpu.dma_semaphore, #tpu.memory_space<semaphore_mem>>) src(%dma_wait3A_86 : memref<16xi32, #tpu.memory_space<hbm>>) dst(%arg13 : memref<16xi32, #tpu.memory_space<vmem>>)
    %barrier3A = arith.constant 0 : index
    tpu.barrier barrier_id(%barrier3A)
    %broadcast_in_dim3A = arith.constant 1.000000e+00 : f32
    %broadcast_in_dim3A_87 = vector.broadcast %broadcast_in_dim3A : f32 to vector<16xf32>
    %dma_start3A_88 = arith.constant 0 : i32
    %dma_start3A_89 = tpu.memref_slice %arg8[%dma_start3A_88] : memref<1664xi32, #tpu.memory_space<vmem>> -> memref<128xi32, #tpu.memory_space<vmem>>
    %dma_start3A_90 = arith.constant 0 : i32
    %dma_start3A_91 = arith.constant 0 : i32
    %dma_start3A_92 = tpu.memref_slice %arg3[%dma_start3A_90, %dma_start3A_91] : memref<10000x128xf32, #tpu.memory_space<hbm>> -> memref<10000x128xf32, #tpu.memory_space<hbm>>
    tpu.enqueue_indirect_dma source(%dma_start3A_92 : memref<10000x128xf32, #tpu.memory_space<hbm>>) target(%arg14 : memref<128x128xf32, #tpu.memory_space<vmem>>) offsets(%dma_start3A_89 : memref<128xi32, #tpu.memory_space<vmem>>) semaphore(%arg18 : memref<!tpu.dma_semaphore, #tpu.memory_space<semaphore_mem>>)
    %add3A_93 = arith.constant 1664 : i32
    %add3A_94 = arith.addi %mul3A_4, %add3A_93 : i32
    %dma_start3A_95 = arith.constant 0 : i32
    %dma_start3A_96 = arith.constant 0 : i32
    %dma_start3A_97 = tpu.memref_slice %arg2[%dma_start3A_95, %dma_start3A_96] : memref<2x320000xi32, #tpu.memory_space<hbm>> -> memref<1x320000xi32, #tpu.memory_space<hbm>>
    %dma_start3A_98 = tpu.memref_squeeze %dma_start3A_97 : memref<1x320000xi32, #tpu.memory_space<hbm>> -> memref<320000xi32, #tpu.memory_space<hbm>>
    %dma_start3A_99 = tpu.memref_slice %dma_start3A_98[%add3A_94] : memref<320000xi32, #tpu.memory_space<hbm>> -> memref<1664xi32, #tpu.memory_space<hbm>>
    %dma_start3A_100 = arith.constant 0 : i32
    %dma_start3A_101 = tpu.memref_slice %arg2[%dma_start3A_95, %dma_start3A_100] : memref<2x320000xi32, #tpu.memory_space<hbm>> -> memref<1x320000xi32, #tpu.memory_space<hbm>>
    %dma_start3A_102 = tpu.memref_squeeze %dma_start3A_101 : memref<1x320000xi32, #tpu.memory_space<hbm>> -> memref<320000xi32, #tpu.memory_space<hbm>>
    %dma_start3A_103 = tpu.memref_slice %dma_start3A_102[%add3A_94] : memref<320000xi32, #tpu.memory_space<hbm>> -> memref<1664xi32, #tpu.memory_space<hbm>>
    tpu.enqueue_dma source(%dma_start3A_103 : memref<1664xi32, #tpu.memory_space<hbm>>) target(%arg9 : memref<1664xi32, #tpu.memory_space<vmem>>) target_semaphore(%arg20 : memref<!tpu.dma_semaphore, #tpu.memory_space<semaphore_mem>>)
    %dma_start3A_104 = arith.constant 1 : i32
    %dma_start3A_105 = arith.constant 0 : i32
    %dma_start3A_106 = tpu.memref_slice %arg2[%dma_start3A_104, %dma_start3A_105] : memref<2x320000xi32, #tpu.memory_space<hbm>> -> memref<1x320000xi32, #tpu.memory_space<hbm>>
    %dma_start3A_107 = tpu.memref_squeeze %dma_start3A_106 : memref<1x320000xi32, #tpu.memory_space<hbm>> -> memref<320000xi32, #tpu.memory_space<hbm>>
    %dma_start3A_108 = tpu.memref_slice %dma_start3A_107[%add3A_94] : memref<320000xi32, #tpu.memory_space<hbm>> -> memref<1664xi32, #tpu.memory_space<hbm>>
    %dma_start3A_109 = arith.constant 0 : i32
    %dma_start3A_110 = tpu.memref_slice %arg2[%dma_start3A_104, %dma_start3A_109] : memref<2x320000xi32, #tpu.memory_space<hbm>> -> memref<1x320000xi32, #tpu.memory_space<hbm>>
    %dma_start3A_111 = tpu.memref_squeeze %dma_start3A_110 : memref<1x320000xi32, #tpu.memory_space<hbm>> -> memref<320000xi32, #tpu.memory_space<hbm>>
    %dma_start3A_112 = tpu.memref_slice %dma_start3A_111[%add3A_94] : memref<320000xi32, #tpu.memory_space<hbm>> -> memref<1664xi32, #tpu.memory_space<hbm>>
    tpu.enqueue_dma source(%dma_start3A_112 : memref<1664xi32, #tpu.memory_space<hbm>>) target(%arg11 : memref<1664xi32, #tpu.memory_space<vmem>>) target_semaphore(%arg20 : memref<!tpu.dma_semaphore, #tpu.memory_space<semaphore_mem>>)
    %scan3A = arith.constant 0 : i32
    %scan3A_113 = arith.constant 0 : i32
    %scan3A_114 = arith.constant 6 : i32
    %scan3A_115 = arith.addi %scan3A_113, %scan3A_114 : i32
    %scan3A_116 = arith.constant 1 : i32
    scf.for %scan3A_547 = %scan3A_113 to %scan3A_115 step %scan3A_116  : i32 {
      %mul3A_548 = arith.constant 2 : i32
      %mul3A_549 = arith.muli %mul3A_548, %scan3A_547 : i32
      %add3A_550 = arith.constant 1 : i32
      %add3A_551 = arith.addi %mul3A_549, %add3A_550 : i32
      %mul3A_552 = arith.constant 128 : i32
      %mul3A_553 = arith.muli %add3A_551, %mul3A_552 : i32
      %dma_start3A_554 = tpu.memref_slice %arg8[%mul3A_553] : memref<1664xi32, #tpu.memory_space<vmem>> -> memref<128xi32, #tpu.memory_space<vmem>>
      %dma_start3A_555 = arith.constant 0 : i32
      %dma_start3A_556 = arith.constant 0 : i32
      %dma_start3A_557 = tpu.memref_slice %arg3[%dma_start3A_555, %dma_start3A_556] : memref<10000x128xf32, #tpu.memory_space<hbm>> -> memref<10000x128xf32, #tpu.memory_space<hbm>>
      tpu.enqueue_indirect_dma source(%dma_start3A_557 : memref<10000x128xf32, #tpu.memory_space<hbm>>) target(%arg15 : memref<128x128xf32, #tpu.memory_space<vmem>>) offsets(%dma_start3A_554 : memref<128xi32, #tpu.memory_space<vmem>>) semaphore(%arg19 : memref<!tpu.dma_semaphore, #tpu.memory_space<semaphore_mem>>)
      %mul3A_558 = arith.constant 128 : i32
      %mul3A_559 = arith.muli %mul3A_549, %mul3A_558 : i32
      %add3A_560 = arith.constant 0 : i32
      %add3A_561 = arith.addi %mul3A_559, %add3A_560 : i32
      %get3A_562 = arith.index_cast %add3A_561 : i32 to index
      %get3A_563 = tpu.vector_load %arg10[%get3A_562] {strides = array<i32>} : memref<1664xi32, #tpu.memory_space<vmem>>, vector<16xi32>,
      tpu.vector_store_idx %arg16[%get3A_563], %broadcast_in_dim3A_87 {add = true} : memref<10000xf32, #tpu.memory_space<vmem>>[vector<16xi32>], vector<16xf32>,
      %mul3A_564 = arith.constant 128 : i32
      %mul3A_565 = arith.muli %mul3A_549, %mul3A_564 : i32
      %add3A_566 = arith.constant 16 : i32
      %add3A_567 = arith.addi %mul3A_565, %add3A_566 : i32
      %get3A_568 = arith.index_cast %add3A_567 : i32 to index
      %get3A_569 = tpu.vector_load %arg10[%get3A_568] {strides = array<i32>} : memref<1664xi32, #tpu.memory_space<vmem>>, vector<16xi32>,
      tpu.vector_store_idx %arg16[%get3A_569], %broadcast_in_dim3A_87 {add = true} : memref<10000xf32, #tpu.memory_space<vmem>>[vector<16xi32>], vector<16xf32>,
      %mul3A_570 = arith.constant 128 : i32
      %mul3A_571 = arith.muli %mul3A_549, %mul3A_570 : i32
      %add3A_572 = arith.constant 32 : i32
      %add3A_573 = arith.addi %mul3A_571, %add3A_572 : i32
      %get3A_574 = arith.index_cast %add3A_573 : i32 to index
      %get3A_575 = tpu.vector_load %arg10[%get3A_574] {strides = array<i32>} : memref<1664xi32, #tpu.memory_space<vmem>>, vector<16xi32>,
      tpu.vector_store_idx %arg16[%get3A_575], %broadcast_in_dim3A_87 {add = true} : memref<10000xf32, #tpu.memory_space<vmem>>[vector<16xi32>], vector<16xf32>,
      %mul3A_576 = arith.constant 128 : i32
      %mul3A_577 = arith.muli %mul3A_549, %mul3A_576 : i32
      %add3A_578 = arith.constant 48 : i32
      %add3A_579 = arith.addi %mul3A_577, %add3A_578 : i32
      %get3A_580 = arith.index_cast %add3A_579 : i32 to index
      %get3A_581 = tpu.vector_load %arg10[%get3A_580] {strides = array<i32>} : memref<1664xi32, #tpu.memory_space<vmem>>, vector<16xi32>,
      tpu.vector_store_idx %arg16[%get3A_581], %broadcast_in_dim3A_87 {add = true} : memref<10000xf32, #tpu.memory_space<vmem>>[vector<16xi32>], vector<16xf32>,
      %mul3A_582 = arith.constant 128 : i32
      %mul3A_583 = arith.muli %mul3A_549, %mul3A_582 : i32
      %add3A_584 = arith.constant 64 : i32
      %add3A_585 = arith.addi %mul3A_583, %add3A_584 : i32
      %get3A_586 = arith.index_cast %add3A_585 : i32 to index
      %get3A_587 = tpu.vector_load %arg10[%get3A_586] {strides = array<i32>} : memref<1664xi32, #tpu.memory_space<vmem>>, vector<16xi32>,
      tpu.vector_store_idx %arg16[%get3A_587], %broadcast_in_dim3A_87 {add = true} : memref<10000xf32, #tpu.memory_space<vmem>>[vector<16xi32>], vector<16xf32>,
      %mul3A_588 = arith.constant 128 : i32
      %mul3A_589 = arith.muli %mul3A_549, %mul3A_588 : i32
      %add3A_590 = arith.constant 80 : i32
      %add3A_591 = arith.addi %mul3A_589, %add3A_590 : i32
      %get3A_592 = arith.index_cast %add3A_591 : i32 to index
      %get3A_593 = tpu.vector_load %arg10[%get3A_592] {strides = array<i32>} : memref<1664xi32, #tpu.memory_space<vmem>>, vector<16xi32>,
      tpu.vector_store_idx %arg16[%get3A_593], %broadcast_in_dim3A_87 {add = true} : memref<10000xf32, #tpu.memory_space<vmem>>[vector<16xi32>], vector<16xf32>,
      %mul3A_594 = arith.constant 128 : i32
      %mul3A_595 = arith.muli %mul3A_549, %mul3A_594 : i32
      %add3A_596 = arith.constant 96 : i32
      %add3A_597 = arith.addi %mul3A_595, %add3A_596 : i32
      %get3A_598 = arith.index_cast %add3A_597 : i32 to index
      %get3A_599 = tpu.vector_load %arg10[%get3A_598] {strides = array<i32>} : memref<1664xi32, #tpu.memory_space<vmem>>, vector<16xi32>,
      tpu.vector_store_idx %arg16[%get3A_599], %broadcast_in_dim3A_87 {add = true} : memref<10000xf32, #tpu.memory_space<vmem>>[vector<16xi32>], vector<16xf32>,
      %mul3A_600 = arith.constant 128 : i32
      %mul3A_601 = arith.muli %mul3A_549, %mul3A_600 : i32
      %add3A_602 = arith.constant 112 : i32
      %add3A_603 = arith.addi %mul3A_601, %add3A_602 : i32
      %get3A_604 = arith.index_cast %add3A_603 : i32 to index
      %get3A_605 = tpu.vector_load %arg10[%get3A_604] {strides = array<i32>} : memref<1664xi32, #tpu.memory_space<vmem>>, vector<16xi32>,
      tpu.vector_store_idx %arg16[%get3A_605], %broadcast_in_dim3A_87 {add = true} : memref<10000xf32, #tpu.memory_space<vmem>>[vector<16xi32>], vector<16xf32>,
      %dma_wait3A_606 = arith.constant 0 : i32
      %dma_wait3A_607 = tpu.memref_slice %arg8[%dma_wait3A_606] : memref<1664xi32, #tpu.memory_space<vmem>> -> memref<128xi32, #tpu.memory_space<vmem>>
      %dma_wait3A_608 = arith.constant 0 : i32
      %dma_wait3A_609 = arith.constant 0 : i32
      %dma_wait3A_610 = tpu.memref_slice %arg3[%dma_wait3A_608, %dma_wait3A_609] : memref<10000x128xf32, #tpu.memory_space<hbm>> -> memref<10000x128xf32, #tpu.memory_space<hbm>>
      tpu.wait_indirect_dma semaphore(%arg18 : memref<!tpu.dma_semaphore, #tpu.memory_space<semaphore_mem>>) src(%dma_wait3A_610 : memref<10000x128xf32, #tpu.memory_space<hbm>>) dst(%arg14 : memref<128x128xf32, #tpu.memory_space<vmem>>)
      %mul3A_611 = arith.constant 128 : i32
      %mul3A_612 = arith.muli %mul3A_549, %mul3A_611 : i32
      "tpu.region"() ({
        %run_scoped3A = tpu.sem_alloc : memref<!tpu.dma_semaphore, #tpu.memory_space<semaphore_mem>>
        %dma_start3A_680 = tpu.memref_slice %arg10[%mul3A_612] : memref<1664xi32, #tpu.memory_space<vmem>> -> memref<128xi32, #tpu.memory_space<vmem>>
        %dma_start3A_681 = arith.constant 0 : i32
        %dma_start3A_682 = arith.constant 0 : i32
        %dma_start3A_683 = tpu.memref_slice %arg17[%dma_start3A_681, %dma_start3A_682] : memref<10000x128xf32, #tpu.memory_space<vmem_shared>> -> memref<10000x128xf32, #tpu.memory_space<vmem_shared>>
        tpu.enqueue_indirect_dma source(%arg14 : memref<128x128xf32, #tpu.memory_space<vmem>>) target(%dma_start3A_683 : memref<10000x128xf32, #tpu.memory_space<vmem_shared>>) offsets(%dma_start3A_680 : memref<128xi32, #tpu.memory_space<vmem>>) semaphore(%run_scoped3A : memref<!tpu.dma_semaphore, #tpu.memory_space<semaphore_mem>>) {add = true}
        %dma_wait3A_684 = tpu.memref_slice %arg10[%mul3A_612] : memref<1664xi32, #tpu.memory_space<vmem>> -> memref<128xi32, #tpu.memory_space<vmem>>
        %dma_wait3A_685 = arith.constant 0 : i32
        %dma_wait3A_686 = arith.constant 0 : i32
        %dma_wait3A_687 = tpu.memref_slice %arg17[%dma_wait3A_685, %dma_wait3A_686] : memref<10000x128xf32, #tpu.memory_space<vmem_shared>> -> memref<10000x128xf32, #tpu.memory_space<vmem_shared>>
        tpu.wait_indirect_dma semaphore(%run_scoped3A : memref<!tpu.dma_semaphore, #tpu.memory_space<semaphore_mem>>) src(%arg14 : memref<128x128xf32, #tpu.memory_space<vmem>>) dst(%dma_wait3A_687 : memref<10000x128xf32, #tpu.memory_space<vmem_shared>>)
        tpu.yield
      }) : () -> ()
      %add3A_613 = arith.constant 2 : i32
      %add3A_614 = arith.addi %mul3A_549, %add3A_613 : i32
      %mul3A_615 = arith.constant 128 : i32
      %mul3A_616 = arith.muli %add3A_614, %mul3A_615 : i32
      %dma_start3A_617 = tpu.memref_slice %arg8[%mul3A_616] : memref<1664xi32, #tpu.memory_space<vmem>> -> memref<128xi32, #tpu.memory_space<vmem>>
      %dma_start3A_618 = arith.constant 0 : i32
      %dma_start3A_619 = arith.constant 0 : i32
      %dma_start3A_620 = tpu.memref_slice %arg3[%dma_start3A_618, %dma_start3A_619] : memref<10000x128xf32, #tpu.memory_space<hbm>> -> memref<10000x128xf32, #tpu.memory_space<hbm>>
      tpu.enqueue_indirect_dma source(%dma_start3A_620 : memref<10000x128xf32, #tpu.memory_space<hbm>>) target(%arg14 : memref<128x128xf32, #tpu.memory_space<vmem>>) offsets(%dma_start3A_617 : memref<128xi32, #tpu.memory_space<vmem>>) semaphore(%arg18 : memref<!tpu.dma_semaphore, #tpu.memory_space<semaphore_mem>>)
      %add3A_621 = arith.constant 1 : i32
      %add3A_622 = arith.addi %mul3A_549, %add3A_621 : i32
      %mul3A_623 = arith.constant 128 : i32
      %mul3A_624 = arith.muli %add3A_622, %mul3A_623 : i32
      %add3A_625 = arith.constant 0 : i32
      %add3A_626 = arith.addi %mul3A_624, %add3A_625 : i32
      %get3A_627 = arith.index_cast %add3A_626 : i32 to index
      %get3A_628 = tpu.vector_load %arg10[%get3A_627] {strides = array<i32>} : memref<1664xi32, #tpu.memory_space<vmem>>, vector<16xi32>,
      tpu.vector_store_idx %arg16[%get3A_628], %broadcast_in_dim3A_87 {add = true} : memref<10000xf32, #tpu.memory_space<vmem>>[vector<16xi32>], vector<16xf32>,
      %mul3A_629 = arith.constant 128 : i32
      %mul3A_630 = arith.muli %add3A_622, %mul3A_629 : i32
      %add3A_631 = arith.constant 16 : i32
      %add3A_632 = arith.addi %mul3A_630, %add3A_631 : i32
      %get3A_633 = arith.index_cast %add3A_632 : i32 to index
      %get3A_634 = tpu.vector_load %arg10[%get3A_633] {strides = array<i32>} : memref<1664xi32, #tpu.memory_space<vmem>>, vector<16xi32>,
      tpu.vector_store_idx %arg16[%get3A_634], %broadcast_in_dim3A_87 {add = true} : memref<10000xf32, #tpu.memory_space<vmem>>[vector<16xi32>], vector<16xf32>,
      %mul3A_635 = arith.constant 128 : i32
      %mul3A_636 = arith.muli %add3A_622, %mul3A_635 : i32
      %add3A_637 = arith.constant 32 : i32
      %add3A_638 = arith.addi %mul3A_636, %add3A_637 : i32
      %get3A_639 = arith.index_cast %add3A_638 : i32 to index
      %get3A_640 = tpu.vector_load %arg10[%get3A_639] {strides = array<i32>} : memref<1664xi32, #tpu.memory_space<vmem>>, vector<16xi32>,
      tpu.vector_store_idx %arg16[%get3A_640], %broadcast_in_dim3A_87 {add = true} : memref<10000xf32, #tpu.memory_space<vmem>>[vector<16xi32>], vector<16xf32>,
      %mul3A_641 = arith.constant 128 : i32
      %mul3A_642 = arith.muli %add3A_622, %mul3A_641 : i32
      %add3A_643 = arith.constant 48 : i32
      %add3A_644 = arith.addi %mul3A_642, %add3A_643 : i32
      %get3A_645 = arith.index_cast %add3A_644 : i32 to index
      %get3A_646 = tpu.vector_load %arg10[%get3A_645] {strides = array<i32>} : memref<1664xi32, #tpu.memory_space<vmem>>, vector<16xi32>,
      tpu.vector_store_idx %arg16[%get3A_646], %broadcast_in_dim3A_87 {add = true} : memref<10000xf32, #tpu.memory_space<vmem>>[vector<16xi32>], vector<16xf32>,
      %mul3A_647 = arith.constant 128 : i32
      %mul3A_648 = arith.muli %add3A_622, %mul3A_647 : i32
      %add3A_649 = arith.constant 64 : i32
      %add3A_650 = arith.addi %mul3A_648, %add3A_649 : i32
      %get3A_651 = arith.index_cast %add3A_650 : i32 to index
      %get3A_652 = tpu.vector_load %arg10[%get3A_651] {strides = array<i32>} : memref<1664xi32, #tpu.memory_space<vmem>>, vector<16xi32>,
      tpu.vector_store_idx %arg16[%get3A_652], %broadcast_in_dim3A_87 {add = true} : memref<10000xf32, #tpu.memory_space<vmem>>[vector<16xi32>], vector<16xf32>,
      %mul3A_653 = arith.constant 128 : i32
      %mul3A_654 = arith.muli %add3A_622, %mul3A_653 : i32
      %add3A_655 = arith.constant 80 : i32
      %add3A_656 = arith.addi %mul3A_654, %add3A_655 : i32
      %get3A_657 = arith.index_cast %add3A_656 : i32 to index
      %get3A_658 = tpu.vector_load %arg10[%get3A_657] {strides = array<i32>} : memref<1664xi32, #tpu.memory_space<vmem>>, vector<16xi32>,
      tpu.vector_store_idx %arg16[%get3A_658], %broadcast_in_dim3A_87 {add = true} : memref<10000xf32, #tpu.memory_space<vmem>>[vector<16xi32>], vector<16xf32>,
      %mul3A_659 = arith.constant 128 : i32
      %mul3A_660 = arith.muli %add3A_622, %mul3A_659 : i32
      %add3A_661 = arith.constant 96 : i32
      %add3A_662 = arith.addi %mul3A_660, %add3A_661 : i32
      %get3A_663 = arith.index_cast %add3A_662 : i32 to index
      %get3A_664 = tpu.vector_load %arg10[%get3A_663] {strides = array<i32>} : memref<1664xi32, #tpu.memory_space<vmem>>, vector<16xi32>,
      tpu.vector_store_idx %arg16[%get3A_664], %broadcast_in_dim3A_87 {add = true} : memref<10000xf32, #tpu.memory_space<vmem>>[vector<16xi32>], vector<16xf32>,
      %mul3A_665 = arith.constant 128 : i32
      %mul3A_666 = arith.muli %add3A_622, %mul3A_665 : i32
      %add3A_667 = arith.constant 112 : i32
      %add3A_668 = arith.addi %mul3A_666, %add3A_667 : i32
      %get3A_669 = arith.index_cast %add3A_668 : i32 to index
      %get3A_670 = tpu.vector_load %arg10[%get3A_669] {strides = array<i32>} : memref<1664xi32, #tpu.memory_space<vmem>>, vector<16xi32>,
      tpu.vector_store_idx %arg16[%get3A_670], %broadcast_in_dim3A_87 {add = true} : memref<10000xf32, #tpu.memory_space<vmem>>[vector<16xi32>], vector<16xf32>,
      %dma_wait3A_671 = arith.constant 0 : i32
      %dma_wait3A_672 = tpu.memref_slice %arg8[%dma_wait3A_671] : memref<1664xi32, #tpu.memory_space<vmem>> -> memref<128xi32, #tpu.memory_space<vmem>>
      %dma_wait3A_673 = arith.constant 0 : i32
      %dma_wait3A_674 = arith.constant 0 : i32
      %dma_wait3A_675 = tpu.memref_slice %arg3[%dma_wait3A_673, %dma_wait3A_674] : memref<10000x128xf32, #tpu.memory_space<hbm>> -> memref<10000x128xf32, #tpu.memory_space<hbm>>
      tpu.wait_indirect_dma semaphore(%arg19 : memref<!tpu.dma_semaphore, #tpu.memory_space<semaphore_mem>>) src(%dma_wait3A_675 : memref<10000x128xf32, #tpu.memory_space<hbm>>) dst(%arg15 : memref<128x128xf32, #tpu.memory_space<vmem>>)
      %add3A_676 = arith.constant 1 : i32
      %add3A_677 = arith.addi %mul3A_549, %add3A_676 : i32
      %mul3A_678 = arith.constant 128 : i32
      %mul3A_679 = arith.muli %add3A_677, %mul3A_678 : i32
      "tpu.region"() ({
        %run_scoped3A = tpu.sem_alloc : memref<!tpu.dma_semaphore, #tpu.memory_space<semaphore_mem>>
        %dma_start3A_680 = tpu.memref_slice %arg10[%mul3A_679] : memref<1664xi32, #tpu.memory_space<vmem>> -> memref<128xi32, #tpu.memory_space<vmem>>
        %dma_start3A_681 = arith.constant 0 : i32
        %dma_start3A_682 = arith.constant 0 : i32
        %dma_start3A_683 = tpu.memref_slice %arg17[%dma_start3A_681, %dma_start3A_682] : memref<10000x128xf32, #tpu.memory_space<vmem_shared>> -> memref<10000x128xf32, #tpu.memory_space<vmem_shared>>
        tpu.enqueue_indirect_dma source(%arg15 : memref<128x128xf32, #tpu.memory_space<vmem>>) target(%dma_start3A_683 : memref<10000x128xf32, #tpu.memory_space<vmem_shared>>) offsets(%dma_start3A_680 : memref<128xi32, #tpu.memory_space<vmem>>) semaphore(%run_scoped3A : memref<!tpu.dma_semaphore, #tpu.memory_space<semaphore_mem>>) {add = true}
        %dma_wait3A_684 = tpu.memref_slice %arg10[%mul3A_679] : memref<1664xi32, #tpu.memory_space<vmem>> -> memref<128xi32, #tpu.memory_space<vmem>>
        %dma_wait3A_685 = arith.constant 0 : i32
        %dma_wait3A_686 = arith.constant 0 : i32
        %dma_wait3A_687 = tpu.memref_slice %arg17[%dma_wait3A_685, %dma_wait3A_686] : memref<10000x128xf32, #tpu.memory_space<vmem_shared>> -> memref<10000x128xf32, #tpu.memory_space<vmem_shared>>
        tpu.wait_indirect_dma semaphore(%run_scoped3A : memref<!tpu.dma_semaphore, #tpu.memory_space<semaphore_mem>>) src(%arg15 : memref<128x128xf32, #tpu.memory_space<vmem>>) dst(%dma_wait3A_687 : memref<10000x128xf32, #tpu.memory_space<vmem_shared>>)
        tpu.yield
      }) : () -> ()
    }
    %scan3A_117 = arith.constant 6 : i32
    %dma_wait3A_118 = arith.constant 0 : i32
    %dma_wait3A_119 = arith.constant 0 : i32
    %dma_wait3A_120 = tpu.memref_slice %arg2[%dma_wait3A_118, %dma_wait3A_119] : memref<2x320000xi32, #tpu.memory_space<hbm>> -> memref<1x320000xi32, #tpu.memory_space<hbm>>
    %dma_wait3A_121 = tpu.memref_squeeze %dma_wait3A_120 : memref<1x320000xi32, #tpu.memory_space<hbm>> -> memref<320000xi32, #tpu.memory_space<hbm>>
    %dma_wait3A_122 = arith.constant 0 : i32
    %dma_wait3A_123 = tpu.memref_slice %dma_wait3A_121[%dma_wait3A_122] : memref<320000xi32, #tpu.memory_space<hbm>> -> memref<1664xi32, #tpu.memory_space<hbm>>
    %dma_wait3A_124 = arith.constant 0 : i32
    %dma_wait3A_125 = tpu.memref_slice %arg2[%dma_wait3A_118, %dma_wait3A_124] : memref<2x320000xi32, #tpu.memory_space<hbm>> -> memref<1x320000xi32, #tpu.memory_space<hbm>>
    %dma_wait3A_126 = tpu.memref_squeeze %dma_wait3A_125 : memref<1x320000xi32, #tpu.memory_space<hbm>> -> memref<320000xi32, #tpu.memory_space<hbm>>
    %dma_wait3A_127 = arith.constant 0 : i32
    %dma_wait3A_128 = tpu.memref_slice %dma_wait3A_126[%dma_wait3A_127] : memref<320000xi32, #tpu.memory_space<hbm>> -> memref<1664xi32, #tpu.memory_space<hbm>>
    tpu.wait_dma2 semaphore(%arg20 : memref<!tpu.dma_semaphore, #tpu.memory_space<semaphore_mem>>) src(%dma_wait3A_128 : memref<1664xi32, #tpu.memory_space<hbm>>) dst(%arg9 : memref<1664xi32, #tpu.memory_space<vmem>>)
    %dma_wait3A_129 = arith.constant 1 : i32
    %dma_wait3A_130 = arith.constant 0 : i32
    %dma_wait3A_131 = tpu.memref_slice %arg2[%dma_wait3A_129, %dma_wait3A_130] : memref<2x320000xi32, #tpu.memory_space<hbm>> -> memref<1x320000xi32, #tpu.memory_space<hbm>>
    %dma_wait3A_132 = tpu.memref_squeeze %dma_wait3A_131 : memref<1x320000xi32, #tpu.memory_space<hbm>> -> memref<320000xi32, #tpu.memory_space<hbm>>
    %dma_wait3A_133 = arith.constant 0 : i32
    %dma_wait3A_134 = tpu.memref_slice %dma_wait3A_132[%dma_wait3A_133] : memref<320000xi32, #tpu.memory_space<hbm>> -> memref<1664xi32, #tpu.memory_space<hbm>>
    %dma_wait3A_135 = arith.constant 0 : i32
    %dma_wait3A_136 = tpu.memref_slice %arg2[%dma_wait3A_129, %dma_wait3A_135] : memref<2x320000xi32, #tpu.memory_space<hbm>> -> memref<1x320000xi32, #tpu.memory_space<hbm>>
    %dma_wait3A_137 = tpu.memref_squeeze %dma_wait3A_136 : memref<1x320000xi32, #tpu.memory_space<hbm>> -> memref<320000xi32, #tpu.memory_space<hbm>>
    %dma_wait3A_138 = arith.constant 0 : i32
    %dma_wait3A_139 = tpu.memref_slice %dma_wait3A_137[%dma_wait3A_138] : memref<320000xi32, #tpu.memory_space<hbm>> -> memref<1664xi32, #tpu.memory_space<hbm>>
    tpu.wait_dma2 semaphore(%arg20 : memref<!tpu.dma_semaphore, #tpu.memory_space<semaphore_mem>>) src(%dma_wait3A_139 : memref<1664xi32, #tpu.memory_space<hbm>>) dst(%arg11 : memref<1664xi32, #tpu.memory_space<vmem>>)
    %dma_start3A_140 = arith.constant 0 : i32
    %dma_start3A_141 = tpu.memref_slice %arg9[%dma_start3A_140] : memref<1664xi32, #tpu.memory_space<vmem>> -> memref<128xi32, #tpu.memory_space<vmem>>
    %dma_start3A_142 = arith.constant 0 : i32
    %dma_start3A_143 = arith.constant 0 : i32
    %dma_start3A_144 = tpu.memref_slice %arg3[%dma_start3A_142, %dma_start3A_143] : memref<10000x128xf32, #tpu.memory_space<hbm>> -> memref<10000x128xf32, #tpu.memory_space<hbm>>
    tpu.enqueue_indirect_dma source(%dma_start3A_144 : memref<10000x128xf32, #tpu.memory_space<hbm>>) target(%arg15 : memref<128x128xf32, #tpu.memory_space<vmem>>) offsets(%dma_start3A_141 : memref<128xi32, #tpu.memory_space<vmem>>) semaphore(%arg19 : memref<!tpu.dma_semaphore, #tpu.memory_space<semaphore_mem>>)
    %get3A = arith.constant 1536 : index
    %get3A_145 = tpu.vector_load %arg10[%get3A] {strides = array<i32>} : memref<1664xi32, #tpu.memory_space<vmem>>, vector<16xi32>,
    tpu.vector_store_idx %arg16[%get3A_145], %broadcast_in_dim3A_87 {add = true} : memref<10000xf32, #tpu.memory_space<vmem>>[vector<16xi32>], vector<16xf32>,
    %get3A_146 = arith.constant 1552 : index
    %get3A_147 = tpu.vector_load %arg10[%get3A_146] {strides = array<i32>} : memref<1664xi32, #tpu.memory_space<vmem>>, vector<16xi32>,
    tpu.vector_store_idx %arg16[%get3A_147], %broadcast_in_dim3A_87 {add = true} : memref<10000xf32, #tpu.memory_space<vmem>>[vector<16xi32>], vector<16xf32>,
    %get3A_148 = arith.constant 1568 : index
    %get3A_149 = tpu.vector_load %arg10[%get3A_148] {strides = array<i32>} : memref<1664xi32, #tpu.memory_space<vmem>>, vector<16xi32>,
    tpu.vector_store_idx %arg16[%get3A_149], %broadcast_in_dim3A_87 {add = true} : memref<10000xf32, #tpu.memory_space<vmem>>[vector<16xi32>], vector<16xf32>,
    %get3A_150 = arith.constant 1584 : index
    %get3A_151 = tpu.vector_load %arg10[%get3A_150] {strides = array<i32>} : memref<1664xi32, #tpu.memory_space<vmem>>, vector<16xi32>,
    tpu.vector_store_idx %arg16[%get3A_151], %broadcast_in_dim3A_87 {add = true} : memref<10000xf32, #tpu.memory_space<vmem>>[vector<16xi32>], vector<16xf32>,
    %get3A_152 = arith.constant 1600 : index
    %get3A_153 = tpu.vector_load %arg10[%get3A_152] {strides = array<i32>} : memref<1664xi32, #tpu.memory_space<vmem>>, vector<16xi32>,
    tpu.vector_store_idx %arg16[%get3A_153], %broadcast_in_dim3A_87 {add = true} : memref<10000xf32, #tpu.memory_space<vmem>>[vector<16xi32>], vector<16xf32>,
    %get3A_154 = arith.constant 1616 : index
    %get3A_155 = tpu.vector_load %arg10[%get3A_154] {strides = array<i32>} : memref<1664xi32, #tpu.memory_space<vmem>>, vector<16xi32>,
    tpu.vector_store_idx %arg16[%get3A_155], %broadcast_in_dim3A_87 {add = true} : memref<10000xf32, #tpu.memory_space<vmem>>[vector<16xi32>], vector<16xf32>,
    %get3A_156 = arith.constant 1632 : index
    %get3A_157 = tpu.vector_load %arg10[%get3A_156] {strides = array<i32>} : memref<1664xi32, #tpu.memory_space<vmem>>, vector<16xi32>,
    tpu.vector_store_idx %arg16[%get3A_157], %broadcast_in_dim3A_87 {add = true} : memref<10000xf32, #tpu.memory_space<vmem>>[vector<16xi32>], vector<16xf32>,
    %get3A_158 = arith.constant 1648 : index
    %get3A_159 = tpu.vector_load %arg10[%get3A_158] {strides = array<i32>} : memref<1664xi32, #tpu.memory_space<vmem>>, vector<16xi32>,
    tpu.vector_store_idx %arg16[%get3A_159], %broadcast_in_dim3A_87 {add = true} : memref<10000xf32, #tpu.memory_space<vmem>>[vector<16xi32>], vector<16xf32>,
    %dma_wait3A_160 = arith.constant 0 : i32
    %dma_wait3A_161 = tpu.memref_slice %arg8[%dma_wait3A_160] : memref<1664xi32, #tpu.memory_space<vmem>> -> memref<128xi32, #tpu.memory_space<vmem>>
    %dma_wait3A_162 = arith.constant 0 : i32
    %dma_wait3A_163 = arith.constant 0 : i32
    %dma_wait3A_164 = tpu.memref_slice %arg3[%dma_wait3A_162, %dma_wait3A_163] : memref<10000x128xf32, #tpu.memory_space<hbm>> -> memref<10000x128xf32, #tpu.memory_space<hbm>>
    tpu.wait_indirect_dma semaphore(%arg18 : memref<!tpu.dma_semaphore, #tpu.memory_space<semaphore_mem>>) src(%dma_wait3A_164 : memref<10000x128xf32, #tpu.memory_space<hbm>>) dst(%arg14 : memref<128x128xf32, #tpu.memory_space<vmem>>)
    "tpu.region"() ({
      %run_scoped3A = tpu.sem_alloc : memref<!tpu.dma_semaphore, #tpu.memory_space<semaphore_mem>>
      %dma_start3A_547 = arith.constant 1536 : i32
      %dma_start3A_548 = tpu.memref_slice %arg10[%dma_start3A_547] : memref<1664xi32, #tpu.memory_space<vmem>> -> memref<128xi32, #tpu.memory_space<vmem>>
      %dma_start3A_549 = arith.constant 0 : i32
      %dma_start3A_550 = arith.constant 0 : i32
      %dma_start3A_551 = tpu.memref_slice %arg17[%dma_start3A_549, %dma_start3A_550] : memref<10000x128xf32, #tpu.memory_space<vmem_shared>> -> memref<10000x128xf32, #tpu.memory_space<vmem_shared>>
      tpu.enqueue_indirect_dma source(%arg14 : memref<128x128xf32, #tpu.memory_space<vmem>>) target(%dma_start3A_551 : memref<10000x128xf32, #tpu.memory_space<vmem_shared>>) offsets(%dma_start3A_548 : memref<128xi32, #tpu.memory_space<vmem>>) semaphore(%run_scoped3A : memref<!tpu.dma_semaphore, #tpu.memory_space<semaphore_mem>>) {add = true}
      %dma_wait3A_552 = arith.constant 1536 : i32
      %dma_wait3A_553 = tpu.memref_slice %arg10[%dma_wait3A_552] : memref<1664xi32, #tpu.memory_space<vmem>> -> memref<128xi32, #tpu.memory_space<vmem>>
      %dma_wait3A_554 = arith.constant 0 : i32
      %dma_wait3A_555 = arith.constant 0 : i32
      %dma_wait3A_556 = tpu.memref_slice %arg17[%dma_wait3A_554, %dma_wait3A_555] : memref<10000x128xf32, #tpu.memory_space<vmem_shared>> -> memref<10000x128xf32, #tpu.memory_space<vmem_shared>>
      tpu.wait_indirect_dma semaphore(%run_scoped3A : memref<!tpu.dma_semaphore, #tpu.memory_space<semaphore_mem>>) src(%arg14 : memref<128x128xf32, #tpu.memory_space<vmem>>) dst(%dma_wait3A_556 : memref<10000x128xf32, #tpu.memory_space<vmem_shared>>)
      tpu.yield
    }) : () -> ()
    %add3A_165 = arith.constant 3328 : i32
    %add3A_166 = arith.addi %mul3A_4, %add3A_165 : i32
    %dma_start3A_167 = arith.constant 0 : i32
    %dma_start3A_168 = arith.constant 0 : i32
    %dma_start3A_169 = tpu.memref_slice %arg2[%dma_start3A_167, %dma_start3A_168] : memref<2x320000xi32, #tpu.memory_space<hbm>> -> memref<1x320000xi32, #tpu.memory_space<hbm>>
    %dma_start3A_170 = tpu.memref_squeeze %dma_start3A_169 : memref<1x320000xi32, #tpu.memory_space<hbm>> -> memref<320000xi32, #tpu.memory_space<hbm>>
    %dma_start3A_171 = tpu.memref_slice %dma_start3A_170[%add3A_166] : memref<320000xi32, #tpu.memory_space<hbm>> -> memref<1664xi32, #tpu.memory_space<hbm>>
    %dma_start3A_172 = arith.constant 0 : i32
    %dma_start3A_173 = tpu.memref_slice %arg2[%dma_start3A_167, %dma_start3A_172] : memref<2x320000xi32, #tpu.memory_space<hbm>> -> memref<1x320000xi32, #tpu.memory_space<hbm>>
    %dma_start3A_174 = tpu.memref_squeeze %dma_start3A_173 : memref<1x320000xi32, #tpu.memory_space<hbm>> -> memref<320000xi32, #tpu.memory_space<hbm>>
    %dma_start3A_175 = tpu.memref_slice %dma_start3A_174[%add3A_166] : memref<320000xi32, #tpu.memory_space<hbm>> -> memref<1664xi32, #tpu.memory_space<hbm>>
    tpu.enqueue_dma source(%dma_start3A_175 : memref<1664xi32, #tpu.memory_space<hbm>>) target(%arg8 : memref<1664xi32, #tpu.memory_space<vmem>>) target_semaphore(%arg20 : memref<!tpu.dma_semaphore, #tpu.memory_space<semaphore_mem>>)
    %dma_start3A_176 = arith.constant 1 : i32
    %dma_start3A_177 = arith.constant 0 : i32
    %dma_start3A_178 = tpu.memref_slice %arg2[%dma_start3A_176, %dma_start3A_177] : memref<2x320000xi32, #tpu.memory_space<hbm>> -> memref<1x320000xi32, #tpu.memory_space<hbm>>
    %dma_start3A_179 = tpu.memref_squeeze %dma_start3A_178 : memref<1x320000xi32, #tpu.memory_space<hbm>> -> memref<320000xi32, #tpu.memory_space<hbm>>
    %dma_start3A_180 = tpu.memref_slice %dma_start3A_179[%add3A_166] : memref<320000xi32, #tpu.memory_space<hbm>> -> memref<1664xi32, #tpu.memory_space<hbm>>
    %dma_start3A_181 = arith.constant 0 : i32
    %dma_start3A_182 = tpu.memref_slice %arg2[%dma_start3A_176, %dma_start3A_181] : memref<2x320000xi32, #tpu.memory_space<hbm>> -> memref<1x320000xi32, #tpu.memory_space<hbm>>
    %dma_start3A_183 = tpu.memref_squeeze %dma_start3A_182 : memref<1x320000xi32, #tpu.memory_space<hbm>> -> memref<320000xi32, #tpu.memory_space<hbm>>
    %dma_start3A_184 = tpu.memref_slice %dma_start3A_183[%add3A_166] : memref<320000xi32, #tpu.memory_space<hbm>> -> memref<1664xi32, #tpu.memory_space<hbm>>
    tpu.enqueue_dma source(%dma_start3A_184 : memref<1664xi32, #tpu.memory_space<hbm>>) target(%arg10 : memref<1664xi32, #tpu.memory_space<vmem>>) target_semaphore(%arg20 : memref<!tpu.dma_semaphore, #tpu.memory_space<semaphore_mem>>)
    %scan3A_185 = arith.constant 0 : i32
    %scan3A_186 = arith.constant 0 : i32
    %scan3A_187 = arith.constant 6 : i32
    %scan3A_188 = arith.addi %scan3A_186, %scan3A_187 : i32
    %scan3A_189 = arith.constant 1 : i32
    scf.for %scan3A_547 = %scan3A_186 to %scan3A_188 step %scan3A_189  : i32 {
      %mul3A_548 = arith.constant 2 : i32
      %mul3A_549 = arith.muli %mul3A_548, %scan3A_547 : i32
      %add3A_550 = arith.constant 1 : i32
      %add3A_551 = arith.addi %mul3A_549, %add3A_550 : i32
      %mul3A_552 = arith.constant 128 : i32
      %mul3A_553 = arith.muli %add3A_551, %mul3A_552 : i32
      %dma_start3A_554 = tpu.memref_slice %arg9[%mul3A_553] : memref<1664xi32, #tpu.memory_space<vmem>> -> memref<128xi32, #tpu.memory_space<vmem>>
      %dma_start3A_555 = arith.constant 0 : i32
      %dma_start3A_556 = arith.constant 0 : i32
      %dma_start3A_557 = tpu.memref_slice %arg3[%dma_start3A_555, %dma_start3A_556] : memref<10000x128xf32, #tpu.memory_space<hbm>> -> memref<10000x128xf32, #tpu.memory_space<hbm>>
      tpu.enqueue_indirect_dma source(%dma_start3A_557 : memref<10000x128xf32, #tpu.memory_space<hbm>>) target(%arg14 : memref<128x128xf32, #tpu.memory_space<vmem>>) offsets(%dma_start3A_554 : memref<128xi32, #tpu.memory_space<vmem>>) semaphore(%arg18 : memref<!tpu.dma_semaphore, #tpu.memory_space<semaphore_mem>>)
      %mul3A_558 = arith.constant 128 : i32
      %mul3A_559 = arith.muli %mul3A_549, %mul3A_558 : i32
      %add3A_560 = arith.constant 0 : i32
      %add3A_561 = arith.addi %mul3A_559, %add3A_560 : i32
      %get3A_562 = arith.index_cast %add3A_561 : i32 to index
      %get3A_563 = tpu.vector_load %arg11[%get3A_562] {strides = array<i32>} : memref<1664xi32, #tpu.memory_space<vmem>>, vector<16xi32>,
      tpu.vector_store_idx %arg16[%get3A_563], %broadcast_in_dim3A_87 {add = true} : memref<10000xf32, #tpu.memory_space<vmem>>[vector<16xi32>], vector<16xf32>,
      %mul3A_564 = arith.constant 128 : i32
      %mul3A_565 = arith.muli %mul3A_549, %mul3A_564 : i32
      %add3A_566 = arith.constant 16 : i32
      %add3A_567 = arith.addi %mul3A_565, %add3A_566 : i32
      %get3A_568 = arith.index_cast %add3A_567 : i32 to index
      %get3A_569 = tpu.vector_load %arg11[%get3A_568] {strides = array<i32>} : memref<1664xi32, #tpu.memory_space<vmem>>, vector<16xi32>,
      tpu.vector_store_idx %arg16[%get3A_569], %broadcast_in_dim3A_87 {add = true} : memref<10000xf32, #tpu.memory_space<vmem>>[vector<16xi32>], vector<16xf32>,
      %mul3A_570 = arith.constant 128 : i32
      %mul3A_571 = arith.muli %mul3A_549, %mul3A_570 : i32
      %add3A_572 = arith.constant 32 : i32
      %add3A_573 = arith.addi %mul3A_571, %add3A_572 : i32
      %get3A_574 = arith.index_cast %add3A_573 : i32 to index
      %get3A_575 = tpu.vector_load %arg11[%get3A_574] {strides = array<i32>} : memref<1664xi32, #tpu.memory_space<vmem>>, vector<16xi32>,
      tpu.vector_store_idx %arg16[%get3A_575], %broadcast_in_dim3A_87 {add = true} : memref<10000xf32, #tpu.memory_space<vmem>>[vector<16xi32>], vector<16xf32>,
      %mul3A_576 = arith.constant 128 : i32
      %mul3A_577 = arith.muli %mul3A_549, %mul3A_576 : i32
      %add3A_578 = arith.constant 48 : i32
      %add3A_579 = arith.addi %mul3A_577, %add3A_578 : i32
      %get3A_580 = arith.index_cast %add3A_579 : i32 to index
      %get3A_581 = tpu.vector_load %arg11[%get3A_580] {strides = array<i32>} : memref<1664xi32, #tpu.memory_space<vmem>>, vector<16xi32>,
      tpu.vector_store_idx %arg16[%get3A_581], %broadcast_in_dim3A_87 {add = true} : memref<10000xf32, #tpu.memory_space<vmem>>[vector<16xi32>], vector<16xf32>,
      %mul3A_582 = arith.constant 128 : i32
      %mul3A_583 = arith.muli %mul3A_549, %mul3A_582 : i32
      %add3A_584 = arith.constant 64 : i32
      %add3A_585 = arith.addi %mul3A_583, %add3A_584 : i32
      %get3A_586 = arith.index_cast %add3A_585 : i32 to index
      %get3A_587 = tpu.vector_load %arg11[%get3A_586] {strides = array<i32>} : memref<1664xi32, #tpu.memory_space<vmem>>, vector<16xi32>,
      tpu.vector_store_idx %arg16[%get3A_587], %broadcast_in_dim3A_87 {add = true} : memref<10000xf32, #tpu.memory_space<vmem>>[vector<16xi32>], vector<16xf32>,
      %mul3A_588 = arith.constant 128 : i32
      %mul3A_589 = arith.muli %mul3A_549, %mul3A_588 : i32
      %add3A_590 = arith.constant 80 : i32
      %add3A_591 = arith.addi %mul3A_589, %add3A_590 : i32
      %get3A_592 = arith.index_cast %add3A_591 : i32 to index
      %get3A_593 = tpu.vector_load %arg11[%get3A_592] {strides = array<i32>} : memref<1664xi32, #tpu.memory_space<vmem>>, vector<16xi32>,
      tpu.vector_store_idx %arg16[%get3A_593], %broadcast_in_dim3A_87 {add = true} : memref<10000xf32, #tpu.memory_space<vmem>>[vector<16xi32>], vector<16xf32>,
      %mul3A_594 = arith.constant 128 : i32
      %mul3A_595 = arith.muli %mul3A_549, %mul3A_594 : i32
      %add3A_596 = arith.constant 96 : i32
      %add3A_597 = arith.addi %mul3A_595, %add3A_596 : i32
      %get3A_598 = arith.index_cast %add3A_597 : i32 to index
      %get3A_599 = tpu.vector_load %arg11[%get3A_598] {strides = array<i32>} : memref<1664xi32, #tpu.memory_space<vmem>>, vector<16xi32>,
      tpu.vector_store_idx %arg16[%get3A_599], %broadcast_in_dim3A_87 {add = true} : memref<10000xf32, #tpu.memory_space<vmem>>[vector<16xi32>], vector<16xf32>,
      %mul3A_600 = arith.constant 128 : i32
      %mul3A_601 = arith.muli %mul3A_549, %mul3A_600 : i32
      %add3A_602 = arith.constant 112 : i32
      %add3A_603 = arith.addi %mul3A_601, %add3A_602 : i32
      %get3A_604 = arith.index_cast %add3A_603 : i32 to index
      %get3A_605 = tpu.vector_load %arg11[%get3A_604] {strides = array<i32>} : memref<1664xi32, #tpu.memory_space<vmem>>, vector<16xi32>,
      tpu.vector_store_idx %arg16[%get3A_605], %broadcast_in_dim3A_87 {add = true} : memref<10000xf32, #tpu.memory_space<vmem>>[vector<16xi32>], vector<16xf32>,
      %dma_wait3A_606 = arith.constant 0 : i32
      %dma_wait3A_607 = tpu.memref_slice %arg8[%dma_wait3A_606] : memref<1664xi32, #tpu.memory_space<vmem>> -> memref<128xi32, #tpu.memory_space<vmem>>
      %dma_wait3A_608 = arith.constant 0 : i32
      %dma_wait3A_609 = arith.constant 0 : i32
      %dma_wait3A_610 = tpu.memref_slice %arg3[%dma_wait3A_608, %dma_wait3A_609] : memref<10000x128xf32, #tpu.memory_space<hbm>> -> memref<10000x128xf32, #tpu.memory_space<hbm>>
      tpu.wait_indirect_dma semaphore(%arg19 : memref<!tpu.dma_semaphore, #tpu.memory_space<semaphore_mem>>) src(%dma_wait3A_610 : memref<10000x128xf32, #tpu.memory_space<hbm>>) dst(%arg15 : memref<128x128xf32, #tpu.memory_space<vmem>>)
      %mul3A_611 = arith.constant 128 : i32
      %mul3A_612 = arith.muli %mul3A_549, %mul3A_611 : i32
      "tpu.region"() ({
        %run_scoped3A = tpu.sem_alloc : memref<!tpu.dma_semaphore, #tpu.memory_space<semaphore_mem>>
        %dma_start3A_680 = tpu.memref_slice %arg11[%mul3A_612] : memref<1664xi32, #tpu.memory_space<vmem>> -> memref<128xi32, #tpu.memory_space<vmem>>
        %dma_start3A_681 = arith.constant 0 : i32
        %dma_start3A_682 = arith.constant 0 : i32
        %dma_start3A_683 = tpu.memref_slice %arg17[%dma_start3A_681, %dma_start3A_682] : memref<10000x128xf32, #tpu.memory_space<vmem_shared>> -> memref<10000x128xf32, #tpu.memory_space<vmem_shared>>
        tpu.enqueue_indirect_dma source(%arg15 : memref<128x128xf32, #tpu.memory_space<vmem>>) target(%dma_start3A_683 : memref<10000x128xf32, #tpu.memory_space<vmem_shared>>) offsets(%dma_start3A_680 : memref<128xi32, #tpu.memory_space<vmem>>) semaphore(%run_scoped3A : memref<!tpu.dma_semaphore, #tpu.memory_space<semaphore_mem>>) {add = true}
        %dma_wait3A_684 = tpu.memref_slice %arg11[%mul3A_612] : memref<1664xi32, #tpu.memory_space<vmem>> -> memref<128xi32, #tpu.memory_space<vmem>>
        %dma_wait3A_685 = arith.constant 0 : i32
        %dma_wait3A_686 = arith.constant 0 : i32
        %dma_wait3A_687 = tpu.memref_slice %arg17[%dma_wait3A_685, %dma_wait3A_686] : memref<10000x128xf32, #tpu.memory_space<vmem_shared>> -> memref<10000x128xf32, #tpu.memory_space<vmem_shared>>
        tpu.wait_indirect_dma semaphore(%run_scoped3A : memref<!tpu.dma_semaphore, #tpu.memory_space<semaphore_mem>>) src(%arg15 : memref<128x128xf32, #tpu.memory_space<vmem>>) dst(%dma_wait3A_687 : memref<10000x128xf32, #tpu.memory_space<vmem_shared>>)
        tpu.yield
      }) : () -> ()
      %add3A_613 = arith.constant 2 : i32
      %add3A_614 = arith.addi %mul3A_549, %add3A_613 : i32
      %mul3A_615 = arith.constant 128 : i32
      %mul3A_616 = arith.muli %add3A_614, %mul3A_615 : i32
      %dma_start3A_617 = tpu.memref_slice %arg9[%mul3A_616] : memref<1664xi32, #tpu.memory_space<vmem>> -> memref<128xi32, #tpu.memory_space<vmem>>
      %dma_start3A_618 = arith.constant 0 : i32
      %dma_start3A_619 = arith.constant 0 : i32
      %dma_start3A_620 = tpu.memref_slice %arg3[%dma_start3A_618, %dma_start3A_619] : memref<10000x128xf32, #tpu.memory_space<hbm>> -> memref<10000x128xf32, #tpu.memory_space<hbm>>
      tpu.enqueue_indirect_dma source(%dma_start3A_620 : memref<10000x128xf32, #tpu.memory_space<hbm>>) target(%arg15 : memref<128x128xf32, #tpu.memory_space<vmem>>) offsets(%dma_start3A_617 : memref<128xi32, #tpu.memory_space<vmem>>) semaphore(%arg19 : memref<!tpu.dma_semaphore, #tpu.memory_space<semaphore_mem>>)
      %add3A_621 = arith.constant 1 : i32
      %add3A_622 = arith.addi %mul3A_549, %add3A_621 : i32
      %mul3A_623 = arith.constant 128 : i32
      %mul3A_624 = arith.muli %add3A_622, %mul3A_623 : i32
      %add3A_625 = arith.constant 0 : i32
      %add3A_626 = arith.addi %mul3A_624, %add3A_625 : i32
      %get3A_627 = arith.index_cast %add3A_626 : i32 to index
      %get3A_628 = tpu.vector_load %arg11[%get3A_627] {strides = array<i32>} : memref<1664xi32, #tpu.memory_space<vmem>>, vector<16xi32>,
      tpu.vector_store_idx %arg16[%get3A_628], %broadcast_in_dim3A_87 {add = true} : memref<10000xf32, #tpu.memory_space<vmem>>[vector<16xi32>], vector<16xf32>,
      %mul3A_629 = arith.constant 128 : i32
      %mul3A_630 = arith.muli %add3A_622, %mul3A_629 : i32
      %add3A_631 = arith.constant 16 : i32
      %add3A_632 = arith.addi %mul3A_630, %add3A_631 : i32
      %get3A_633 = arith.index_cast %add3A_632 : i32 to index
      %get3A_634 = tpu.vector_load %arg11[%get3A_633] {strides = array<i32>} : memref<1664xi32, #tpu.memory_space<vmem>>, vector<16xi32>,
      tpu.vector_store_idx %arg16[%get3A_634], %broadcast_in_dim3A_87 {add = true} : memref<10000xf32, #tpu.memory_space<vmem>>[vector<16xi32>], vector<16xf32>,
      %mul3A_635 = arith.constant 128 : i32
      %mul3A_636 = arith.muli %add3A_622, %mul3A_635 : i32
      %add3A_637 = arith.constant 32 : i32
      %add3A_638 = arith.addi %mul3A_636, %add3A_637 : i32
      %get3A_639 = arith.index_cast %add3A_638 : i32 to index
      %get3A_640 = tpu.vector_load %arg11[%get3A_639] {strides = array<i32>} : memref<1664xi32, #tpu.memory_space<vmem>>, vector<16xi32>,
      tpu.vector_store_idx %arg16[%get3A_640], %broadcast_in_dim3A_87 {add = true} : memref<10000xf32, #tpu.memory_space<vmem>>[vector<16xi32>], vector<16xf32>,
      %mul3A_641 = arith.constant 128 : i32
      %mul3A_642 = arith.muli %add3A_622, %mul3A_641 : i32
      %add3A_643 = arith.constant 48 : i32
      %add3A_644 = arith.addi %mul3A_642, %add3A_643 : i32
      %get3A_645 = arith.index_cast %add3A_644 : i32 to index
      %get3A_646 = tpu.vector_load %arg11[%get3A_645] {strides = array<i32>} : memref<1664xi32, #tpu.memory_space<vmem>>, vector<16xi32>,
      tpu.vector_store_idx %arg16[%get3A_646], %broadcast_in_dim3A_87 {add = true} : memref<10000xf32, #tpu.memory_space<vmem>>[vector<16xi32>], vector<16xf32>,
      %mul3A_647 = arith.constant 128 : i32
      %mul3A_648 = arith.muli %add3A_622, %mul3A_647 : i32
      %add3A_649 = arith.constant 64 : i32
      %add3A_650 = arith.addi %mul3A_648, %add3A_649 : i32
      %get3A_651 = arith.index_cast %add3A_650 : i32 to index
      %get3A_652 = tpu.vector_load %arg11[%get3A_651] {strides = array<i32>} : memref<1664xi32, #tpu.memory_space<vmem>>, vector<16xi32>,
      tpu.vector_store_idx %arg16[%get3A_652], %broadcast_in_dim3A_87 {add = true} : memref<10000xf32, #tpu.memory_space<vmem>>[vector<16xi32>], vector<16xf32>,
      %mul3A_653 = arith.constant 128 : i32
      %mul3A_654 = arith.muli %add3A_622, %mul3A_653 : i32
      %add3A_655 = arith.constant 80 : i32
      %add3A_656 = arith.addi %mul3A_654, %add3A_655 : i32
      %get3A_657 = arith.index_cast %add3A_656 : i32 to index
      %get3A_658 = tpu.vector_load %arg11[%get3A_657] {strides = array<i32>} : memref<1664xi32, #tpu.memory_space<vmem>>, vector<16xi32>,
      tpu.vector_store_idx %arg16[%get3A_658], %broadcast_in_dim3A_87 {add = true} : memref<10000xf32, #tpu.memory_space<vmem>>[vector<16xi32>], vector<16xf32>,
      %mul3A_659 = arith.constant 128 : i32
      %mul3A_660 = arith.muli %add3A_622, %mul3A_659 : i32
      %add3A_661 = arith.constant 96 : i32
      %add3A_662 = arith.addi %mul3A_660, %add3A_661 : i32
      %get3A_663 = arith.index_cast %add3A_662 : i32 to index
      %get3A_664 = tpu.vector_load %arg11[%get3A_663] {strides = array<i32>} : memref<1664xi32, #tpu.memory_space<vmem>>, vector<16xi32>,
      tpu.vector_store_idx %arg16[%get3A_664], %broadcast_in_dim3A_87 {add = true} : memref<10000xf32, #tpu.memory_space<vmem>>[vector<16xi32>], vector<16xf32>,
      %mul3A_665 = arith.constant 128 : i32
      %mul3A_666 = arith.muli %add3A_622, %mul3A_665 : i32
      %add3A_667 = arith.constant 112 : i32
      %add3A_668 = arith.addi %mul3A_666, %add3A_667 : i32
      %get3A_669 = arith.index_cast %add3A_668 : i32 to index
      %get3A_670 = tpu.vector_load %arg11[%get3A_669] {strides = array<i32>} : memref<1664xi32, #tpu.memory_space<vmem>>, vector<16xi32>,
      tpu.vector_store_idx %arg16[%get3A_670], %broadcast_in_dim3A_87 {add = true} : memref<10000xf32, #tpu.memory_space<vmem>>[vector<16xi32>], vector<16xf32>,
      %dma_wait3A_671 = arith.constant 0 : i32
      %dma_wait3A_672 = tpu.memref_slice %arg8[%dma_wait3A_671] : memref<1664xi32, #tpu.memory_space<vmem>> -> memref<128xi32, #tpu.memory_space<vmem>>
      %dma_wait3A_673 = arith.constant 0 : i32
      %dma_wait3A_674 = arith.constant 0 : i32
      %dma_wait3A_675 = tpu.memref_slice %arg3[%dma_wait3A_673, %dma_wait3A_674] : memref<10000x128xf32, #tpu.memory_space<hbm>> -> memref<10000x128xf32, #tpu.memory_space<hbm>>
      tpu.wait_indirect_dma semaphore(%arg18 : memref<!tpu.dma_semaphore, #tpu.memory_space<semaphore_mem>>) src(%dma_wait3A_675 : memref<10000x128xf32, #tpu.memory_space<hbm>>) dst(%arg14 : memref<128x128xf32, #tpu.memory_space<vmem>>)
      %add3A_676 = arith.constant 1 : i32
      %add3A_677 = arith.addi %mul3A_549, %add3A_676 : i32
      %mul3A_678 = arith.constant 128 : i32
      %mul3A_679 = arith.muli %add3A_677, %mul3A_678 : i32
      "tpu.region"() ({
        %run_scoped3A = tpu.sem_alloc : memref<!tpu.dma_semaphore, #tpu.memory_space<semaphore_mem>>
        %dma_start3A_680 = tpu.memref_slice %arg11[%mul3A_679] : memref<1664xi32, #tpu.memory_space<vmem>> -> memref<128xi32, #tpu.memory_space<vmem>>
        %dma_start3A_681 = arith.constant 0 : i32
        %dma_start3A_682 = arith.constant 0 : i32
        %dma_start3A_683 = tpu.memref_slice %arg17[%dma_start3A_681, %dma_start3A_682] : memref<10000x128xf32, #tpu.memory_space<vmem_shared>> -> memref<10000x128xf32, #tpu.memory_space<vmem_shared>>
        tpu.enqueue_indirect_dma source(%arg14 : memref<128x128xf32, #tpu.memory_space<vmem>>) target(%dma_start3A_683 : memref<10000x128xf32, #tpu.memory_space<vmem_shared>>) offsets(%dma_start3A_680 : memref<128xi32, #tpu.memory_space<vmem>>) semaphore(%run_scoped3A : memref<!tpu.dma_semaphore, #tpu.memory_space<semaphore_mem>>) {add = true}
        %dma_wait3A_684 = tpu.memref_slice %arg11[%mul3A_679] : memref<1664xi32, #tpu.memory_space<vmem>> -> memref<128xi32, #tpu.memory_space<vmem>>
        %dma_wait3A_685 = arith.constant 0 : i32
        %dma_wait3A_686 = arith.constant 0 : i32
        %dma_wait3A_687 = tpu.memref_slice %arg17[%dma_wait3A_685, %dma_wait3A_686] : memref<10000x128xf32, #tpu.memory_space<vmem_shared>> -> memref<10000x128xf32, #tpu.memory_space<vmem_shared>>
        tpu.wait_indirect_dma semaphore(%run_scoped3A : memref<!tpu.dma_semaphore, #tpu.memory_space<semaphore_mem>>) src(%arg14 : memref<128x128xf32, #tpu.memory_space<vmem>>) dst(%dma_wait3A_687 : memref<10000x128xf32, #tpu.memory_space<vmem_shared>>)
        tpu.yield
      }) : () -> ()
    }
    %scan3A_190 = arith.constant 6 : i32
    %dma_wait3A_191 = arith.constant 0 : i32
    %dma_wait3A_192 = arith.constant 0 : i32
    %dma_wait3A_193 = tpu.memref_slice %arg2[%dma_wait3A_191, %dma_wait3A_192] : memref<2x320000xi32, #tpu.memory_space<hbm>> -> memref<1x320000xi32, #tpu.memory_space<hbm>>
    %dma_wait3A_194 = tpu.memref_squeeze %dma_wait3A_193 : memref<1x320000xi32, #tpu.memory_space<hbm>> -> memref<320000xi32, #tpu.memory_space<hbm>>
    %dma_wait3A_195 = arith.constant 0 : i32
    %dma_wait3A_196 = tpu.memref_slice %dma_wait3A_194[%dma_wait3A_195] : memref<320000xi32, #tpu.memory_space<hbm>> -> memref<1664xi32, #tpu.memory_space<hbm>>
    %dma_wait3A_197 = arith.constant 0 : i32
    %dma_wait3A_198 = tpu.memref_slice %arg2[%dma_wait3A_191, %dma_wait3A_197] : memref<2x320000xi32, #tpu.memory_space<hbm>> -> memref<1x320000xi32, #tpu.memory_space<hbm>>
    %dma_wait3A_199 = tpu.memref_squeeze %dma_wait3A_198 : memref<1x320000xi32, #tpu.memory_space<hbm>> -> memref<320000xi32, #tpu.memory_space<hbm>>
    %dma_wait3A_200 = arith.constant 0 : i32
    %dma_wait3A_201 = tpu.memref_slice %dma_wait3A_199[%dma_wait3A_200] : memref<320000xi32, #tpu.memory_space<hbm>> -> memref<1664xi32, #tpu.memory_space<hbm>>
    tpu.wait_dma2 semaphore(%arg20 : memref<!tpu.dma_semaphore, #tpu.memory_space<semaphore_mem>>) src(%dma_wait3A_201 : memref<1664xi32, #tpu.memory_space<hbm>>) dst(%arg8 : memref<1664xi32, #tpu.memory_space<vmem>>)
    %dma_wait3A_202 = arith.constant 1 : i32
    %dma_wait3A_203 = arith.constant 0 : i32
    %dma_wait3A_204 = tpu.memref_slice %arg2[%dma_wait3A_202, %dma_wait3A_203] : memref<2x320000xi32, #tpu.memory_space<hbm>> -> memref<1x320000xi32, #tpu.memory_space<hbm>>
    %dma_wait3A_205 = tpu.memref_squeeze %dma_wait3A_204 : memref<1x320000xi32, #tpu.memory_space<hbm>> -> memref<320000xi32, #tpu.memory_space<hbm>>
    %dma_wait3A_206 = arith.constant 0 : i32
    %dma_wait3A_207 = tpu.memref_slice %dma_wait3A_205[%dma_wait3A_206] : memref<320000xi32, #tpu.memory_space<hbm>> -> memref<1664xi32, #tpu.memory_space<hbm>>
    %dma_wait3A_208 = arith.constant 0 : i32
    %dma_wait3A_209 = tpu.memref_slice %arg2[%dma_wait3A_202, %dma_wait3A_208] : memref<2x320000xi32, #tpu.memory_space<hbm>> -> memref<1x320000xi32, #tpu.memory_space<hbm>>
    %dma_wait3A_210 = tpu.memref_squeeze %dma_wait3A_209 : memref<1x320000xi32, #tpu.memory_space<hbm>> -> memref<320000xi32, #tpu.memory_space<hbm>>
    %dma_wait3A_211 = arith.constant 0 : i32
    %dma_wait3A_212 = tpu.memref_slice %dma_wait3A_210[%dma_wait3A_211] : memref<320000xi32, #tpu.memory_space<hbm>> -> memref<1664xi32, #tpu.memory_space<hbm>>
    tpu.wait_dma2 semaphore(%arg20 : memref<!tpu.dma_semaphore, #tpu.memory_space<semaphore_mem>>) src(%dma_wait3A_212 : memref<1664xi32, #tpu.memory_space<hbm>>) dst(%arg10 : memref<1664xi32, #tpu.memory_space<vmem>>)
    %dma_start3A_213 = arith.constant 0 : i32
    %dma_start3A_214 = tpu.memref_slice %arg8[%dma_start3A_213] : memref<1664xi32, #tpu.memory_space<vmem>> -> memref<128xi32, #tpu.memory_space<vmem>>
    %dma_start3A_215 = arith.constant 0 : i32
    %dma_start3A_216 = arith.constant 0 : i32
    %dma_start3A_217 = tpu.memref_slice %arg3[%dma_start3A_215, %dma_start3A_216] : memref<10000x128xf32, #tpu.memory_space<hbm>> -> memref<10000x128xf32, #tpu.memory_space<hbm>>
    tpu.enqueue_indirect_dma source(%dma_start3A_217 : memref<10000x128xf32, #tpu.memory_space<hbm>>) target(%arg14 : memref<128x128xf32, #tpu.memory_space<vmem>>) offsets(%dma_start3A_214 : memref<128xi32, #tpu.memory_space<vmem>>) semaphore(%arg18 : memref<!tpu.dma_semaphore, #tpu.memory_space<semaphore_mem>>)
    %get3A_218 = arith.constant 1536 : index
    %get3A_219 = tpu.vector_load %arg11[%get3A_218] {strides = array<i32>} : memref<1664xi32, #tpu.memory_space<vmem>>, vector<16xi32>,
    tpu.vector_store_idx %arg16[%get3A_219], %broadcast_in_dim3A_87 {add = true} : memref<10000xf32, #tpu.memory_space<vmem>>[vector<16xi32>], vector<16xf32>,
    %get3A_220 = arith.constant 1552 : index
    %get3A_221 = tpu.vector_load %arg11[%get3A_220] {strides = array<i32>} : memref<1664xi32, #tpu.memory_space<vmem>>, vector<16xi32>,
    tpu.vector_store_idx %arg16[%get3A_221], %broadcast_in_dim3A_87 {add = true} : memref<10000xf32, #tpu.memory_space<vmem>>[vector<16xi32>], vector<16xf32>,
    %get3A_222 = arith.constant 1568 : index
    %get3A_223 = tpu.vector_load %arg11[%get3A_222] {strides = array<i32>} : memref<1664xi32, #tpu.memory_space<vmem>>, vector<16xi32>,
    tpu.vector_store_idx %arg16[%get3A_223], %broadcast_in_dim3A_87 {add = true} : memref<10000xf32, #tpu.memory_space<vmem>>[vector<16xi32>], vector<16xf32>,
    %get3A_224 = arith.constant 1584 : index
    %get3A_225 = tpu.vector_load %arg11[%get3A_224] {strides = array<i32>} : memref<1664xi32, #tpu.memory_space<vmem>>, vector<16xi32>,
    tpu.vector_store_idx %arg16[%get3A_225], %broadcast_in_dim3A_87 {add = true} : memref<10000xf32, #tpu.memory_space<vmem>>[vector<16xi32>], vector<16xf32>,
    %get3A_226 = arith.constant 1600 : index
    %get3A_227 = tpu.vector_load %arg11[%get3A_226] {strides = array<i32>} : memref<1664xi32, #tpu.memory_space<vmem>>, vector<16xi32>,
    tpu.vector_store_idx %arg16[%get3A_227], %broadcast_in_dim3A_87 {add = true} : memref<10000xf32, #tpu.memory_space<vmem>>[vector<16xi32>], vector<16xf32>,
    %get3A_228 = arith.constant 1616 : index
    %get3A_229 = tpu.vector_load %arg11[%get3A_228] {strides = array<i32>} : memref<1664xi32, #tpu.memory_space<vmem>>, vector<16xi32>,
    tpu.vector_store_idx %arg16[%get3A_229], %broadcast_in_dim3A_87 {add = true} : memref<10000xf32, #tpu.memory_space<vmem>>[vector<16xi32>], vector<16xf32>,
    %get3A_230 = arith.constant 1632 : index
    %get3A_231 = tpu.vector_load %arg11[%get3A_230] {strides = array<i32>} : memref<1664xi32, #tpu.memory_space<vmem>>, vector<16xi32>,
    tpu.vector_store_idx %arg16[%get3A_231], %broadcast_in_dim3A_87 {add = true} : memref<10000xf32, #tpu.memory_space<vmem>>[vector<16xi32>], vector<16xf32>,
    %get3A_232 = arith.constant 1648 : index
    %get3A_233 = tpu.vector_load %arg11[%get3A_232] {strides = array<i32>} : memref<1664xi32, #tpu.memory_space<vmem>>, vector<16xi32>,
    tpu.vector_store_idx %arg16[%get3A_233], %broadcast_in_dim3A_87 {add = true} : memref<10000xf32, #tpu.memory_space<vmem>>[vector<16xi32>], vector<16xf32>,
    %dma_wait3A_234 = arith.constant 0 : i32
    %dma_wait3A_235 = tpu.memref_slice %arg8[%dma_wait3A_234] : memref<1664xi32, #tpu.memory_space<vmem>> -> memref<128xi32, #tpu.memory_space<vmem>>
    %dma_wait3A_236 = arith.constant 0 : i32
    %dma_wait3A_237 = arith.constant 0 : i32
    %dma_wait3A_238 = tpu.memref_slice %arg3[%dma_wait3A_236, %dma_wait3A_237] : memref<10000x128xf32, #tpu.memory_space<hbm>> -> memref<10000x128xf32, #tpu.memory_space<hbm>>
    tpu.wait_indirect_dma semaphore(%arg19 : memref<!tpu.dma_semaphore, #tpu.memory_space<semaphore_mem>>) src(%dma_wait3A_238 : memref<10000x128xf32, #tpu.memory_space<hbm>>) dst(%arg15 : memref<128x128xf32, #tpu.memory_space<vmem>>)
    "tpu.region"() ({
      %run_scoped3A = tpu.sem_alloc : memref<!tpu.dma_semaphore, #tpu.memory_space<semaphore_mem>>
      %dma_start3A_547 = arith.constant 1536 : i32
      %dma_start3A_548 = tpu.memref_slice %arg11[%dma_start3A_547] : memref<1664xi32, #tpu.memory_space<vmem>> -> memref<128xi32, #tpu.memory_space<vmem>>
      %dma_start3A_549 = arith.constant 0 : i32
      %dma_start3A_550 = arith.constant 0 : i32
      %dma_start3A_551 = tpu.memref_slice %arg17[%dma_start3A_549, %dma_start3A_550] : memref<10000x128xf32, #tpu.memory_space<vmem_shared>> -> memref<10000x128xf32, #tpu.memory_space<vmem_shared>>
      tpu.enqueue_indirect_dma source(%arg15 : memref<128x128xf32, #tpu.memory_space<vmem>>) target(%dma_start3A_551 : memref<10000x128xf32, #tpu.memory_space<vmem_shared>>) offsets(%dma_start3A_548 : memref<128xi32, #tpu.memory_space<vmem>>) semaphore(%run_scoped3A : memref<!tpu.dma_semaphore, #tpu.memory_space<semaphore_mem>>) {add = true}
      %dma_wait3A_552 = arith.constant 1536 : i32
      %dma_wait3A_553 = tpu.memref_slice %arg11[%dma_wait3A_552] : memref<1664xi32, #tpu.memory_space<vmem>> -> memref<128xi32, #tpu.memory_space<vmem>>
      %dma_wait3A_554 = arith.constant 0 : i32
      %dma_wait3A_555 = arith.constant 0 : i32
      %dma_wait3A_556 = tpu.memref_slice %arg17[%dma_wait3A_554, %dma_wait3A_555] : memref<10000x128xf32, #tpu.memory_space<vmem_shared>> -> memref<10000x128xf32, #tpu.memory_space<vmem_shared>>
      tpu.wait_indirect_dma semaphore(%run_scoped3A : memref<!tpu.dma_semaphore, #tpu.memory_space<semaphore_mem>>) src(%arg15 : memref<128x128xf32, #tpu.memory_space<vmem>>) dst(%dma_wait3A_556 : memref<10000x128xf32, #tpu.memory_space<vmem_shared>>)
      tpu.yield
    }) : () -> ()
    %add3A_239 = arith.constant 4992 : i32
    %add3A_240 = arith.addi %mul3A_4, %add3A_239 : i32
    %dma_start3A_241 = arith.constant 0 : i32
    %dma_start3A_242 = arith.constant 0 : i32
    %dma_start3A_243 = tpu.memref_slice %arg2[%dma_start3A_241, %dma_start3A_242] : memref<2x320000xi32, #tpu.memory_space<hbm>> -> memref<1x320000xi32, #tpu.memory_space<hbm>>
    %dma_start3A_244 = tpu.memref_squeeze %dma_start3A_243 : memref<1x320000xi32, #tpu.memory_space<hbm>> -> memref<320000xi32, #tpu.memory_space<hbm>>
    %dma_start3A_245 = tpu.memref_slice %dma_start3A_244[%add3A_240] : memref<320000xi32, #tpu.memory_space<hbm>> -> memref<1664xi32, #tpu.memory_space<hbm>>
    %dma_start3A_246 = arith.constant 0 : i32
    %dma_start3A_247 = tpu.memref_slice %arg2[%dma_start3A_241, %dma_start3A_246] : memref<2x320000xi32, #tpu.memory_space<hbm>> -> memref<1x320000xi32, #tpu.memory_space<hbm>>
    %dma_start3A_248 = tpu.memref_squeeze %dma_start3A_247 : memref<1x320000xi32, #tpu.memory_space<hbm>> -> memref<320000xi32, #tpu.memory_space<hbm>>
    %dma_start3A_249 = tpu.memref_slice %dma_start3A_248[%add3A_240] : memref<320000xi32, #tpu.memory_space<hbm>> -> memref<1664xi32, #tpu.memory_space<hbm>>
    tpu.enqueue_dma source(%dma_start3A_249 : memref<1664xi32, #tpu.memory_space<hbm>>) target(%arg9 : memref<1664xi32, #tpu.memory_space<vmem>>) target_semaphore(%arg20 : memref<!tpu.dma_semaphore, #tpu.memory_space<semaphore_mem>>)
    %dma_start3A_250 = arith.constant 1 : i32
    %dma_start3A_251 = arith.constant 0 : i32
    %dma_start3A_252 = tpu.memref_slice %arg2[%dma_start3A_250, %dma_start3A_251] : memref<2x320000xi32, #tpu.memory_space<hbm>> -> memref<1x320000xi32, #tpu.memory_space<hbm>>
    %dma_start3A_253 = tpu.memref_squeeze %dma_start3A_252 : memref<1x320000xi32, #tpu.memory_space<hbm>> -> memref<320000xi32, #tpu.memory_space<hbm>>
    %dma_start3A_254 = tpu.memref_slice %dma_start3A_253[%add3A_240] : memref<320000xi32, #tpu.memory_space<hbm>> -> memref<1664xi32, #tpu.memory_space<hbm>>
    %dma_start3A_255 = arith.constant 0 : i32
    %dma_start3A_256 = tpu.memref_slice %arg2[%dma_start3A_250, %dma_start3A_255] : memref<2x320000xi32, #tpu.memory_space<hbm>> -> memref<1x320000xi32, #tpu.memory_space<hbm>>
    %dma_start3A_257 = tpu.memref_squeeze %dma_start3A_256 : memref<1x320000xi32, #tpu.memory_space<hbm>> -> memref<320000xi32, #tpu.memory_space<hbm>>
    %dma_start3A_258 = tpu.memref_slice %dma_start3A_257[%add3A_240] : memref<320000xi32, #tpu.memory_space<hbm>> -> memref<1664xi32, #tpu.memory_space<hbm>>
    tpu.enqueue_dma source(%dma_start3A_258 : memref<1664xi32, #tpu.memory_space<hbm>>) target(%arg11 : memref<1664xi32, #tpu.memory_space<vmem>>) target_semaphore(%arg20 : memref<!tpu.dma_semaphore, #tpu.memory_space<semaphore_mem>>)
    %scan3A_259 = arith.constant 0 : i32
    %scan3A_260 = arith.constant 0 : i32
    %scan3A_261 = arith.constant 6 : i32
    %scan3A_262 = arith.addi %scan3A_260, %scan3A_261 : i32
    %scan3A_263 = arith.constant 1 : i32
    scf.for %scan3A_547 = %scan3A_260 to %scan3A_262 step %scan3A_263  : i32 {
      %mul3A_548 = arith.constant 2 : i32
      %mul3A_549 = arith.muli %mul3A_548, %scan3A_547 : i32
      %add3A_550 = arith.constant 1 : i32
      %add3A_551 = arith.addi %mul3A_549, %add3A_550 : i32
      %mul3A_552 = arith.constant 128 : i32
      %mul3A_553 = arith.muli %add3A_551, %mul3A_552 : i32
      %dma_start3A_554 = tpu.memref_slice %arg8[%mul3A_553] : memref<1664xi32, #tpu.memory_space<vmem>> -> memref<128xi32, #tpu.memory_space<vmem>>
      %dma_start3A_555 = arith.constant 0 : i32
      %dma_start3A_556 = arith.constant 0 : i32
      %dma_start3A_557 = tpu.memref_slice %arg3[%dma_start3A_555, %dma_start3A_556] : memref<10000x128xf32, #tpu.memory_space<hbm>> -> memref<10000x128xf32, #tpu.memory_space<hbm>>
      tpu.enqueue_indirect_dma source(%dma_start3A_557 : memref<10000x128xf32, #tpu.memory_space<hbm>>) target(%arg15 : memref<128x128xf32, #tpu.memory_space<vmem>>) offsets(%dma_start3A_554 : memref<128xi32, #tpu.memory_space<vmem>>) semaphore(%arg19 : memref<!tpu.dma_semaphore, #tpu.memory_space<semaphore_mem>>)
      %mul3A_558 = arith.constant 128 : i32
      %mul3A_559 = arith.muli %mul3A_549, %mul3A_558 : i32
      %add3A_560 = arith.constant 0 : i32
      %add3A_561 = arith.addi %mul3A_559, %add3A_560 : i32
      %get3A_562 = arith.index_cast %add3A_561 : i32 to index
      %get3A_563 = tpu.vector_load %arg10[%get3A_562] {strides = array<i32>} : memref<1664xi32, #tpu.memory_space<vmem>>, vector<16xi32>,
      tpu.vector_store_idx %arg16[%get3A_563], %broadcast_in_dim3A_87 {add = true} : memref<10000xf32, #tpu.memory_space<vmem>>[vector<16xi32>], vector<16xf32>,
      %mul3A_564 = arith.constant 128 : i32
      %mul3A_565 = arith.muli %mul3A_549, %mul3A_564 : i32
      %add3A_566 = arith.constant 16 : i32
      %add3A_567 = arith.addi %mul3A_565, %add3A_566 : i32
      %get3A_568 = arith.index_cast %add3A_567 : i32 to index
      %get3A_569 = tpu.vector_load %arg10[%get3A_568] {strides = array<i32>} : memref<1664xi32, #tpu.memory_space<vmem>>, vector<16xi32>,
      tpu.vector_store_idx %arg16[%get3A_569], %broadcast_in_dim3A_87 {add = true} : memref<10000xf32, #tpu.memory_space<vmem>>[vector<16xi32>], vector<16xf32>,
      %mul3A_570 = arith.constant 128 : i32
      %mul3A_571 = arith.muli %mul3A_549, %mul3A_570 : i32
      %add3A_572 = arith.constant 32 : i32
      %add3A_573 = arith.addi %mul3A_571, %add3A_572 : i32
      %get3A_574 = arith.index_cast %add3A_573 : i32 to index
      %get3A_575 = tpu.vector_load %arg10[%get3A_574] {strides = array<i32>} : memref<1664xi32, #tpu.memory_space<vmem>>, vector<16xi32>,
      tpu.vector_store_idx %arg16[%get3A_575], %broadcast_in_dim3A_87 {add = true} : memref<10000xf32, #tpu.memory_space<vmem>>[vector<16xi32>], vector<16xf32>,
      %mul3A_576 = arith.constant 128 : i32
      %mul3A_577 = arith.muli %mul3A_549, %mul3A_576 : i32
      %add3A_578 = arith.constant 48 : i32
      %add3A_579 = arith.addi %mul3A_577, %add3A_578 : i32
      %get3A_580 = arith.index_cast %add3A_579 : i32 to index
      %get3A_581 = tpu.vector_load %arg10[%get3A_580] {strides = array<i32>} : memref<1664xi32, #tpu.memory_space<vmem>>, vector<16xi32>,
      tpu.vector_store_idx %arg16[%get3A_581], %broadcast_in_dim3A_87 {add = true} : memref<10000xf32, #tpu.memory_space<vmem>>[vector<16xi32>], vector<16xf32>,
      %mul3A_582 = arith.constant 128 : i32
      %mul3A_583 = arith.muli %mul3A_549, %mul3A_582 : i32
      %add3A_584 = arith.constant 64 : i32
      %add3A_585 = arith.addi %mul3A_583, %add3A_584 : i32
      %get3A_586 = arith.index_cast %add3A_585 : i32 to index
      %get3A_587 = tpu.vector_load %arg10[%get3A_586] {strides = array<i32>} : memref<1664xi32, #tpu.memory_space<vmem>>, vector<16xi32>,
      tpu.vector_store_idx %arg16[%get3A_587], %broadcast_in_dim3A_87 {add = true} : memref<10000xf32, #tpu.memory_space<vmem>>[vector<16xi32>], vector<16xf32>,
      %mul3A_588 = arith.constant 128 : i32
      %mul3A_589 = arith.muli %mul3A_549, %mul3A_588 : i32
      %add3A_590 = arith.constant 80 : i32
      %add3A_591 = arith.addi %mul3A_589, %add3A_590 : i32
      %get3A_592 = arith.index_cast %add3A_591 : i32 to index
      %get3A_593 = tpu.vector_load %arg10[%get3A_592] {strides = array<i32>} : memref<1664xi32, #tpu.memory_space<vmem>>, vector<16xi32>,
      tpu.vector_store_idx %arg16[%get3A_593], %broadcast_in_dim3A_87 {add = true} : memref<10000xf32, #tpu.memory_space<vmem>>[vector<16xi32>], vector<16xf32>,
      %mul3A_594 = arith.constant 128 : i32
      %mul3A_595 = arith.muli %mul3A_549, %mul3A_594 : i32
      %add3A_596 = arith.constant 96 : i32
      %add3A_597 = arith.addi %mul3A_595, %add3A_596 : i32
      %get3A_598 = arith.index_cast %add3A_597 : i32 to index
      %get3A_599 = tpu.vector_load %arg10[%get3A_598] {strides = array<i32>} : memref<1664xi32, #tpu.memory_space<vmem>>, vector<16xi32>,
      tpu.vector_store_idx %arg16[%get3A_599], %broadcast_in_dim3A_87 {add = true} : memref<10000xf32, #tpu.memory_space<vmem>>[vector<16xi32>], vector<16xf32>,
      %mul3A_600 = arith.constant 128 : i32
      %mul3A_601 = arith.muli %mul3A_549, %mul3A_600 : i32
      %add3A_602 = arith.constant 112 : i32
      %add3A_603 = arith.addi %mul3A_601, %add3A_602 : i32
      %get3A_604 = arith.index_cast %add3A_603 : i32 to index
      %get3A_605 = tpu.vector_load %arg10[%get3A_604] {strides = array<i32>} : memref<1664xi32, #tpu.memory_space<vmem>>, vector<16xi32>,
      tpu.vector_store_idx %arg16[%get3A_605], %broadcast_in_dim3A_87 {add = true} : memref<10000xf32, #tpu.memory_space<vmem>>[vector<16xi32>], vector<16xf32>,
      %dma_wait3A_606 = arith.constant 0 : i32
      %dma_wait3A_607 = tpu.memref_slice %arg8[%dma_wait3A_606] : memref<1664xi32, #tpu.memory_space<vmem>> -> memref<128xi32, #tpu.memory_space<vmem>>
      %dma_wait3A_608 = arith.constant 0 : i32
      %dma_wait3A_609 = arith.constant 0 : i32
      %dma_wait3A_610 = tpu.memref_slice %arg3[%dma_wait3A_608, %dma_wait3A_609] : memref<10000x128xf32, #tpu.memory_space<hbm>> -> memref<10000x128xf32, #tpu.memory_space<hbm>>
      tpu.wait_indirect_dma semaphore(%arg18 : memref<!tpu.dma_semaphore, #tpu.memory_space<semaphore_mem>>) src(%dma_wait3A_610 : memref<10000x128xf32, #tpu.memory_space<hbm>>) dst(%arg14 : memref<128x128xf32, #tpu.memory_space<vmem>>)
      %mul3A_611 = arith.constant 128 : i32
      %mul3A_612 = arith.muli %mul3A_549, %mul3A_611 : i32
      "tpu.region"() ({
        %run_scoped3A = tpu.sem_alloc : memref<!tpu.dma_semaphore, #tpu.memory_space<semaphore_mem>>
        %dma_start3A_680 = tpu.memref_slice %arg10[%mul3A_612] : memref<1664xi32, #tpu.memory_space<vmem>> -> memref<128xi32, #tpu.memory_space<vmem>>
        %dma_start3A_681 = arith.constant 0 : i32
        %dma_start3A_682 = arith.constant 0 : i32
        %dma_start3A_683 = tpu.memref_slice %arg17[%dma_start3A_681, %dma_start3A_682] : memref<10000x128xf32, #tpu.memory_space<vmem_shared>> -> memref<10000x128xf32, #tpu.memory_space<vmem_shared>>
        tpu.enqueue_indirect_dma source(%arg14 : memref<128x128xf32, #tpu.memory_space<vmem>>) target(%dma_start3A_683 : memref<10000x128xf32, #tpu.memory_space<vmem_shared>>) offsets(%dma_start3A_680 : memref<128xi32, #tpu.memory_space<vmem>>) semaphore(%run_scoped3A : memref<!tpu.dma_semaphore, #tpu.memory_space<semaphore_mem>>) {add = true}
        %dma_wait3A_684 = tpu.memref_slice %arg10[%mul3A_612] : memref<1664xi32, #tpu.memory_space<vmem>> -> memref<128xi32, #tpu.memory_space<vmem>>
        %dma_wait3A_685 = arith.constant 0 : i32
        %dma_wait3A_686 = arith.constant 0 : i32
        %dma_wait3A_687 = tpu.memref_slice %arg17[%dma_wait3A_685, %dma_wait3A_686] : memref<10000x128xf32, #tpu.memory_space<vmem_shared>> -> memref<10000x128xf32, #tpu.memory_space<vmem_shared>>
        tpu.wait_indirect_dma semaphore(%run_scoped3A : memref<!tpu.dma_semaphore, #tpu.memory_space<semaphore_mem>>) src(%arg14 : memref<128x128xf32, #tpu.memory_space<vmem>>) dst(%dma_wait3A_687 : memref<10000x128xf32, #tpu.memory_space<vmem_shared>>)
        tpu.yield
      }) : () -> ()
      %add3A_613 = arith.constant 2 : i32
      %add3A_614 = arith.addi %mul3A_549, %add3A_613 : i32
      %mul3A_615 = arith.constant 128 : i32
      %mul3A_616 = arith.muli %add3A_614, %mul3A_615 : i32
      %dma_start3A_617 = tpu.memref_slice %arg8[%mul3A_616] : memref<1664xi32, #tpu.memory_space<vmem>> -> memref<128xi32, #tpu.memory_space<vmem>>
      %dma_start3A_618 = arith.constant 0 : i32
      %dma_start3A_619 = arith.constant 0 : i32
      %dma_start3A_620 = tpu.memref_slice %arg3[%dma_start3A_618, %dma_start3A_619] : memref<10000x128xf32, #tpu.memory_space<hbm>> -> memref<10000x128xf32, #tpu.memory_space<hbm>>
      tpu.enqueue_indirect_dma source(%dma_start3A_620 : memref<10000x128xf32, #tpu.memory_space<hbm>>) target(%arg14 : memref<128x128xf32, #tpu.memory_space<vmem>>) offsets(%dma_start3A_617 : memref<128xi32, #tpu.memory_space<vmem>>) semaphore(%arg18 : memref<!tpu.dma_semaphore, #tpu.memory_space<semaphore_mem>>)
      %add3A_621 = arith.constant 1 : i32
      %add3A_622 = arith.addi %mul3A_549, %add3A_621 : i32
      %mul3A_623 = arith.constant 128 : i32
      %mul3A_624 = arith.muli %add3A_622, %mul3A_623 : i32
      %add3A_625 = arith.constant 0 : i32
      %add3A_626 = arith.addi %mul3A_624, %add3A_625 : i32
      %get3A_627 = arith.index_cast %add3A_626 : i32 to index
      %get3A_628 = tpu.vector_load %arg10[%get3A_627] {strides = array<i32>} : memref<1664xi32, #tpu.memory_space<vmem>>, vector<16xi32>,
      tpu.vector_store_idx %arg16[%get3A_628], %broadcast_in_dim3A_87 {add = true} : memref<10000xf32, #tpu.memory_space<vmem>>[vector<16xi32>], vector<16xf32>,
      %mul3A_629 = arith.constant 128 : i32
      %mul3A_630 = arith.muli %add3A_622, %mul3A_629 : i32
      %add3A_631 = arith.constant 16 : i32
      %add3A_632 = arith.addi %mul3A_630, %add3A_631 : i32
      %get3A_633 = arith.index_cast %add3A_632 : i32 to index
      %get3A_634 = tpu.vector_load %arg10[%get3A_633] {strides = array<i32>} : memref<1664xi32, #tpu.memory_space<vmem>>, vector<16xi32>,
      tpu.vector_store_idx %arg16[%get3A_634], %broadcast_in_dim3A_87 {add = true} : memref<10000xf32, #tpu.memory_space<vmem>>[vector<16xi32>], vector<16xf32>,
      %mul3A_635 = arith.constant 128 : i32
      %mul3A_636 = arith.muli %add3A_622, %mul3A_635 : i32
      %add3A_637 = arith.constant 32 : i32
      %add3A_638 = arith.addi %mul3A_636, %add3A_637 : i32
      %get3A_639 = arith.index_cast %add3A_638 : i32 to index
      %get3A_640 = tpu.vector_load %arg10[%get3A_639] {strides = array<i32>} : memref<1664xi32, #tpu.memory_space<vmem>>, vector<16xi32>,
      tpu.vector_store_idx %arg16[%get3A_640], %broadcast_in_dim3A_87 {add = true} : memref<10000xf32, #tpu.memory_space<vmem>>[vector<16xi32>], vector<16xf32>,
      %mul3A_641 = arith.constant 128 : i32
      %mul3A_642 = arith.muli %add3A_622, %mul3A_641 : i32
      %add3A_643 = arith.constant 48 : i32
      %add3A_644 = arith.addi %mul3A_642, %add3A_643 : i32
      %get3A_645 = arith.index_cast %add3A_644 : i32 to index
      %get3A_646 = tpu.vector_load %arg10[%get3A_645] {strides = array<i32>} : memref<1664xi32, #tpu.memory_space<vmem>>, vector<16xi32>,
      tpu.vector_store_idx %arg16[%get3A_646], %broadcast_in_dim3A_87 {add = true} : memref<10000xf32, #tpu.memory_space<vmem>>[vector<16xi32>], vector<16xf32>,
      %mul3A_647 = arith.constant 128 : i32
      %mul3A_648 = arith.muli %add3A_622, %mul3A_647 : i32
      %add3A_649 = arith.constant 64 : i32
      %add3A_650 = arith.addi %mul3A_648, %add3A_649 : i32
      %get3A_651 = arith.index_cast %add3A_650 : i32 to index
      %get3A_652 = tpu.vector_load %arg10[%get3A_651] {strides = array<i32>} : memref<1664xi32, #tpu.memory_space<vmem>>, vector<16xi32>,
      tpu.vector_store_idx %arg16[%get3A_652], %broadcast_in_dim3A_87 {add = true} : memref<10000xf32, #tpu.memory_space<vmem>>[vector<16xi32>], vector<16xf32>,
      %mul3A_653 = arith.constant 128 : i32
      %mul3A_654 = arith.muli %add3A_622, %mul3A_653 : i32
      %add3A_655 = arith.constant 80 : i32
      %add3A_656 = arith.addi %mul3A_654, %add3A_655 : i32
      %get3A_657 = arith.index_cast %add3A_656 : i32 to index
      %get3A_658 = tpu.vector_load %arg10[%get3A_657] {strides = array<i32>} : memref<1664xi32, #tpu.memory_space<vmem>>, vector<16xi32>,
      tpu.vector_store_idx %arg16[%get3A_658], %broadcast_in_dim3A_87 {add = true} : memref<10000xf32, #tpu.memory_space<vmem>>[vector<16xi32>], vector<16xf32>,
      %mul3A_659 = arith.constant 128 : i32
      %mul3A_660 = arith.muli %add3A_622, %mul3A_659 : i32
      %add3A_661 = arith.constant 96 : i32
      %add3A_662 = arith.addi %mul3A_660, %add3A_661 : i32
      %get3A_663 = arith.index_cast %add3A_662 : i32 to index
      %get3A_664 = tpu.vector_load %arg10[%get3A_663] {strides = array<i32>} : memref<1664xi32, #tpu.memory_space<vmem>>, vector<16xi32>,
      tpu.vector_store_idx %arg16[%get3A_664], %broadcast_in_dim3A_87 {add = true} : memref<10000xf32, #tpu.memory_space<vmem>>[vector<16xi32>], vector<16xf32>,
      %mul3A_665 = arith.constant 128 : i32
      %mul3A_666 = arith.muli %add3A_622, %mul3A_665 : i32
      %add3A_667 = arith.constant 112 : i32
      %add3A_668 = arith.addi %mul3A_666, %add3A_667 : i32
      %get3A_669 = arith.index_cast %add3A_668 : i32 to index
      %get3A_670 = tpu.vector_load %arg10[%get3A_669] {strides = array<i32>} : memref<1664xi32, #tpu.memory_space<vmem>>, vector<16xi32>,
      tpu.vector_store_idx %arg16[%get3A_670], %broadcast_in_dim3A_87 {add = true} : memref<10000xf32, #tpu.memory_space<vmem>>[vector<16xi32>], vector<16xf32>,
      %dma_wait3A_671 = arith.constant 0 : i32
      %dma_wait3A_672 = tpu.memref_slice %arg8[%dma_wait3A_671] : memref<1664xi32, #tpu.memory_space<vmem>> -> memref<128xi32, #tpu.memory_space<vmem>>
      %dma_wait3A_673 = arith.constant 0 : i32
      %dma_wait3A_674 = arith.constant 0 : i32
      %dma_wait3A_675 = tpu.memref_slice %arg3[%dma_wait3A_673, %dma_wait3A_674] : memref<10000x128xf32, #tpu.memory_space<hbm>> -> memref<10000x128xf32, #tpu.memory_space<hbm>>
      tpu.wait_indirect_dma semaphore(%arg19 : memref<!tpu.dma_semaphore, #tpu.memory_space<semaphore_mem>>) src(%dma_wait3A_675 : memref<10000x128xf32, #tpu.memory_space<hbm>>) dst(%arg15 : memref<128x128xf32, #tpu.memory_space<vmem>>)
      %add3A_676 = arith.constant 1 : i32
      %add3A_677 = arith.addi %mul3A_549, %add3A_676 : i32
      %mul3A_678 = arith.constant 128 : i32
      %mul3A_679 = arith.muli %add3A_677, %mul3A_678 : i32
      "tpu.region"() ({
        %run_scoped3A = tpu.sem_alloc : memref<!tpu.dma_semaphore, #tpu.memory_space<semaphore_mem>>
        %dma_start3A_680 = tpu.memref_slice %arg10[%mul3A_679] : memref<1664xi32, #tpu.memory_space<vmem>> -> memref<128xi32, #tpu.memory_space<vmem>>
        %dma_start3A_681 = arith.constant 0 : i32
        %dma_start3A_682 = arith.constant 0 : i32
        %dma_start3A_683 = tpu.memref_slice %arg17[%dma_start3A_681, %dma_start3A_682] : memref<10000x128xf32, #tpu.memory_space<vmem_shared>> -> memref<10000x128xf32, #tpu.memory_space<vmem_shared>>
        tpu.enqueue_indirect_dma source(%arg15 : memref<128x128xf32, #tpu.memory_space<vmem>>) target(%dma_start3A_683 : memref<10000x128xf32, #tpu.memory_space<vmem_shared>>) offsets(%dma_start3A_680 : memref<128xi32, #tpu.memory_space<vmem>>) semaphore(%run_scoped3A : memref<!tpu.dma_semaphore, #tpu.memory_space<semaphore_mem>>) {add = true}
        %dma_wait3A_684 = tpu.memref_slice %arg10[%mul3A_679] : memref<1664xi32, #tpu.memory_space<vmem>> -> memref<128xi32, #tpu.memory_space<vmem>>
        %dma_wait3A_685 = arith.constant 0 : i32
        %dma_wait3A_686 = arith.constant 0 : i32
        %dma_wait3A_687 = tpu.memref_slice %arg17[%dma_wait3A_685, %dma_wait3A_686] : memref<10000x128xf32, #tpu.memory_space<vmem_shared>> -> memref<10000x128xf32, #tpu.memory_space<vmem_shared>>
        tpu.wait_indirect_dma semaphore(%run_scoped3A : memref<!tpu.dma_semaphore, #tpu.memory_space<semaphore_mem>>) src(%arg15 : memref<128x128xf32, #tpu.memory_space<vmem>>) dst(%dma_wait3A_687 : memref<10000x128xf32, #tpu.memory_space<vmem_shared>>)
        tpu.yield
      }) : () -> ()
    }
    %scan3A_264 = arith.constant 6 : i32
    %dma_wait3A_265 = arith.constant 0 : i32
    %dma_wait3A_266 = arith.constant 0 : i32
    %dma_wait3A_267 = tpu.memref_slice %arg2[%dma_wait3A_265, %dma_wait3A_266] : memref<2x320000xi32, #tpu.memory_space<hbm>> -> memref<1x320000xi32, #tpu.memory_space<hbm>>
    %dma_wait3A_268 = tpu.memref_squeeze %dma_wait3A_267 : memref<1x320000xi32, #tpu.memory_space<hbm>> -> memref<320000xi32, #tpu.memory_space<hbm>>
    %dma_wait3A_269 = arith.constant 0 : i32
    %dma_wait3A_270 = tpu.memref_slice %dma_wait3A_268[%dma_wait3A_269] : memref<320000xi32, #tpu.memory_space<hbm>> -> memref<1664xi32, #tpu.memory_space<hbm>>
    %dma_wait3A_271 = arith.constant 0 : i32
    %dma_wait3A_272 = tpu.memref_slice %arg2[%dma_wait3A_265, %dma_wait3A_271] : memref<2x320000xi32, #tpu.memory_space<hbm>> -> memref<1x320000xi32, #tpu.memory_space<hbm>>
    %dma_wait3A_273 = tpu.memref_squeeze %dma_wait3A_272 : memref<1x320000xi32, #tpu.memory_space<hbm>> -> memref<320000xi32, #tpu.memory_space<hbm>>
    %dma_wait3A_274 = arith.constant 0 : i32
    %dma_wait3A_275 = tpu.memref_slice %dma_wait3A_273[%dma_wait3A_274] : memref<320000xi32, #tpu.memory_space<hbm>> -> memref<1664xi32, #tpu.memory_space<hbm>>
    tpu.wait_dma2 semaphore(%arg20 : memref<!tpu.dma_semaphore, #tpu.memory_space<semaphore_mem>>) src(%dma_wait3A_275 : memref<1664xi32, #tpu.memory_space<hbm>>) dst(%arg9 : memref<1664xi32, #tpu.memory_space<vmem>>)
    %dma_wait3A_276 = arith.constant 1 : i32
    %dma_wait3A_277 = arith.constant 0 : i32
    %dma_wait3A_278 = tpu.memref_slice %arg2[%dma_wait3A_276, %dma_wait3A_277] : memref<2x320000xi32, #tpu.memory_space<hbm>> -> memref<1x320000xi32, #tpu.memory_space<hbm>>
    %dma_wait3A_279 = tpu.memref_squeeze %dma_wait3A_278 : memref<1x320000xi32, #tpu.memory_space<hbm>> -> memref<320000xi32, #tpu.memory_space<hbm>>
    %dma_wait3A_280 = arith.constant 0 : i32
    %dma_wait3A_281 = tpu.memref_slice %dma_wait3A_279[%dma_wait3A_280] : memref<320000xi32, #tpu.memory_space<hbm>> -> memref<1664xi32, #tpu.memory_space<hbm>>
    %dma_wait3A_282 = arith.constant 0 : i32
    %dma_wait3A_283 = tpu.memref_slice %arg2[%dma_wait3A_276, %dma_wait3A_282] : memref<2x320000xi32, #tpu.memory_space<hbm>> -> memref<1x320000xi32, #tpu.memory_space<hbm>>
    %dma_wait3A_284 = tpu.memref_squeeze %dma_wait3A_283 : memref<1x320000xi32, #tpu.memory_space<hbm>> -> memref<320000xi32, #tpu.memory_space<hbm>>
    %dma_wait3A_285 = arith.constant 0 : i32
    %dma_wait3A_286 = tpu.memref_slice %dma_wait3A_284[%dma_wait3A_285] : memref<320000xi32, #tpu.memory_space<hbm>> -> memref<1664xi32, #tpu.memory_space<hbm>>
    tpu.wait_dma2 semaphore(%arg20 : memref<!tpu.dma_semaphore, #tpu.memory_space<semaphore_mem>>) src(%dma_wait3A_286 : memref<1664xi32, #tpu.memory_space<hbm>>) dst(%arg11 : memref<1664xi32, #tpu.memory_space<vmem>>)
    %dma_start3A_287 = arith.constant 0 : i32
    %dma_start3A_288 = tpu.memref_slice %arg9[%dma_start3A_287] : memref<1664xi32, #tpu.memory_space<vmem>> -> memref<128xi32, #tpu.memory_space<vmem>>
    %dma_start3A_289 = arith.constant 0 : i32
    %dma_start3A_290 = arith.constant 0 : i32
    %dma_start3A_291 = tpu.memref_slice %arg3[%dma_start3A_289, %dma_start3A_290] : memref<10000x128xf32, #tpu.memory_space<hbm>> -> memref<10000x128xf32, #tpu.memory_space<hbm>>
    tpu.enqueue_indirect_dma source(%dma_start3A_291 : memref<10000x128xf32, #tpu.memory_space<hbm>>) target(%arg15 : memref<128x128xf32, #tpu.memory_space<vmem>>) offsets(%dma_start3A_288 : memref<128xi32, #tpu.memory_space<vmem>>) semaphore(%arg19 : memref<!tpu.dma_semaphore, #tpu.memory_space<semaphore_mem>>)
    %get3A_292 = arith.constant 1536 : index
    %get3A_293 = tpu.vector_load %arg10[%get3A_292] {strides = array<i32>} : memref<1664xi32, #tpu.memory_space<vmem>>, vector<16xi32>,
    tpu.vector_store_idx %arg16[%get3A_293], %broadcast_in_dim3A_87 {add = true} : memref<10000xf32, #tpu.memory_space<vmem>>[vector<16xi32>], vector<16xf32>,
    %get3A_294 = arith.constant 1552 : index
    %get3A_295 = tpu.vector_load %arg10[%get3A_294] {strides = array<i32>} : memref<1664xi32, #tpu.memory_space<vmem>>, vector<16xi32>,
    tpu.vector_store_idx %arg16[%get3A_295], %broadcast_in_dim3A_87 {add = true} : memref<10000xf32, #tpu.memory_space<vmem>>[vector<16xi32>], vector<16xf32>,
    %get3A_296 = arith.constant 1568 : index
    %get3A_297 = tpu.vector_load %arg10[%get3A_296] {strides = array<i32>} : memref<1664xi32, #tpu.memory_space<vmem>>, vector<16xi32>,
    tpu.vector_store_idx %arg16[%get3A_297], %broadcast_in_dim3A_87 {add = true} : memref<10000xf32, #tpu.memory_space<vmem>>[vector<16xi32>], vector<16xf32>,
    %get3A_298 = arith.constant 1584 : index
    %get3A_299 = tpu.vector_load %arg10[%get3A_298] {strides = array<i32>} : memref<1664xi32, #tpu.memory_space<vmem>>, vector<16xi32>,
    tpu.vector_store_idx %arg16[%get3A_299], %broadcast_in_dim3A_87 {add = true} : memref<10000xf32, #tpu.memory_space<vmem>>[vector<16xi32>], vector<16xf32>,
    %get3A_300 = arith.constant 1600 : index
    %get3A_301 = tpu.vector_load %arg10[%get3A_300] {strides = array<i32>} : memref<1664xi32, #tpu.memory_space<vmem>>, vector<16xi32>,
    tpu.vector_store_idx %arg16[%get3A_301], %broadcast_in_dim3A_87 {add = true} : memref<10000xf32, #tpu.memory_space<vmem>>[vector<16xi32>], vector<16xf32>,
    %get3A_302 = arith.constant 1616 : index
    %get3A_303 = tpu.vector_load %arg10[%get3A_302] {strides = array<i32>} : memref<1664xi32, #tpu.memory_space<vmem>>, vector<16xi32>,
    tpu.vector_store_idx %arg16[%get3A_303], %broadcast_in_dim3A_87 {add = true} : memref<10000xf32, #tpu.memory_space<vmem>>[vector<16xi32>], vector<16xf32>,
    %get3A_304 = arith.constant 1632 : index
    %get3A_305 = tpu.vector_load %arg10[%get3A_304] {strides = array<i32>} : memref<1664xi32, #tpu.memory_space<vmem>>, vector<16xi32>,
    tpu.vector_store_idx %arg16[%get3A_305], %broadcast_in_dim3A_87 {add = true} : memref<10000xf32, #tpu.memory_space<vmem>>[vector<16xi32>], vector<16xf32>,
    %get3A_306 = arith.constant 1648 : index
    %get3A_307 = tpu.vector_load %arg10[%get3A_306] {strides = array<i32>} : memref<1664xi32, #tpu.memory_space<vmem>>, vector<16xi32>,
    tpu.vector_store_idx %arg16[%get3A_307], %broadcast_in_dim3A_87 {add = true} : memref<10000xf32, #tpu.memory_space<vmem>>[vector<16xi32>], vector<16xf32>,
    %dma_wait3A_308 = arith.constant 0 : i32
    %dma_wait3A_309 = tpu.memref_slice %arg8[%dma_wait3A_308] : memref<1664xi32, #tpu.memory_space<vmem>> -> memref<128xi32, #tpu.memory_space<vmem>>
    %dma_wait3A_310 = arith.constant 0 : i32
    %dma_wait3A_311 = arith.constant 0 : i32
    %dma_wait3A_312 = tpu.memref_slice %arg3[%dma_wait3A_310, %dma_wait3A_311] : memref<10000x128xf32, #tpu.memory_space<hbm>> -> memref<10000x128xf32, #tpu.memory_space<hbm>>
    tpu.wait_indirect_dma semaphore(%arg18 : memref<!tpu.dma_semaphore, #tpu.memory_space<semaphore_mem>>) src(%dma_wait3A_312 : memref<10000x128xf32, #tpu.memory_space<hbm>>) dst(%arg14 : memref<128x128xf32, #tpu.memory_space<vmem>>)
    "tpu.region"() ({
      %run_scoped3A = tpu.sem_alloc : memref<!tpu.dma_semaphore, #tpu.memory_space<semaphore_mem>>
      %dma_start3A_547 = arith.constant 1536 : i32
      %dma_start3A_548 = tpu.memref_slice %arg10[%dma_start3A_547] : memref<1664xi32, #tpu.memory_space<vmem>> -> memref<128xi32, #tpu.memory_space<vmem>>
      %dma_start3A_549 = arith.constant 0 : i32
      %dma_start3A_550 = arith.constant 0 : i32
      %dma_start3A_551 = tpu.memref_slice %arg17[%dma_start3A_549, %dma_start3A_550] : memref<10000x128xf32, #tpu.memory_space<vmem_shared>> -> memref<10000x128xf32, #tpu.memory_space<vmem_shared>>
      tpu.enqueue_indirect_dma source(%arg14 : memref<128x128xf32, #tpu.memory_space<vmem>>) target(%dma_start3A_551 : memref<10000x128xf32, #tpu.memory_space<vmem_shared>>) offsets(%dma_start3A_548 : memref<128xi32, #tpu.memory_space<vmem>>) semaphore(%run_scoped3A : memref<!tpu.dma_semaphore, #tpu.memory_space<semaphore_mem>>) {add = true}
      %dma_wait3A_552 = arith.constant 1536 : i32
      %dma_wait3A_553 = tpu.memref_slice %arg10[%dma_wait3A_552] : memref<1664xi32, #tpu.memory_space<vmem>> -> memref<128xi32, #tpu.memory_space<vmem>>
      %dma_wait3A_554 = arith.constant 0 : i32
      %dma_wait3A_555 = arith.constant 0 : i32
      %dma_wait3A_556 = tpu.memref_slice %arg17[%dma_wait3A_554, %dma_wait3A_555] : memref<10000x128xf32, #tpu.memory_space<vmem_shared>> -> memref<10000x128xf32, #tpu.memory_space<vmem_shared>>
      tpu.wait_indirect_dma semaphore(%run_scoped3A : memref<!tpu.dma_semaphore, #tpu.memory_space<semaphore_mem>>) src(%arg14 : memref<128x128xf32, #tpu.memory_space<vmem>>) dst(%dma_wait3A_556 : memref<10000x128xf32, #tpu.memory_space<vmem_shared>>)
      tpu.yield
    }) : () -> ()
    %add3A_313 = arith.constant 6656 : i32
    %add3A_314 = arith.addi %mul3A_4, %add3A_313 : i32
    %dma_start3A_315 = arith.constant 0 : i32
    %dma_start3A_316 = arith.constant 0 : i32
    %dma_start3A_317 = tpu.memref_slice %arg2[%dma_start3A_315, %dma_start3A_316] : memref<2x320000xi32, #tpu.memory_space<hbm>> -> memref<1x320000xi32, #tpu.memory_space<hbm>>
    %dma_start3A_318 = tpu.memref_squeeze %dma_start3A_317 : memref<1x320000xi32, #tpu.memory_space<hbm>> -> memref<320000xi32, #tpu.memory_space<hbm>>
    %dma_start3A_319 = tpu.memref_slice %dma_start3A_318[%add3A_314] : memref<320000xi32, #tpu.memory_space<hbm>> -> memref<1664xi32, #tpu.memory_space<hbm>>
    %dma_start3A_320 = arith.constant 0 : i32
    %dma_start3A_321 = tpu.memref_slice %arg2[%dma_start3A_315, %dma_start3A_320] : memref<2x320000xi32, #tpu.memory_space<hbm>> -> memref<1x320000xi32, #tpu.memory_space<hbm>>
    %dma_start3A_322 = tpu.memref_squeeze %dma_start3A_321 : memref<1x320000xi32, #tpu.memory_space<hbm>> -> memref<320000xi32, #tpu.memory_space<hbm>>
    %dma_start3A_323 = tpu.memref_slice %dma_start3A_322[%add3A_314] : memref<320000xi32, #tpu.memory_space<hbm>> -> memref<1664xi32, #tpu.memory_space<hbm>>
    tpu.enqueue_dma source(%dma_start3A_323 : memref<1664xi32, #tpu.memory_space<hbm>>) target(%arg8 : memref<1664xi32, #tpu.memory_space<vmem>>) target_semaphore(%arg20 : memref<!tpu.dma_semaphore, #tpu.memory_space<semaphore_mem>>)
    %dma_start3A_324 = arith.constant 1 : i32
    %dma_start3A_325 = arith.constant 0 : i32
    %dma_start3A_326 = tpu.memref_slice %arg2[%dma_start3A_324, %dma_start3A_325] : memref<2x320000xi32, #tpu.memory_space<hbm>> -> memref<1x320000xi32, #tpu.memory_space<hbm>>
    %dma_start3A_327 = tpu.memref_squeeze %dma_start3A_326 : memref<1x320000xi32, #tpu.memory_space<hbm>> -> memref<320000xi32, #tpu.memory_space<hbm>>
    %dma_start3A_328 = tpu.memref_slice %dma_start3A_327[%add3A_314] : memref<320000xi32, #tpu.memory_space<hbm>> -> memref<1664xi32, #tpu.memory_space<hbm>>
    %dma_start3A_329 = arith.constant 0 : i32
    %dma_start3A_330 = tpu.memref_slice %arg2[%dma_start3A_324, %dma_start3A_329] : memref<2x320000xi32, #tpu.memory_space<hbm>> -> memref<1x320000xi32, #tpu.memory_space<hbm>>
    %dma_start3A_331 = tpu.memref_squeeze %dma_start3A_330 : memref<1x320000xi32, #tpu.memory_space<hbm>> -> memref<320000xi32, #tpu.memory_space<hbm>>
    %dma_start3A_332 = tpu.memref_slice %dma_start3A_331[%add3A_314] : memref<320000xi32, #tpu.memory_space<hbm>> -> memref<1664xi32, #tpu.memory_space<hbm>>
    tpu.enqueue_dma source(%dma_start3A_332 : memref<1664xi32, #tpu.memory_space<hbm>>) target(%arg10 : memref<1664xi32, #tpu.memory_space<vmem>>) target_semaphore(%arg20 : memref<!tpu.dma_semaphore, #tpu.memory_space<semaphore_mem>>)
    %scan3A_333 = arith.constant 0 : i32
    %scan3A_334 = arith.constant 0 : i32
    %scan3A_335 = arith.constant 6 : i32
    %scan3A_336 = arith.addi %scan3A_334, %scan3A_335 : i32
    %scan3A_337 = arith.constant 1 : i32
    scf.for %scan3A_547 = %scan3A_334 to %scan3A_336 step %scan3A_337  : i32 {
      %mul3A_548 = arith.constant 2 : i32
      %mul3A_549 = arith.muli %mul3A_548, %scan3A_547 : i32
      %add3A_550 = arith.constant 1 : i32
      %add3A_551 = arith.addi %mul3A_549, %add3A_550 : i32
      %mul3A_552 = arith.constant 128 : i32
      %mul3A_553 = arith.muli %add3A_551, %mul3A_552 : i32
      %dma_start3A_554 = tpu.memref_slice %arg9[%mul3A_553] : memref<1664xi32, #tpu.memory_space<vmem>> -> memref<128xi32, #tpu.memory_space<vmem>>
      %dma_start3A_555 = arith.constant 0 : i32
      %dma_start3A_556 = arith.constant 0 : i32
      %dma_start3A_557 = tpu.memref_slice %arg3[%dma_start3A_555, %dma_start3A_556] : memref<10000x128xf32, #tpu.memory_space<hbm>> -> memref<10000x128xf32, #tpu.memory_space<hbm>>
      tpu.enqueue_indirect_dma source(%dma_start3A_557 : memref<10000x128xf32, #tpu.memory_space<hbm>>) target(%arg14 : memref<128x128xf32, #tpu.memory_space<vmem>>) offsets(%dma_start3A_554 : memref<128xi32, #tpu.memory_space<vmem>>) semaphore(%arg18 : memref<!tpu.dma_semaphore, #tpu.memory_space<semaphore_mem>>)
      %mul3A_558 = arith.constant 128 : i32
      %mul3A_559 = arith.muli %mul3A_549, %mul3A_558 : i32
      %add3A_560 = arith.constant 0 : i32
      %add3A_561 = arith.addi %mul3A_559, %add3A_560 : i32
      %get3A_562 = arith.index_cast %add3A_561 : i32 to index
      %get3A_563 = tpu.vector_load %arg11[%get3A_562] {strides = array<i32>} : memref<1664xi32, #tpu.memory_space<vmem>>, vector<16xi32>,
      tpu.vector_store_idx %arg16[%get3A_563], %broadcast_in_dim3A_87 {add = true} : memref<10000xf32, #tpu.memory_space<vmem>>[vector<16xi32>], vector<16xf32>,
      %mul3A_564 = arith.constant 128 : i32
      %mul3A_565 = arith.muli %mul3A_549, %mul3A_564 : i32
      %add3A_566 = arith.constant 16 : i32
      %add3A_567 = arith.addi %mul3A_565, %add3A_566 : i32
      %get3A_568 = arith.index_cast %add3A_567 : i32 to index
      %get3A_569 = tpu.vector_load %arg11[%get3A_568] {strides = array<i32>} : memref<1664xi32, #tpu.memory_space<vmem>>, vector<16xi32>,
      tpu.vector_store_idx %arg16[%get3A_569], %broadcast_in_dim3A_87 {add = true} : memref<10000xf32, #tpu.memory_space<vmem>>[vector<16xi32>], vector<16xf32>,
      %mul3A_570 = arith.constant 128 : i32
      %mul3A_571 = arith.muli %mul3A_549, %mul3A_570 : i32
      %add3A_572 = arith.constant 32 : i32
      %add3A_573 = arith.addi %mul3A_571, %add3A_572 : i32
      %get3A_574 = arith.index_cast %add3A_573 : i32 to index
      %get3A_575 = tpu.vector_load %arg11[%get3A_574] {strides = array<i32>} : memref<1664xi32, #tpu.memory_space<vmem>>, vector<16xi32>,
      tpu.vector_store_idx %arg16[%get3A_575], %broadcast_in_dim3A_87 {add = true} : memref<10000xf32, #tpu.memory_space<vmem>>[vector<16xi32>], vector<16xf32>,
      %mul3A_576 = arith.constant 128 : i32
      %mul3A_577 = arith.muli %mul3A_549, %mul3A_576 : i32
      %add3A_578 = arith.constant 48 : i32
      %add3A_579 = arith.addi %mul3A_577, %add3A_578 : i32
      %get3A_580 = arith.index_cast %add3A_579 : i32 to index
      %get3A_581 = tpu.vector_load %arg11[%get3A_580] {strides = array<i32>} : memref<1664xi32, #tpu.memory_space<vmem>>, vector<16xi32>,
      tpu.vector_store_idx %arg16[%get3A_581], %broadcast_in_dim3A_87 {add = true} : memref<10000xf32, #tpu.memory_space<vmem>>[vector<16xi32>], vector<16xf32>,
      %mul3A_582 = arith.constant 128 : i32
      %mul3A_583 = arith.muli %mul3A_549, %mul3A_582 : i32
      %add3A_584 = arith.constant 64 : i32
      %add3A_585 = arith.addi %mul3A_583, %add3A_584 : i32
      %get3A_586 = arith.index_cast %add3A_585 : i32 to index
      %get3A_587 = tpu.vector_load %arg11[%get3A_586] {strides = array<i32>} : memref<1664xi32, #tpu.memory_space<vmem>>, vector<16xi32>,
      tpu.vector_store_idx %arg16[%get3A_587], %broadcast_in_dim3A_87 {add = true} : memref<10000xf32, #tpu.memory_space<vmem>>[vector<16xi32>], vector<16xf32>,
      %mul3A_588 = arith.constant 128 : i32
      %mul3A_589 = arith.muli %mul3A_549, %mul3A_588 : i32
      %add3A_590 = arith.constant 80 : i32
      %add3A_591 = arith.addi %mul3A_589, %add3A_590 : i32
      %get3A_592 = arith.index_cast %add3A_591 : i32 to index
      %get3A_593 = tpu.vector_load %arg11[%get3A_592] {strides = array<i32>} : memref<1664xi32, #tpu.memory_space<vmem>>, vector<16xi32>,
      tpu.vector_store_idx %arg16[%get3A_593], %broadcast_in_dim3A_87 {add = true} : memref<10000xf32, #tpu.memory_space<vmem>>[vector<16xi32>], vector<16xf32>,
      %mul3A_594 = arith.constant 128 : i32
      %mul3A_595 = arith.muli %mul3A_549, %mul3A_594 : i32
      %add3A_596 = arith.constant 96 : i32
      %add3A_597 = arith.addi %mul3A_595, %add3A_596 : i32
      %get3A_598 = arith.index_cast %add3A_597 : i32 to index
      %get3A_599 = tpu.vector_load %arg11[%get3A_598] {strides = array<i32>} : memref<1664xi32, #tpu.memory_space<vmem>>, vector<16xi32>,
      tpu.vector_store_idx %arg16[%get3A_599], %broadcast_in_dim3A_87 {add = true} : memref<10000xf32, #tpu.memory_space<vmem>>[vector<16xi32>], vector<16xf32>,
      %mul3A_600 = arith.constant 128 : i32
      %mul3A_601 = arith.muli %mul3A_549, %mul3A_600 : i32
      %add3A_602 = arith.constant 112 : i32
      %add3A_603 = arith.addi %mul3A_601, %add3A_602 : i32
      %get3A_604 = arith.index_cast %add3A_603 : i32 to index
      %get3A_605 = tpu.vector_load %arg11[%get3A_604] {strides = array<i32>} : memref<1664xi32, #tpu.memory_space<vmem>>, vector<16xi32>,
      tpu.vector_store_idx %arg16[%get3A_605], %broadcast_in_dim3A_87 {add = true} : memref<10000xf32, #tpu.memory_space<vmem>>[vector<16xi32>], vector<16xf32>,
      %dma_wait3A_606 = arith.constant 0 : i32
      %dma_wait3A_607 = tpu.memref_slice %arg8[%dma_wait3A_606] : memref<1664xi32, #tpu.memory_space<vmem>> -> memref<128xi32, #tpu.memory_space<vmem>>
      %dma_wait3A_608 = arith.constant 0 : i32
      %dma_wait3A_609 = arith.constant 0 : i32
      %dma_wait3A_610 = tpu.memref_slice %arg3[%dma_wait3A_608, %dma_wait3A_609] : memref<10000x128xf32, #tpu.memory_space<hbm>> -> memref<10000x128xf32, #tpu.memory_space<hbm>>
      tpu.wait_indirect_dma semaphore(%arg19 : memref<!tpu.dma_semaphore, #tpu.memory_space<semaphore_mem>>) src(%dma_wait3A_610 : memref<10000x128xf32, #tpu.memory_space<hbm>>) dst(%arg15 : memref<128x128xf32, #tpu.memory_space<vmem>>)
      %mul3A_611 = arith.constant 128 : i32
      %mul3A_612 = arith.muli %mul3A_549, %mul3A_611 : i32
      "tpu.region"() ({
        %run_scoped3A = tpu.sem_alloc : memref<!tpu.dma_semaphore, #tpu.memory_space<semaphore_mem>>
        %dma_start3A_680 = tpu.memref_slice %arg11[%mul3A_612] : memref<1664xi32, #tpu.memory_space<vmem>> -> memref<128xi32, #tpu.memory_space<vmem>>
        %dma_start3A_681 = arith.constant 0 : i32
        %dma_start3A_682 = arith.constant 0 : i32
        %dma_start3A_683 = tpu.memref_slice %arg17[%dma_start3A_681, %dma_start3A_682] : memref<10000x128xf32, #tpu.memory_space<vmem_shared>> -> memref<10000x128xf32, #tpu.memory_space<vmem_shared>>
        tpu.enqueue_indirect_dma source(%arg15 : memref<128x128xf32, #tpu.memory_space<vmem>>) target(%dma_start3A_683 : memref<10000x128xf32, #tpu.memory_space<vmem_shared>>) offsets(%dma_start3A_680 : memref<128xi32, #tpu.memory_space<vmem>>) semaphore(%run_scoped3A : memref<!tpu.dma_semaphore, #tpu.memory_space<semaphore_mem>>) {add = true}
        %dma_wait3A_684 = tpu.memref_slice %arg11[%mul3A_612] : memref<1664xi32, #tpu.memory_space<vmem>> -> memref<128xi32, #tpu.memory_space<vmem>>
        %dma_wait3A_685 = arith.constant 0 : i32
        %dma_wait3A_686 = arith.constant 0 : i32
        %dma_wait3A_687 = tpu.memref_slice %arg17[%dma_wait3A_685, %dma_wait3A_686] : memref<10000x128xf32, #tpu.memory_space<vmem_shared>> -> memref<10000x128xf32, #tpu.memory_space<vmem_shared>>
        tpu.wait_indirect_dma semaphore(%run_scoped3A : memref<!tpu.dma_semaphore, #tpu.memory_space<semaphore_mem>>) src(%arg15 : memref<128x128xf32, #tpu.memory_space<vmem>>) dst(%dma_wait3A_687 : memref<10000x128xf32, #tpu.memory_space<vmem_shared>>)
        tpu.yield
      }) : () -> ()
      %add3A_613 = arith.constant 2 : i32
      %add3A_614 = arith.addi %mul3A_549, %add3A_613 : i32
      %mul3A_615 = arith.constant 128 : i32
      %mul3A_616 = arith.muli %add3A_614, %mul3A_615 : i32
      %dma_start3A_617 = tpu.memref_slice %arg9[%mul3A_616] : memref<1664xi32, #tpu.memory_space<vmem>> -> memref<128xi32, #tpu.memory_space<vmem>>
      %dma_start3A_618 = arith.constant 0 : i32
      %dma_start3A_619 = arith.constant 0 : i32
      %dma_start3A_620 = tpu.memref_slice %arg3[%dma_start3A_618, %dma_start3A_619] : memref<10000x128xf32, #tpu.memory_space<hbm>> -> memref<10000x128xf32, #tpu.memory_space<hbm>>
      tpu.enqueue_indirect_dma source(%dma_start3A_620 : memref<10000x128xf32, #tpu.memory_space<hbm>>) target(%arg15 : memref<128x128xf32, #tpu.memory_space<vmem>>) offsets(%dma_start3A_617 : memref<128xi32, #tpu.memory_space<vmem>>) semaphore(%arg19 : memref<!tpu.dma_semaphore, #tpu.memory_space<semaphore_mem>>)
      %add3A_621 = arith.constant 1 : i32
      %add3A_622 = arith.addi %mul3A_549, %add3A_621 : i32
      %mul3A_623 = arith.constant 128 : i32
      %mul3A_624 = arith.muli %add3A_622, %mul3A_623 : i32
      %add3A_625 = arith.constant 0 : i32
      %add3A_626 = arith.addi %mul3A_624, %add3A_625 : i32
      %get3A_627 = arith.index_cast %add3A_626 : i32 to index
      %get3A_628 = tpu.vector_load %arg11[%get3A_627] {strides = array<i32>} : memref<1664xi32, #tpu.memory_space<vmem>>, vector<16xi32>,
      tpu.vector_store_idx %arg16[%get3A_628], %broadcast_in_dim3A_87 {add = true} : memref<10000xf32, #tpu.memory_space<vmem>>[vector<16xi32>], vector<16xf32>,
      %mul3A_629 = arith.constant 128 : i32
      %mul3A_630 = arith.muli %add3A_622, %mul3A_629 : i32
      %add3A_631 = arith.constant 16 : i32
      %add3A_632 = arith.addi %mul3A_630, %add3A_631 : i32
      %get3A_633 = arith.index_cast %add3A_632 : i32 to index
      %get3A_634 = tpu.vector_load %arg11[%get3A_633] {strides = array<i32>} : memref<1664xi32, #tpu.memory_space<vmem>>, vector<16xi32>,
      tpu.vector_store_idx %arg16[%get3A_634], %broadcast_in_dim3A_87 {add = true} : memref<10000xf32, #tpu.memory_space<vmem>>[vector<16xi32>], vector<16xf32>,
      %mul3A_635 = arith.constant 128 : i32
      %mul3A_636 = arith.muli %add3A_622, %mul3A_635 : i32
      %add3A_637 = arith.constant 32 : i32
      %add3A_638 = arith.addi %mul3A_636, %add3A_637 : i32
      %get3A_639 = arith.index_cast %add3A_638 : i32 to index
      %get3A_640 = tpu.vector_load %arg11[%get3A_639] {strides = array<i32>} : memref<1664xi32, #tpu.memory_space<vmem>>, vector<16xi32>,
      tpu.vector_store_idx %arg16[%get3A_640], %broadcast_in_dim3A_87 {add = true} : memref<10000xf32, #tpu.memory_space<vmem>>[vector<16xi32>], vector<16xf32>,
      %mul3A_641 = arith.constant 128 : i32
      %mul3A_642 = arith.muli %add3A_622, %mul3A_641 : i32
      %add3A_643 = arith.constant 48 : i32
      %add3A_644 = arith.addi %mul3A_642, %add3A_643 : i32
      %get3A_645 = arith.index_cast %add3A_644 : i32 to index
      %get3A_646 = tpu.vector_load %arg11[%get3A_645] {strides = array<i32>} : memref<1664xi32, #tpu.memory_space<vmem>>, vector<16xi32>,
      tpu.vector_store_idx %arg16[%get3A_646], %broadcast_in_dim3A_87 {add = true} : memref<10000xf32, #tpu.memory_space<vmem>>[vector<16xi32>], vector<16xf32>,
      %mul3A_647 = arith.constant 128 : i32
      %mul3A_648 = arith.muli %add3A_622, %mul3A_647 : i32
      %add3A_649 = arith.constant 64 : i32
      %add3A_650 = arith.addi %mul3A_648, %add3A_649 : i32
      %get3A_651 = arith.index_cast %add3A_650 : i32 to index
      %get3A_652 = tpu.vector_load %arg11[%get3A_651] {strides = array<i32>} : memref<1664xi32, #tpu.memory_space<vmem>>, vector<16xi32>,
      tpu.vector_store_idx %arg16[%get3A_652], %broadcast_in_dim3A_87 {add = true} : memref<10000xf32, #tpu.memory_space<vmem>>[vector<16xi32>], vector<16xf32>,
      %mul3A_653 = arith.constant 128 : i32
      %mul3A_654 = arith.muli %add3A_622, %mul3A_653 : i32
      %add3A_655 = arith.constant 80 : i32
      %add3A_656 = arith.addi %mul3A_654, %add3A_655 : i32
      %get3A_657 = arith.index_cast %add3A_656 : i32 to index
      %get3A_658 = tpu.vector_load %arg11[%get3A_657] {strides = array<i32>} : memref<1664xi32, #tpu.memory_space<vmem>>, vector<16xi32>,
      tpu.vector_store_idx %arg16[%get3A_658], %broadcast_in_dim3A_87 {add = true} : memref<10000xf32, #tpu.memory_space<vmem>>[vector<16xi32>], vector<16xf32>,
      %mul3A_659 = arith.constant 128 : i32
      %mul3A_660 = arith.muli %add3A_622, %mul3A_659 : i32
      %add3A_661 = arith.constant 96 : i32
      %add3A_662 = arith.addi %mul3A_660, %add3A_661 : i32
      %get3A_663 = arith.index_cast %add3A_662 : i32 to index
      %get3A_664 = tpu.vector_load %arg11[%get3A_663] {strides = array<i32>} : memref<1664xi32, #tpu.memory_space<vmem>>, vector<16xi32>,
      tpu.vector_store_idx %arg16[%get3A_664], %broadcast_in_dim3A_87 {add = true} : memref<10000xf32, #tpu.memory_space<vmem>>[vector<16xi32>], vector<16xf32>,
      %mul3A_665 = arith.constant 128 : i32
      %mul3A_666 = arith.muli %add3A_622, %mul3A_665 : i32
      %add3A_667 = arith.constant 112 : i32
      %add3A_668 = arith.addi %mul3A_666, %add3A_667 : i32
      %get3A_669 = arith.index_cast %add3A_668 : i32 to index
      %get3A_670 = tpu.vector_load %arg11[%get3A_669] {strides = array<i32>} : memref<1664xi32, #tpu.memory_space<vmem>>, vector<16xi32>,
      tpu.vector_store_idx %arg16[%get3A_670], %broadcast_in_dim3A_87 {add = true} : memref<10000xf32, #tpu.memory_space<vmem>>[vector<16xi32>], vector<16xf32>,
      %dma_wait3A_671 = arith.constant 0 : i32
      %dma_wait3A_672 = tpu.memref_slice %arg8[%dma_wait3A_671] : memref<1664xi32, #tpu.memory_space<vmem>> -> memref<128xi32, #tpu.memory_space<vmem>>
      %dma_wait3A_673 = arith.constant 0 : i32
      %dma_wait3A_674 = arith.constant 0 : i32
      %dma_wait3A_675 = tpu.memref_slice %arg3[%dma_wait3A_673, %dma_wait3A_674] : memref<10000x128xf32, #tpu.memory_space<hbm>> -> memref<10000x128xf32, #tpu.memory_space<hbm>>
      tpu.wait_indirect_dma semaphore(%arg18 : memref<!tpu.dma_semaphore, #tpu.memory_space<semaphore_mem>>) src(%dma_wait3A_675 : memref<10000x128xf32, #tpu.memory_space<hbm>>) dst(%arg14 : memref<128x128xf32, #tpu.memory_space<vmem>>)
      %add3A_676 = arith.constant 1 : i32
      %add3A_677 = arith.addi %mul3A_549, %add3A_676 : i32
      %mul3A_678 = arith.constant 128 : i32
      %mul3A_679 = arith.muli %add3A_677, %mul3A_678 : i32
      "tpu.region"() ({
        %run_scoped3A = tpu.sem_alloc : memref<!tpu.dma_semaphore, #tpu.memory_space<semaphore_mem>>
        %dma_start3A_680 = tpu.memref_slice %arg11[%mul3A_679] : memref<1664xi32, #tpu.memory_space<vmem>> -> memref<128xi32, #tpu.memory_space<vmem>>
        %dma_start3A_681 = arith.constant 0 : i32
        %dma_start3A_682 = arith.constant 0 : i32
        %dma_start3A_683 = tpu.memref_slice %arg17[%dma_start3A_681, %dma_start3A_682] : memref<10000x128xf32, #tpu.memory_space<vmem_shared>> -> memref<10000x128xf32, #tpu.memory_space<vmem_shared>>
        tpu.enqueue_indirect_dma source(%arg14 : memref<128x128xf32, #tpu.memory_space<vmem>>) target(%dma_start3A_683 : memref<10000x128xf32, #tpu.memory_space<vmem_shared>>) offsets(%dma_start3A_680 : memref<128xi32, #tpu.memory_space<vmem>>) semaphore(%run_scoped3A : memref<!tpu.dma_semaphore, #tpu.memory_space<semaphore_mem>>) {add = true}
        %dma_wait3A_684 = tpu.memref_slice %arg11[%mul3A_679] : memref<1664xi32, #tpu.memory_space<vmem>> -> memref<128xi32, #tpu.memory_space<vmem>>
        %dma_wait3A_685 = arith.constant 0 : i32
        %dma_wait3A_686 = arith.constant 0 : i32
        %dma_wait3A_687 = tpu.memref_slice %arg17[%dma_wait3A_685, %dma_wait3A_686] : memref<10000x128xf32, #tpu.memory_space<vmem_shared>> -> memref<10000x128xf32, #tpu.memory_space<vmem_shared>>
        tpu.wait_indirect_dma semaphore(%run_scoped3A : memref<!tpu.dma_semaphore, #tpu.memory_space<semaphore_mem>>) src(%arg14 : memref<128x128xf32, #tpu.memory_space<vmem>>) dst(%dma_wait3A_687 : memref<10000x128xf32, #tpu.memory_space<vmem_shared>>)
        tpu.yield
      }) : () -> ()
    }
    %scan3A_338 = arith.constant 6 : i32
    %dma_wait3A_339 = arith.constant 0 : i32
    %dma_wait3A_340 = arith.constant 0 : i32
    %dma_wait3A_341 = tpu.memref_slice %arg2[%dma_wait3A_339, %dma_wait3A_340] : memref<2x320000xi32, #tpu.memory_space<hbm>> -> memref<1x320000xi32, #tpu.memory_space<hbm>>
    %dma_wait3A_342 = tpu.memref_squeeze %dma_wait3A_341 : memref<1x320000xi32, #tpu.memory_space<hbm>> -> memref<320000xi32, #tpu.memory_space<hbm>>
    %dma_wait3A_343 = arith.constant 0 : i32
    %dma_wait3A_344 = tpu.memref_slice %dma_wait3A_342[%dma_wait3A_343] : memref<320000xi32, #tpu.memory_space<hbm>> -> memref<1664xi32, #tpu.memory_space<hbm>>
    %dma_wait3A_345 = arith.constant 0 : i32
    %dma_wait3A_346 = tpu.memref_slice %arg2[%dma_wait3A_339, %dma_wait3A_345] : memref<2x320000xi32, #tpu.memory_space<hbm>> -> memref<1x320000xi32, #tpu.memory_space<hbm>>
    %dma_wait3A_347 = tpu.memref_squeeze %dma_wait3A_346 : memref<1x320000xi32, #tpu.memory_space<hbm>> -> memref<320000xi32, #tpu.memory_space<hbm>>
    %dma_wait3A_348 = arith.constant 0 : i32
    %dma_wait3A_349 = tpu.memref_slice %dma_wait3A_347[%dma_wait3A_348] : memref<320000xi32, #tpu.memory_space<hbm>> -> memref<1664xi32, #tpu.memory_space<hbm>>
    tpu.wait_dma2 semaphore(%arg20 : memref<!tpu.dma_semaphore, #tpu.memory_space<semaphore_mem>>) src(%dma_wait3A_349 : memref<1664xi32, #tpu.memory_space<hbm>>) dst(%arg8 : memref<1664xi32, #tpu.memory_space<vmem>>)
    %dma_wait3A_350 = arith.constant 1 : i32
    %dma_wait3A_351 = arith.constant 0 : i32
    %dma_wait3A_352 = tpu.memref_slice %arg2[%dma_wait3A_350, %dma_wait3A_351] : memref<2x320000xi32, #tpu.memory_space<hbm>> -> memref<1x320000xi32, #tpu.memory_space<hbm>>
    %dma_wait3A_353 = tpu.memref_squeeze %dma_wait3A_352 : memref<1x320000xi32, #tpu.memory_space<hbm>> -> memref<320000xi32, #tpu.memory_space<hbm>>
    %dma_wait3A_354 = arith.constant 0 : i32
    %dma_wait3A_355 = tpu.memref_slice %dma_wait3A_353[%dma_wait3A_354] : memref<320000xi32, #tpu.memory_space<hbm>> -> memref<1664xi32, #tpu.memory_space<hbm>>
    %dma_wait3A_356 = arith.constant 0 : i32
    %dma_wait3A_357 = tpu.memref_slice %arg2[%dma_wait3A_350, %dma_wait3A_356] : memref<2x320000xi32, #tpu.memory_space<hbm>> -> memref<1x320000xi32, #tpu.memory_space<hbm>>
    %dma_wait3A_358 = tpu.memref_squeeze %dma_wait3A_357 : memref<1x320000xi32, #tpu.memory_space<hbm>> -> memref<320000xi32, #tpu.memory_space<hbm>>
    %dma_wait3A_359 = arith.constant 0 : i32
    %dma_wait3A_360 = tpu.memref_slice %dma_wait3A_358[%dma_wait3A_359] : memref<320000xi32, #tpu.memory_space<hbm>> -> memref<1664xi32, #tpu.memory_space<hbm>>
    tpu.wait_dma2 semaphore(%arg20 : memref<!tpu.dma_semaphore, #tpu.memory_space<semaphore_mem>>) src(%dma_wait3A_360 : memref<1664xi32, #tpu.memory_space<hbm>>) dst(%arg10 : memref<1664xi32, #tpu.memory_space<vmem>>)
    %dma_start3A_361 = arith.constant 0 : i32
    %dma_start3A_362 = tpu.memref_slice %arg8[%dma_start3A_361] : memref<1664xi32, #tpu.memory_space<vmem>> -> memref<128xi32, #tpu.memory_space<vmem>>
    %dma_start3A_363 = arith.constant 0 : i32
    %dma_start3A_364 = arith.constant 0 : i32
    %dma_start3A_365 = tpu.memref_slice %arg3[%dma_start3A_363, %dma_start3A_364] : memref<10000x128xf32, #tpu.memory_space<hbm>> -> memref<10000x128xf32, #tpu.memory_space<hbm>>
    tpu.enqueue_indirect_dma source(%dma_start3A_365 : memref<10000x128xf32, #tpu.memory_space<hbm>>) target(%arg14 : memref<128x128xf32, #tpu.memory_space<vmem>>) offsets(%dma_start3A_362 : memref<128xi32, #tpu.memory_space<vmem>>) semaphore(%arg18 : memref<!tpu.dma_semaphore, #tpu.memory_space<semaphore_mem>>)
    %get3A_366 = arith.constant 1536 : index
    %get3A_367 = tpu.vector_load %arg11[%get3A_366] {strides = array<i32>} : memref<1664xi32, #tpu.memory_space<vmem>>, vector<16xi32>,
    tpu.vector_store_idx %arg16[%get3A_367], %broadcast_in_dim3A_87 {add = true} : memref<10000xf32, #tpu.memory_space<vmem>>[vector<16xi32>], vector<16xf32>,
    %get3A_368 = arith.constant 1552 : index
    %get3A_369 = tpu.vector_load %arg11[%get3A_368] {strides = array<i32>} : memref<1664xi32, #tpu.memory_space<vmem>>, vector<16xi32>,
    tpu.vector_store_idx %arg16[%get3A_369], %broadcast_in_dim3A_87 {add = true} : memref<10000xf32, #tpu.memory_space<vmem>>[vector<16xi32>], vector<16xf32>,
    %get3A_370 = arith.constant 1568 : index
    %get3A_371 = tpu.vector_load %arg11[%get3A_370] {strides = array<i32>} : memref<1664xi32, #tpu.memory_space<vmem>>, vector<16xi32>,
    tpu.vector_store_idx %arg16[%get3A_371], %broadcast_in_dim3A_87 {add = true} : memref<10000xf32, #tpu.memory_space<vmem>>[vector<16xi32>], vector<16xf32>,
    %get3A_372 = arith.constant 1584 : index
    %get3A_373 = tpu.vector_load %arg11[%get3A_372] {strides = array<i32>} : memref<1664xi32, #tpu.memory_space<vmem>>, vector<16xi32>,
    tpu.vector_store_idx %arg16[%get3A_373], %broadcast_in_dim3A_87 {add = true} : memref<10000xf32, #tpu.memory_space<vmem>>[vector<16xi32>], vector<16xf32>,
    %get3A_374 = arith.constant 1600 : index
    %get3A_375 = tpu.vector_load %arg11[%get3A_374] {strides = array<i32>} : memref<1664xi32, #tpu.memory_space<vmem>>, vector<16xi32>,
    tpu.vector_store_idx %arg16[%get3A_375], %broadcast_in_dim3A_87 {add = true} : memref<10000xf32, #tpu.memory_space<vmem>>[vector<16xi32>], vector<16xf32>,
    %get3A_376 = arith.constant 1616 : index
    %get3A_377 = tpu.vector_load %arg11[%get3A_376] {strides = array<i32>} : memref<1664xi32, #tpu.memory_space<vmem>>, vector<16xi32>,
    tpu.vector_store_idx %arg16[%get3A_377], %broadcast_in_dim3A_87 {add = true} : memref<10000xf32, #tpu.memory_space<vmem>>[vector<16xi32>], vector<16xf32>,
    %get3A_378 = arith.constant 1632 : index
    %get3A_379 = tpu.vector_load %arg11[%get3A_378] {strides = array<i32>} : memref<1664xi32, #tpu.memory_space<vmem>>, vector<16xi32>,
    tpu.vector_store_idx %arg16[%get3A_379], %broadcast_in_dim3A_87 {add = true} : memref<10000xf32, #tpu.memory_space<vmem>>[vector<16xi32>], vector<16xf32>,
    %get3A_380 = arith.constant 1648 : index
    %get3A_381 = tpu.vector_load %arg11[%get3A_380] {strides = array<i32>} : memref<1664xi32, #tpu.memory_space<vmem>>, vector<16xi32>,
    tpu.vector_store_idx %arg16[%get3A_381], %broadcast_in_dim3A_87 {add = true} : memref<10000xf32, #tpu.memory_space<vmem>>[vector<16xi32>], vector<16xf32>,
    %dma_wait3A_382 = arith.constant 0 : i32
    %dma_wait3A_383 = tpu.memref_slice %arg8[%dma_wait3A_382] : memref<1664xi32, #tpu.memory_space<vmem>> -> memref<128xi32, #tpu.memory_space<vmem>>
    %dma_wait3A_384 = arith.constant 0 : i32
    %dma_wait3A_385 = arith.constant 0 : i32
    %dma_wait3A_386 = tpu.memref_slice %arg3[%dma_wait3A_384, %dma_wait3A_385] : memref<10000x128xf32, #tpu.memory_space<hbm>> -> memref<10000x128xf32, #tpu.memory_space<hbm>>
    tpu.wait_indirect_dma semaphore(%arg19 : memref<!tpu.dma_semaphore, #tpu.memory_space<semaphore_mem>>) src(%dma_wait3A_386 : memref<10000x128xf32, #tpu.memory_space<hbm>>) dst(%arg15 : memref<128x128xf32, #tpu.memory_space<vmem>>)
    "tpu.region"() ({
      %run_scoped3A = tpu.sem_alloc : memref<!tpu.dma_semaphore, #tpu.memory_space<semaphore_mem>>
      %dma_start3A_547 = arith.constant 1536 : i32
      %dma_start3A_548 = tpu.memref_slice %arg11[%dma_start3A_547] : memref<1664xi32, #tpu.memory_space<vmem>> -> memref<128xi32, #tpu.memory_space<vmem>>
      %dma_start3A_549 = arith.constant 0 : i32
      %dma_start3A_550 = arith.constant 0 : i32
      %dma_start3A_551 = tpu.memref_slice %arg17[%dma_start3A_549, %dma_start3A_550] : memref<10000x128xf32, #tpu.memory_space<vmem_shared>> -> memref<10000x128xf32, #tpu.memory_space<vmem_shared>>
      tpu.enqueue_indirect_dma source(%arg15 : memref<128x128xf32, #tpu.memory_space<vmem>>) target(%dma_start3A_551 : memref<10000x128xf32, #tpu.memory_space<vmem_shared>>) offsets(%dma_start3A_548 : memref<128xi32, #tpu.memory_space<vmem>>) semaphore(%run_scoped3A : memref<!tpu.dma_semaphore, #tpu.memory_space<semaphore_mem>>) {add = true}
      %dma_wait3A_552 = arith.constant 1536 : i32
      %dma_wait3A_553 = tpu.memref_slice %arg11[%dma_wait3A_552] : memref<1664xi32, #tpu.memory_space<vmem>> -> memref<128xi32, #tpu.memory_space<vmem>>
      %dma_wait3A_554 = arith.constant 0 : i32
      %dma_wait3A_555 = arith.constant 0 : i32
      %dma_wait3A_556 = tpu.memref_slice %arg17[%dma_wait3A_554, %dma_wait3A_555] : memref<10000x128xf32, #tpu.memory_space<vmem_shared>> -> memref<10000x128xf32, #tpu.memory_space<vmem_shared>>
      tpu.wait_indirect_dma semaphore(%run_scoped3A : memref<!tpu.dma_semaphore, #tpu.memory_space<semaphore_mem>>) src(%arg15 : memref<128x128xf32, #tpu.memory_space<vmem>>) dst(%dma_wait3A_556 : memref<10000x128xf32, #tpu.memory_space<vmem_shared>>)
      tpu.yield
    }) : () -> ()
    %add3A_387 = arith.constant 8320 : i32
    %add3A_388 = arith.addi %mul3A_4, %add3A_387 : i32
    %dma_start3A_389 = arith.constant 0 : i32
    %dma_start3A_390 = arith.constant 0 : i32
    %dma_start3A_391 = tpu.memref_slice %arg2[%dma_start3A_389, %dma_start3A_390] : memref<2x320000xi32, #tpu.memory_space<hbm>> -> memref<1x320000xi32, #tpu.memory_space<hbm>>
    %dma_start3A_392 = tpu.memref_squeeze %dma_start3A_391 : memref<1x320000xi32, #tpu.memory_space<hbm>> -> memref<320000xi32, #tpu.memory_space<hbm>>
    %dma_start3A_393 = tpu.memref_slice %dma_start3A_392[%add3A_388] : memref<320000xi32, #tpu.memory_space<hbm>> -> memref<1664xi32, #tpu.memory_space<hbm>>
    %dma_start3A_394 = arith.constant 0 : i32
    %dma_start3A_395 = tpu.memref_slice %arg2[%dma_start3A_389, %dma_start3A_394] : memref<2x320000xi32, #tpu.memory_space<hbm>> -> memref<1x320000xi32, #tpu.memory_space<hbm>>
    %dma_start3A_396 = tpu.memref_squeeze %dma_start3A_395 : memref<1x320000xi32, #tpu.memory_space<hbm>> -> memref<320000xi32, #tpu.memory_space<hbm>>
    %dma_start3A_397 = tpu.memref_slice %dma_start3A_396[%add3A_388] : memref<320000xi32, #tpu.memory_space<hbm>> -> memref<1664xi32, #tpu.memory_space<hbm>>
    tpu.enqueue_dma source(%dma_start3A_397 : memref<1664xi32, #tpu.memory_space<hbm>>) target(%arg9 : memref<1664xi32, #tpu.memory_space<vmem>>) target_semaphore(%arg20 : memref<!tpu.dma_semaphore, #tpu.memory_space<semaphore_mem>>)
    %dma_start3A_398 = arith.constant 1 : i32
    %dma_start3A_399 = arith.constant 0 : i32
    %dma_start3A_400 = tpu.memref_slice %arg2[%dma_start3A_398, %dma_start3A_399] : memref<2x320000xi32, #tpu.memory_space<hbm>> -> memref<1x320000xi32, #tpu.memory_space<hbm>>
    %dma_start3A_401 = tpu.memref_squeeze %dma_start3A_400 : memref<1x320000xi32, #tpu.memory_space<hbm>> -> memref<320000xi32, #tpu.memory_space<hbm>>
    %dma_start3A_402 = tpu.memref_slice %dma_start3A_401[%add3A_388] : memref<320000xi32, #tpu.memory_space<hbm>> -> memref<1664xi32, #tpu.memory_space<hbm>>
    %dma_start3A_403 = arith.constant 0 : i32
    %dma_start3A_404 = tpu.memref_slice %arg2[%dma_start3A_398, %dma_start3A_403] : memref<2x320000xi32, #tpu.memory_space<hbm>> -> memref<1x320000xi32, #tpu.memory_space<hbm>>
    %dma_start3A_405 = tpu.memref_squeeze %dma_start3A_404 : memref<1x320000xi32, #tpu.memory_space<hbm>> -> memref<320000xi32, #tpu.memory_space<hbm>>
    %dma_start3A_406 = tpu.memref_slice %dma_start3A_405[%add3A_388] : memref<320000xi32, #tpu.memory_space<hbm>> -> memref<1664xi32, #tpu.memory_space<hbm>>
    tpu.enqueue_dma source(%dma_start3A_406 : memref<1664xi32, #tpu.memory_space<hbm>>) target(%arg11 : memref<1664xi32, #tpu.memory_space<vmem>>) target_semaphore(%arg20 : memref<!tpu.dma_semaphore, #tpu.memory_space<semaphore_mem>>)
    %scan3A_407 = arith.constant 0 : i32
    %scan3A_408 = arith.constant 0 : i32
    %scan3A_409 = arith.constant 6 : i32
    %scan3A_410 = arith.addi %scan3A_408, %scan3A_409 : i32
    %scan3A_411 = arith.constant 1 : i32
    scf.for %scan3A_547 = %scan3A_408 to %scan3A_410 step %scan3A_411  : i32 {
      %mul3A_548 = arith.constant 2 : i32
      %mul3A_549 = arith.muli %mul3A_548, %scan3A_547 : i32
      %add3A_550 = arith.constant 1 : i32
      %add3A_551 = arith.addi %mul3A_549, %add3A_550 : i32
      %mul3A_552 = arith.constant 128 : i32
      %mul3A_553 = arith.muli %add3A_551, %mul3A_552 : i32
      %dma_start3A_554 = tpu.memref_slice %arg8[%mul3A_553] : memref<1664xi32, #tpu.memory_space<vmem>> -> memref<128xi32, #tpu.memory_space<vmem>>
      %dma_start3A_555 = arith.constant 0 : i32
      %dma_start3A_556 = arith.constant 0 : i32
      %dma_start3A_557 = tpu.memref_slice %arg3[%dma_start3A_555, %dma_start3A_556] : memref<10000x128xf32, #tpu.memory_space<hbm>> -> memref<10000x128xf32, #tpu.memory_space<hbm>>
      tpu.enqueue_indirect_dma source(%dma_start3A_557 : memref<10000x128xf32, #tpu.memory_space<hbm>>) target(%arg15 : memref<128x128xf32, #tpu.memory_space<vmem>>) offsets(%dma_start3A_554 : memref<128xi32, #tpu.memory_space<vmem>>) semaphore(%arg19 : memref<!tpu.dma_semaphore, #tpu.memory_space<semaphore_mem>>)
      %mul3A_558 = arith.constant 128 : i32
      %mul3A_559 = arith.muli %mul3A_549, %mul3A_558 : i32
      %add3A_560 = arith.constant 0 : i32
      %add3A_561 = arith.addi %mul3A_559, %add3A_560 : i32
      %get3A_562 = arith.index_cast %add3A_561 : i32 to index
      %get3A_563 = tpu.vector_load %arg10[%get3A_562] {strides = array<i32>} : memref<1664xi32, #tpu.memory_space<vmem>>, vector<16xi32>,
      tpu.vector_store_idx %arg16[%get3A_563], %broadcast_in_dim3A_87 {add = true} : memref<10000xf32, #tpu.memory_space<vmem>>[vector<16xi32>], vector<16xf32>,
      %mul3A_564 = arith.constant 128 : i32
      %mul3A_565 = arith.muli %mul3A_549, %mul3A_564 : i32
      %add3A_566 = arith.constant 16 : i32
      %add3A_567 = arith.addi %mul3A_565, %add3A_566 : i32
      %get3A_568 = arith.index_cast %add3A_567 : i32 to index
      %get3A_569 = tpu.vector_load %arg10[%get3A_568] {strides = array<i32>} : memref<1664xi32, #tpu.memory_space<vmem>>, vector<16xi32>,
      tpu.vector_store_idx %arg16[%get3A_569], %broadcast_in_dim3A_87 {add = true} : memref<10000xf32, #tpu.memory_space<vmem>>[vector<16xi32>], vector<16xf32>,
      %mul3A_570 = arith.constant 128 : i32
      %mul3A_571 = arith.muli %mul3A_549, %mul3A_570 : i32
      %add3A_572 = arith.constant 32 : i32
      %add3A_573 = arith.addi %mul3A_571, %add3A_572 : i32
      %get3A_574 = arith.index_cast %add3A_573 : i32 to index
      %get3A_575 = tpu.vector_load %arg10[%get3A_574] {strides = array<i32>} : memref<1664xi32, #tpu.memory_space<vmem>>, vector<16xi32>,
      tpu.vector_store_idx %arg16[%get3A_575], %broadcast_in_dim3A_87 {add = true} : memref<10000xf32, #tpu.memory_space<vmem>>[vector<16xi32>], vector<16xf32>,
      %mul3A_576 = arith.constant 128 : i32
      %mul3A_577 = arith.muli %mul3A_549, %mul3A_576 : i32
      %add3A_578 = arith.constant 48 : i32
      %add3A_579 = arith.addi %mul3A_577, %add3A_578 : i32
      %get3A_580 = arith.index_cast %add3A_579 : i32 to index
      %get3A_581 = tpu.vector_load %arg10[%get3A_580] {strides = array<i32>} : memref<1664xi32, #tpu.memory_space<vmem>>, vector<16xi32>,
      tpu.vector_store_idx %arg16[%get3A_581], %broadcast_in_dim3A_87 {add = true} : memref<10000xf32, #tpu.memory_space<vmem>>[vector<16xi32>], vector<16xf32>,
      %mul3A_582 = arith.constant 128 : i32
      %mul3A_583 = arith.muli %mul3A_549, %mul3A_582 : i32
      %add3A_584 = arith.constant 64 : i32
      %add3A_585 = arith.addi %mul3A_583, %add3A_584 : i32
      %get3A_586 = arith.index_cast %add3A_585 : i32 to index
      %get3A_587 = tpu.vector_load %arg10[%get3A_586] {strides = array<i32>} : memref<1664xi32, #tpu.memory_space<vmem>>, vector<16xi32>,
      tpu.vector_store_idx %arg16[%get3A_587], %broadcast_in_dim3A_87 {add = true} : memref<10000xf32, #tpu.memory_space<vmem>>[vector<16xi32>], vector<16xf32>,
      %mul3A_588 = arith.constant 128 : i32
      %mul3A_589 = arith.muli %mul3A_549, %mul3A_588 : i32
      %add3A_590 = arith.constant 80 : i32
      %add3A_591 = arith.addi %mul3A_589, %add3A_590 : i32
      %get3A_592 = arith.index_cast %add3A_591 : i32 to index
      %get3A_593 = tpu.vector_load %arg10[%get3A_592] {strides = array<i32>} : memref<1664xi32, #tpu.memory_space<vmem>>, vector<16xi32>,
      tpu.vector_store_idx %arg16[%get3A_593], %broadcast_in_dim3A_87 {add = true} : memref<10000xf32, #tpu.memory_space<vmem>>[vector<16xi32>], vector<16xf32>,
      %mul3A_594 = arith.constant 128 : i32
      %mul3A_595 = arith.muli %mul3A_549, %mul3A_594 : i32
      %add3A_596 = arith.constant 96 : i32
      %add3A_597 = arith.addi %mul3A_595, %add3A_596 : i32
      %get3A_598 = arith.index_cast %add3A_597 : i32 to index
      %get3A_599 = tpu.vector_load %arg10[%get3A_598] {strides = array<i32>} : memref<1664xi32, #tpu.memory_space<vmem>>, vector<16xi32>,
      tpu.vector_store_idx %arg16[%get3A_599], %broadcast_in_dim3A_87 {add = true} : memref<10000xf32, #tpu.memory_space<vmem>>[vector<16xi32>], vector<16xf32>,
      %mul3A_600 = arith.constant 128 : i32
      %mul3A_601 = arith.muli %mul3A_549, %mul3A_600 : i32
      %add3A_602 = arith.constant 112 : i32
      %add3A_603 = arith.addi %mul3A_601, %add3A_602 : i32
      %get3A_604 = arith.index_cast %add3A_603 : i32 to index
      %get3A_605 = tpu.vector_load %arg10[%get3A_604] {strides = array<i32>} : memref<1664xi32, #tpu.memory_space<vmem>>, vector<16xi32>,
      tpu.vector_store_idx %arg16[%get3A_605], %broadcast_in_dim3A_87 {add = true} : memref<10000xf32, #tpu.memory_space<vmem>>[vector<16xi32>], vector<16xf32>,
      %dma_wait3A_606 = arith.constant 0 : i32
      %dma_wait3A_607 = tpu.memref_slice %arg8[%dma_wait3A_606] : memref<1664xi32, #tpu.memory_space<vmem>> -> memref<128xi32, #tpu.memory_space<vmem>>
      %dma_wait3A_608 = arith.constant 0 : i32
      %dma_wait3A_609 = arith.constant 0 : i32
      %dma_wait3A_610 = tpu.memref_slice %arg3[%dma_wait3A_608, %dma_wait3A_609] : memref<10000x128xf32, #tpu.memory_space<hbm>> -> memref<10000x128xf32, #tpu.memory_space<hbm>>
      tpu.wait_indirect_dma semaphore(%arg18 : memref<!tpu.dma_semaphore, #tpu.memory_space<semaphore_mem>>) src(%dma_wait3A_610 : memref<10000x128xf32, #tpu.memory_space<hbm>>) dst(%arg14 : memref<128x128xf32, #tpu.memory_space<vmem>>)
      %mul3A_611 = arith.constant 128 : i32
      %mul3A_612 = arith.muli %mul3A_549, %mul3A_611 : i32
      "tpu.region"() ({
        %run_scoped3A = tpu.sem_alloc : memref<!tpu.dma_semaphore, #tpu.memory_space<semaphore_mem>>
        %dma_start3A_680 = tpu.memref_slice %arg10[%mul3A_612] : memref<1664xi32, #tpu.memory_space<vmem>> -> memref<128xi32, #tpu.memory_space<vmem>>
        %dma_start3A_681 = arith.constant 0 : i32
        %dma_start3A_682 = arith.constant 0 : i32
        %dma_start3A_683 = tpu.memref_slice %arg17[%dma_start3A_681, %dma_start3A_682] : memref<10000x128xf32, #tpu.memory_space<vmem_shared>> -> memref<10000x128xf32, #tpu.memory_space<vmem_shared>>
        tpu.enqueue_indirect_dma source(%arg14 : memref<128x128xf32, #tpu.memory_space<vmem>>) target(%dma_start3A_683 : memref<10000x128xf32, #tpu.memory_space<vmem_shared>>) offsets(%dma_start3A_680 : memref<128xi32, #tpu.memory_space<vmem>>) semaphore(%run_scoped3A : memref<!tpu.dma_semaphore, #tpu.memory_space<semaphore_mem>>) {add = true}
        %dma_wait3A_684 = tpu.memref_slice %arg10[%mul3A_612] : memref<1664xi32, #tpu.memory_space<vmem>> -> memref<128xi32, #tpu.memory_space<vmem>>
        %dma_wait3A_685 = arith.constant 0 : i32
        %dma_wait3A_686 = arith.constant 0 : i32
        %dma_wait3A_687 = tpu.memref_slice %arg17[%dma_wait3A_685, %dma_wait3A_686] : memref<10000x128xf32, #tpu.memory_space<vmem_shared>> -> memref<10000x128xf32, #tpu.memory_space<vmem_shared>>
        tpu.wait_indirect_dma semaphore(%run_scoped3A : memref<!tpu.dma_semaphore, #tpu.memory_space<semaphore_mem>>) src(%arg14 : memref<128x128xf32, #tpu.memory_space<vmem>>) dst(%dma_wait3A_687 : memref<10000x128xf32, #tpu.memory_space<vmem_shared>>)
        tpu.yield
      }) : () -> ()
      %add3A_613 = arith.constant 2 : i32
      %add3A_614 = arith.addi %mul3A_549, %add3A_613 : i32
      %mul3A_615 = arith.constant 128 : i32
      %mul3A_616 = arith.muli %add3A_614, %mul3A_615 : i32
      %dma_start3A_617 = tpu.memref_slice %arg8[%mul3A_616] : memref<1664xi32, #tpu.memory_space<vmem>> -> memref<128xi32, #tpu.memory_space<vmem>>
      %dma_start3A_618 = arith.constant 0 : i32
      %dma_start3A_619 = arith.constant 0 : i32
      %dma_start3A_620 = tpu.memref_slice %arg3[%dma_start3A_618, %dma_start3A_619] : memref<10000x128xf32, #tpu.memory_space<hbm>> -> memref<10000x128xf32, #tpu.memory_space<hbm>>
      tpu.enqueue_indirect_dma source(%dma_start3A_620 : memref<10000x128xf32, #tpu.memory_space<hbm>>) target(%arg14 : memref<128x128xf32, #tpu.memory_space<vmem>>) offsets(%dma_start3A_617 : memref<128xi32, #tpu.memory_space<vmem>>) semaphore(%arg18 : memref<!tpu.dma_semaphore, #tpu.memory_space<semaphore_mem>>)
      %add3A_621 = arith.constant 1 : i32
      %add3A_622 = arith.addi %mul3A_549, %add3A_621 : i32
      %mul3A_623 = arith.constant 128 : i32
      %mul3A_624 = arith.muli %add3A_622, %mul3A_623 : i32
      %add3A_625 = arith.constant 0 : i32
      %add3A_626 = arith.addi %mul3A_624, %add3A_625 : i32
      %get3A_627 = arith.index_cast %add3A_626 : i32 to index
      %get3A_628 = tpu.vector_load %arg10[%get3A_627] {strides = array<i32>} : memref<1664xi32, #tpu.memory_space<vmem>>, vector<16xi32>,
      tpu.vector_store_idx %arg16[%get3A_628], %broadcast_in_dim3A_87 {add = true} : memref<10000xf32, #tpu.memory_space<vmem>>[vector<16xi32>], vector<16xf32>,
      %mul3A_629 = arith.constant 128 : i32
      %mul3A_630 = arith.muli %add3A_622, %mul3A_629 : i32
      %add3A_631 = arith.constant 16 : i32
      %add3A_632 = arith.addi %mul3A_630, %add3A_631 : i32
      %get3A_633 = arith.index_cast %add3A_632 : i32 to index
      %get3A_634 = tpu.vector_load %arg10[%get3A_633] {strides = array<i32>} : memref<1664xi32, #tpu.memory_space<vmem>>, vector<16xi32>,
      tpu.vector_store_idx %arg16[%get3A_634], %broadcast_in_dim3A_87 {add = true} : memref<10000xf32, #tpu.memory_space<vmem>>[vector<16xi32>], vector<16xf32>,
      %mul3A_635 = arith.constant 128 : i32
      %mul3A_636 = arith.muli %add3A_622, %mul3A_635 : i32
      %add3A_637 = arith.constant 32 : i32
      %add3A_638 = arith.addi %mul3A_636, %add3A_637 : i32
      %get3A_639 = arith.index_cast %add3A_638 : i32 to index
      %get3A_640 = tpu.vector_load %arg10[%get3A_639] {strides = array<i32>} : memref<1664xi32, #tpu.memory_space<vmem>>, vector<16xi32>,
      tpu.vector_store_idx %arg16[%get3A_640], %broadcast_in_dim3A_87 {add = true} : memref<10000xf32, #tpu.memory_space<vmem>>[vector<16xi32>], vector<16xf32>,
      %mul3A_641 = arith.constant 128 : i32
      %mul3A_642 = arith.muli %add3A_622, %mul3A_641 : i32
      %add3A_643 = arith.constant 48 : i32
      %add3A_644 = arith.addi %mul3A_642, %add3A_643 : i32
      %get3A_645 = arith.index_cast %add3A_644 : i32 to index
      %get3A_646 = tpu.vector_load %arg10[%get3A_645] {strides = array<i32>} : memref<1664xi32, #tpu.memory_space<vmem>>, vector<16xi32>,
      tpu.vector_store_idx %arg16[%get3A_646], %broadcast_in_dim3A_87 {add = true} : memref<10000xf32, #tpu.memory_space<vmem>>[vector<16xi32>], vector<16xf32>,
      %mul3A_647 = arith.constant 128 : i32
      %mul3A_648 = arith.muli %add3A_622, %mul3A_647 : i32
      %add3A_649 = arith.constant 64 : i32
      %add3A_650 = arith.addi %mul3A_648, %add3A_649 : i32
      %get3A_651 = arith.index_cast %add3A_650 : i32 to index
      %get3A_652 = tpu.vector_load %arg10[%get3A_651] {strides = array<i32>} : memref<1664xi32, #tpu.memory_space<vmem>>, vector<16xi32>,
      tpu.vector_store_idx %arg16[%get3A_652], %broadcast_in_dim3A_87 {add = true} : memref<10000xf32, #tpu.memory_space<vmem>>[vector<16xi32>], vector<16xf32>,
      %mul3A_653 = arith.constant 128 : i32
      %mul3A_654 = arith.muli %add3A_622, %mul3A_653 : i32
      %add3A_655 = arith.constant 80 : i32
      %add3A_656 = arith.addi %mul3A_654, %add3A_655 : i32
      %get3A_657 = arith.index_cast %add3A_656 : i32 to index
      %get3A_658 = tpu.vector_load %arg10[%get3A_657] {strides = array<i32>} : memref<1664xi32, #tpu.memory_space<vmem>>, vector<16xi32>,
      tpu.vector_store_idx %arg16[%get3A_658], %broadcast_in_dim3A_87 {add = true} : memref<10000xf32, #tpu.memory_space<vmem>>[vector<16xi32>], vector<16xf32>,
      %mul3A_659 = arith.constant 128 : i32
      %mul3A_660 = arith.muli %add3A_622, %mul3A_659 : i32
      %add3A_661 = arith.constant 96 : i32
      %add3A_662 = arith.addi %mul3A_660, %add3A_661 : i32
      %get3A_663 = arith.index_cast %add3A_662 : i32 to index
      %get3A_664 = tpu.vector_load %arg10[%get3A_663] {strides = array<i32>} : memref<1664xi32, #tpu.memory_space<vmem>>, vector<16xi32>,
      tpu.vector_store_idx %arg16[%get3A_664], %broadcast_in_dim3A_87 {add = true} : memref<10000xf32, #tpu.memory_space<vmem>>[vector<16xi32>], vector<16xf32>,
      %mul3A_665 = arith.constant 128 : i32
      %mul3A_666 = arith.muli %add3A_622, %mul3A_665 : i32
      %add3A_667 = arith.constant 112 : i32
      %add3A_668 = arith.addi %mul3A_666, %add3A_667 : i32
      %get3A_669 = arith.index_cast %add3A_668 : i32 to index
      %get3A_670 = tpu.vector_load %arg10[%get3A_669] {strides = array<i32>} : memref<1664xi32, #tpu.memory_space<vmem>>, vector<16xi32>,
      tpu.vector_store_idx %arg16[%get3A_670], %broadcast_in_dim3A_87 {add = true} : memref<10000xf32, #tpu.memory_space<vmem>>[vector<16xi32>], vector<16xf32>,
      %dma_wait3A_671 = arith.constant 0 : i32
      %dma_wait3A_672 = tpu.memref_slice %arg8[%dma_wait3A_671] : memref<1664xi32, #tpu.memory_space<vmem>> -> memref<128xi32, #tpu.memory_space<vmem>>
      %dma_wait3A_673 = arith.constant 0 : i32
      %dma_wait3A_674 = arith.constant 0 : i32
      %dma_wait3A_675 = tpu.memref_slice %arg3[%dma_wait3A_673, %dma_wait3A_674] : memref<10000x128xf32, #tpu.memory_space<hbm>> -> memref<10000x128xf32, #tpu.memory_space<hbm>>
      tpu.wait_indirect_dma semaphore(%arg19 : memref<!tpu.dma_semaphore, #tpu.memory_space<semaphore_mem>>) src(%dma_wait3A_675 : memref<10000x128xf32, #tpu.memory_space<hbm>>) dst(%arg15 : memref<128x128xf32, #tpu.memory_space<vmem>>)
      %add3A_676 = arith.constant 1 : i32
      %add3A_677 = arith.addi %mul3A_549, %add3A_676 : i32
      %mul3A_678 = arith.constant 128 : i32
      %mul3A_679 = arith.muli %add3A_677, %mul3A_678 : i32
      "tpu.region"() ({
        %run_scoped3A = tpu.sem_alloc : memref<!tpu.dma_semaphore, #tpu.memory_space<semaphore_mem>>
        %dma_start3A_680 = tpu.memref_slice %arg10[%mul3A_679] : memref<1664xi32, #tpu.memory_space<vmem>> -> memref<128xi32, #tpu.memory_space<vmem>>
        %dma_start3A_681 = arith.constant 0 : i32
        %dma_start3A_682 = arith.constant 0 : i32
        %dma_start3A_683 = tpu.memref_slice %arg17[%dma_start3A_681, %dma_start3A_682] : memref<10000x128xf32, #tpu.memory_space<vmem_shared>> -> memref<10000x128xf32, #tpu.memory_space<vmem_shared>>
        tpu.enqueue_indirect_dma source(%arg15 : memref<128x128xf32, #tpu.memory_space<vmem>>) target(%dma_start3A_683 : memref<10000x128xf32, #tpu.memory_space<vmem_shared>>) offsets(%dma_start3A_680 : memref<128xi32, #tpu.memory_space<vmem>>) semaphore(%run_scoped3A : memref<!tpu.dma_semaphore, #tpu.memory_space<semaphore_mem>>) {add = true}
        %dma_wait3A_684 = tpu.memref_slice %arg10[%mul3A_679] : memref<1664xi32, #tpu.memory_space<vmem>> -> memref<128xi32, #tpu.memory_space<vmem>>
        %dma_wait3A_685 = arith.constant 0 : i32
        %dma_wait3A_686 = arith.constant 0 : i32
        %dma_wait3A_687 = tpu.memref_slice %arg17[%dma_wait3A_685, %dma_wait3A_686] : memref<10000x128xf32, #tpu.memory_space<vmem_shared>> -> memref<10000x128xf32, #tpu.memory_space<vmem_shared>>
        tpu.wait_indirect_dma semaphore(%run_scoped3A : memref<!tpu.dma_semaphore, #tpu.memory_space<semaphore_mem>>) src(%arg15 : memref<128x128xf32, #tpu.memory_space<vmem>>) dst(%dma_wait3A_687 : memref<10000x128xf32, #tpu.memory_space<vmem_shared>>)
        tpu.yield
      }) : () -> ()
    }
    %scan3A_412 = arith.constant 6 : i32
    %dma_wait3A_413 = arith.constant 0 : i32
    %dma_wait3A_414 = arith.constant 0 : i32
    %dma_wait3A_415 = tpu.memref_slice %arg2[%dma_wait3A_413, %dma_wait3A_414] : memref<2x320000xi32, #tpu.memory_space<hbm>> -> memref<1x320000xi32, #tpu.memory_space<hbm>>
    %dma_wait3A_416 = tpu.memref_squeeze %dma_wait3A_415 : memref<1x320000xi32, #tpu.memory_space<hbm>> -> memref<320000xi32, #tpu.memory_space<hbm>>
    %dma_wait3A_417 = arith.constant 0 : i32
    %dma_wait3A_418 = tpu.memref_slice %dma_wait3A_416[%dma_wait3A_417] : memref<320000xi32, #tpu.memory_space<hbm>> -> memref<1664xi32, #tpu.memory_space<hbm>>
    %dma_wait3A_419 = arith.constant 0 : i32
    %dma_wait3A_420 = tpu.memref_slice %arg2[%dma_wait3A_413, %dma_wait3A_419] : memref<2x320000xi32, #tpu.memory_space<hbm>> -> memref<1x320000xi32, #tpu.memory_space<hbm>>
    %dma_wait3A_421 = tpu.memref_squeeze %dma_wait3A_420 : memref<1x320000xi32, #tpu.memory_space<hbm>> -> memref<320000xi32, #tpu.memory_space<hbm>>
    %dma_wait3A_422 = arith.constant 0 : i32
    %dma_wait3A_423 = tpu.memref_slice %dma_wait3A_421[%dma_wait3A_422] : memref<320000xi32, #tpu.memory_space<hbm>> -> memref<1664xi32, #tpu.memory_space<hbm>>
    tpu.wait_dma2 semaphore(%arg20 : memref<!tpu.dma_semaphore, #tpu.memory_space<semaphore_mem>>) src(%dma_wait3A_423 : memref<1664xi32, #tpu.memory_space<hbm>>) dst(%arg9 : memref<1664xi32, #tpu.memory_space<vmem>>)
    %dma_wait3A_424 = arith.constant 1 : i32
    %dma_wait3A_425 = arith.constant 0 : i32
    %dma_wait3A_426 = tpu.memref_slice %arg2[%dma_wait3A_424, %dma_wait3A_425] : memref<2x320000xi32, #tpu.memory_space<hbm>> -> memref<1x320000xi32, #tpu.memory_space<hbm>>
    %dma_wait3A_427 = tpu.memref_squeeze %dma_wait3A_426 : memref<1x320000xi32, #tpu.memory_space<hbm>> -> memref<320000xi32, #tpu.memory_space<hbm>>
    %dma_wait3A_428 = arith.constant 0 : i32
    %dma_wait3A_429 = tpu.memref_slice %dma_wait3A_427[%dma_wait3A_428] : memref<320000xi32, #tpu.memory_space<hbm>> -> memref<1664xi32, #tpu.memory_space<hbm>>
    %dma_wait3A_430 = arith.constant 0 : i32
    %dma_wait3A_431 = tpu.memref_slice %arg2[%dma_wait3A_424, %dma_wait3A_430] : memref<2x320000xi32, #tpu.memory_space<hbm>> -> memref<1x320000xi32, #tpu.memory_space<hbm>>
    %dma_wait3A_432 = tpu.memref_squeeze %dma_wait3A_431 : memref<1x320000xi32, #tpu.memory_space<hbm>> -> memref<320000xi32, #tpu.memory_space<hbm>>
    %dma_wait3A_433 = arith.constant 0 : i32
    %dma_wait3A_434 = tpu.memref_slice %dma_wait3A_432[%dma_wait3A_433] : memref<320000xi32, #tpu.memory_space<hbm>> -> memref<1664xi32, #tpu.memory_space<hbm>>
    tpu.wait_dma2 semaphore(%arg20 : memref<!tpu.dma_semaphore, #tpu.memory_space<semaphore_mem>>) src(%dma_wait3A_434 : memref<1664xi32, #tpu.memory_space<hbm>>) dst(%arg11 : memref<1664xi32, #tpu.memory_space<vmem>>)
    %dma_start3A_435 = arith.constant 0 : i32
    %dma_start3A_436 = tpu.memref_slice %arg9[%dma_start3A_435] : memref<1664xi32, #tpu.memory_space<vmem>> -> memref<128xi32, #tpu.memory_space<vmem>>
    %dma_start3A_437 = arith.constant 0 : i32
    %dma_start3A_438 = arith.constant 0 : i32
    %dma_start3A_439 = tpu.memref_slice %arg3[%dma_start3A_437, %dma_start3A_438] : memref<10000x128xf32, #tpu.memory_space<hbm>> -> memref<10000x128xf32, #tpu.memory_space<hbm>>
    tpu.enqueue_indirect_dma source(%dma_start3A_439 : memref<10000x128xf32, #tpu.memory_space<hbm>>) target(%arg15 : memref<128x128xf32, #tpu.memory_space<vmem>>) offsets(%dma_start3A_436 : memref<128xi32, #tpu.memory_space<vmem>>) semaphore(%arg19 : memref<!tpu.dma_semaphore, #tpu.memory_space<semaphore_mem>>)
    %get3A_440 = arith.constant 1536 : index
    %get3A_441 = tpu.vector_load %arg10[%get3A_440] {strides = array<i32>} : memref<1664xi32, #tpu.memory_space<vmem>>, vector<16xi32>,
    tpu.vector_store_idx %arg16[%get3A_441], %broadcast_in_dim3A_87 {add = true} : memref<10000xf32, #tpu.memory_space<vmem>>[vector<16xi32>], vector<16xf32>,
    %get3A_442 = arith.constant 1552 : index
    %get3A_443 = tpu.vector_load %arg10[%get3A_442] {strides = array<i32>} : memref<1664xi32, #tpu.memory_space<vmem>>, vector<16xi32>,
    tpu.vector_store_idx %arg16[%get3A_443], %broadcast_in_dim3A_87 {add = true} : memref<10000xf32, #tpu.memory_space<vmem>>[vector<16xi32>], vector<16xf32>,
    %get3A_444 = arith.constant 1568 : index
    %get3A_445 = tpu.vector_load %arg10[%get3A_444] {strides = array<i32>} : memref<1664xi32, #tpu.memory_space<vmem>>, vector<16xi32>,
    tpu.vector_store_idx %arg16[%get3A_445], %broadcast_in_dim3A_87 {add = true} : memref<10000xf32, #tpu.memory_space<vmem>>[vector<16xi32>], vector<16xf32>,
    %get3A_446 = arith.constant 1584 : index
    %get3A_447 = tpu.vector_load %arg10[%get3A_446] {strides = array<i32>} : memref<1664xi32, #tpu.memory_space<vmem>>, vector<16xi32>,
    tpu.vector_store_idx %arg16[%get3A_447], %broadcast_in_dim3A_87 {add = true} : memref<10000xf32, #tpu.memory_space<vmem>>[vector<16xi32>], vector<16xf32>,
    %get3A_448 = arith.constant 1600 : index
    %get3A_449 = tpu.vector_load %arg10[%get3A_448] {strides = array<i32>} : memref<1664xi32, #tpu.memory_space<vmem>>, vector<16xi32>,
    tpu.vector_store_idx %arg16[%get3A_449], %broadcast_in_dim3A_87 {add = true} : memref<10000xf32, #tpu.memory_space<vmem>>[vector<16xi32>], vector<16xf32>,
    %get3A_450 = arith.constant 1616 : index
    %get3A_451 = tpu.vector_load %arg10[%get3A_450] {strides = array<i32>} : memref<1664xi32, #tpu.memory_space<vmem>>, vector<16xi32>,
    tpu.vector_store_idx %arg16[%get3A_451], %broadcast_in_dim3A_87 {add = true} : memref<10000xf32, #tpu.memory_space<vmem>>[vector<16xi32>], vector<16xf32>,
    %get3A_452 = arith.constant 1632 : index
    %get3A_453 = tpu.vector_load %arg10[%get3A_452] {strides = array<i32>} : memref<1664xi32, #tpu.memory_space<vmem>>, vector<16xi32>,
    tpu.vector_store_idx %arg16[%get3A_453], %broadcast_in_dim3A_87 {add = true} : memref<10000xf32, #tpu.memory_space<vmem>>[vector<16xi32>], vector<16xf32>,
    %get3A_454 = arith.constant 1648 : index
    %get3A_455 = tpu.vector_load %arg10[%get3A_454] {strides = array<i32>} : memref<1664xi32, #tpu.memory_space<vmem>>, vector<16xi32>,
    tpu.vector_store_idx %arg16[%get3A_455], %broadcast_in_dim3A_87 {add = true} : memref<10000xf32, #tpu.memory_space<vmem>>[vector<16xi32>], vector<16xf32>,
    %dma_wait3A_456 = arith.constant 0 : i32
    %dma_wait3A_457 = tpu.memref_slice %arg8[%dma_wait3A_456] : memref<1664xi32, #tpu.memory_space<vmem>> -> memref<128xi32, #tpu.memory_space<vmem>>
    %dma_wait3A_458 = arith.constant 0 : i32
    %dma_wait3A_459 = arith.constant 0 : i32
    %dma_wait3A_460 = tpu.memref_slice %arg3[%dma_wait3A_458, %dma_wait3A_459] : memref<10000x128xf32, #tpu.memory_space<hbm>> -> memref<10000x128xf32, #tpu.memory_space<hbm>>
    tpu.wait_indirect_dma semaphore(%arg18 : memref<!tpu.dma_semaphore, #tpu.memory_space<semaphore_mem>>) src(%dma_wait3A_460 : memref<10000x128xf32, #tpu.memory_space<hbm>>) dst(%arg14 : memref<128x128xf32, #tpu.memory_space<vmem>>)
    "tpu.region"() ({
      %run_scoped3A = tpu.sem_alloc : memref<!tpu.dma_semaphore, #tpu.memory_space<semaphore_mem>>
      %dma_start3A_547 = arith.constant 1536 : i32
      %dma_start3A_548 = tpu.memref_slice %arg10[%dma_start3A_547] : memref<1664xi32, #tpu.memory_space<vmem>> -> memref<128xi32, #tpu.memory_space<vmem>>
      %dma_start3A_549 = arith.constant 0 : i32
      %dma_start3A_550 = arith.constant 0 : i32
      %dma_start3A_551 = tpu.memref_slice %arg17[%dma_start3A_549, %dma_start3A_550] : memref<10000x128xf32, #tpu.memory_space<vmem_shared>> -> memref<10000x128xf32, #tpu.memory_space<vmem_shared>>
      tpu.enqueue_indirect_dma source(%arg14 : memref<128x128xf32, #tpu.memory_space<vmem>>) target(%dma_start3A_551 : memref<10000x128xf32, #tpu.memory_space<vmem_shared>>) offsets(%dma_start3A_548 : memref<128xi32, #tpu.memory_space<vmem>>) semaphore(%run_scoped3A : memref<!tpu.dma_semaphore, #tpu.memory_space<semaphore_mem>>) {add = true}
      %dma_wait3A_552 = arith.constant 1536 : i32
      %dma_wait3A_553 = tpu.memref_slice %arg10[%dma_wait3A_552] : memref<1664xi32, #tpu.memory_space<vmem>> -> memref<128xi32, #tpu.memory_space<vmem>>
      %dma_wait3A_554 = arith.constant 0 : i32
      %dma_wait3A_555 = arith.constant 0 : i32
      %dma_wait3A_556 = tpu.memref_slice %arg17[%dma_wait3A_554, %dma_wait3A_555] : memref<10000x128xf32, #tpu.memory_space<vmem_shared>> -> memref<10000x128xf32, #tpu.memory_space<vmem_shared>>
      tpu.wait_indirect_dma semaphore(%run_scoped3A : memref<!tpu.dma_semaphore, #tpu.memory_space<semaphore_mem>>) src(%arg14 : memref<128x128xf32, #tpu.memory_space<vmem>>) dst(%dma_wait3A_556 : memref<10000x128xf32, #tpu.memory_space<vmem_shared>>)
      tpu.yield
    }) : () -> ()
    %scan3A_461 = arith.constant 0 : i32
    %scan3A_462 = arith.constant 0 : i32
    %scan3A_463 = arith.constant 6 : i32
    %scan3A_464 = arith.addi %scan3A_462, %scan3A_463 : i32
    %scan3A_465 = arith.constant 1 : i32
    scf.for %scan3A_547 = %scan3A_462 to %scan3A_464 step %scan3A_465  : i32 {
      %mul3A_548 = arith.constant 2 : i32
      %mul3A_549 = arith.muli %mul3A_548, %scan3A_547 : i32
      %add3A_550 = arith.constant 1 : i32
      %add3A_551 = arith.addi %mul3A_549, %add3A_550 : i32
      %mul3A_552 = arith.constant 128 : i32
      %mul3A_553 = arith.muli %add3A_551, %mul3A_552 : i32
      %dma_start3A_554 = tpu.memref_slice %arg9[%mul3A_553] : memref<1664xi32, #tpu.memory_space<vmem>> -> memref<128xi32, #tpu.memory_space<vmem>>
      %dma_start3A_555 = arith.constant 0 : i32
      %dma_start3A_556 = arith.constant 0 : i32
      %dma_start3A_557 = tpu.memref_slice %arg3[%dma_start3A_555, %dma_start3A_556] : memref<10000x128xf32, #tpu.memory_space<hbm>> -> memref<10000x128xf32, #tpu.memory_space<hbm>>
      tpu.enqueue_indirect_dma source(%dma_start3A_557 : memref<10000x128xf32, #tpu.memory_space<hbm>>) target(%arg14 : memref<128x128xf32, #tpu.memory_space<vmem>>) offsets(%dma_start3A_554 : memref<128xi32, #tpu.memory_space<vmem>>) semaphore(%arg18 : memref<!tpu.dma_semaphore, #tpu.memory_space<semaphore_mem>>)
      %mul3A_558 = arith.constant 128 : i32
      %mul3A_559 = arith.muli %mul3A_549, %mul3A_558 : i32
      %add3A_560 = arith.constant 0 : i32
      %add3A_561 = arith.addi %mul3A_559, %add3A_560 : i32
      %get3A_562 = arith.index_cast %add3A_561 : i32 to index
      %get3A_563 = tpu.vector_load %arg11[%get3A_562] {strides = array<i32>} : memref<1664xi32, #tpu.memory_space<vmem>>, vector<16xi32>,
      tpu.vector_store_idx %arg16[%get3A_563], %broadcast_in_dim3A_87 {add = true} : memref<10000xf32, #tpu.memory_space<vmem>>[vector<16xi32>], vector<16xf32>,
      %mul3A_564 = arith.constant 128 : i32
      %mul3A_565 = arith.muli %mul3A_549, %mul3A_564 : i32
      %add3A_566 = arith.constant 16 : i32
      %add3A_567 = arith.addi %mul3A_565, %add3A_566 : i32
      %get3A_568 = arith.index_cast %add3A_567 : i32 to index
      %get3A_569 = tpu.vector_load %arg11[%get3A_568] {strides = array<i32>} : memref<1664xi32, #tpu.memory_space<vmem>>, vector<16xi32>,
      tpu.vector_store_idx %arg16[%get3A_569], %broadcast_in_dim3A_87 {add = true} : memref<10000xf32, #tpu.memory_space<vmem>>[vector<16xi32>], vector<16xf32>,
      %mul3A_570 = arith.constant 128 : i32
      %mul3A_571 = arith.muli %mul3A_549, %mul3A_570 : i32
      %add3A_572 = arith.constant 32 : i32
      %add3A_573 = arith.addi %mul3A_571, %add3A_572 : i32
      %get3A_574 = arith.index_cast %add3A_573 : i32 to index
      %get3A_575 = tpu.vector_load %arg11[%get3A_574] {strides = array<i32>} : memref<1664xi32, #tpu.memory_space<vmem>>, vector<16xi32>,
      tpu.vector_store_idx %arg16[%get3A_575], %broadcast_in_dim3A_87 {add = true} : memref<10000xf32, #tpu.memory_space<vmem>>[vector<16xi32>], vector<16xf32>,
      %mul3A_576 = arith.constant 128 : i32
      %mul3A_577 = arith.muli %mul3A_549, %mul3A_576 : i32
      %add3A_578 = arith.constant 48 : i32
      %add3A_579 = arith.addi %mul3A_577, %add3A_578 : i32
      %get3A_580 = arith.index_cast %add3A_579 : i32 to index
      %get3A_581 = tpu.vector_load %arg11[%get3A_580] {strides = array<i32>} : memref<1664xi32, #tpu.memory_space<vmem>>, vector<16xi32>,
      tpu.vector_store_idx %arg16[%get3A_581], %broadcast_in_dim3A_87 {add = true} : memref<10000xf32, #tpu.memory_space<vmem>>[vector<16xi32>], vector<16xf32>,
      %mul3A_582 = arith.constant 128 : i32
      %mul3A_583 = arith.muli %mul3A_549, %mul3A_582 : i32
      %add3A_584 = arith.constant 64 : i32
      %add3A_585 = arith.addi %mul3A_583, %add3A_584 : i32
      %get3A_586 = arith.index_cast %add3A_585 : i32 to index
      %get3A_587 = tpu.vector_load %arg11[%get3A_586] {strides = array<i32>} : memref<1664xi32, #tpu.memory_space<vmem>>, vector<16xi32>,
      tpu.vector_store_idx %arg16[%get3A_587], %broadcast_in_dim3A_87 {add = true} : memref<10000xf32, #tpu.memory_space<vmem>>[vector<16xi32>], vector<16xf32>,
      %mul3A_588 = arith.constant 128 : i32
      %mul3A_589 = arith.muli %mul3A_549, %mul3A_588 : i32
      %add3A_590 = arith.constant 80 : i32
      %add3A_591 = arith.addi %mul3A_589, %add3A_590 : i32
      %get3A_592 = arith.index_cast %add3A_591 : i32 to index
      %get3A_593 = tpu.vector_load %arg11[%get3A_592] {strides = array<i32>} : memref<1664xi32, #tpu.memory_space<vmem>>, vector<16xi32>,
      tpu.vector_store_idx %arg16[%get3A_593], %broadcast_in_dim3A_87 {add = true} : memref<10000xf32, #tpu.memory_space<vmem>>[vector<16xi32>], vector<16xf32>,
      %mul3A_594 = arith.constant 128 : i32
      %mul3A_595 = arith.muli %mul3A_549, %mul3A_594 : i32
      %add3A_596 = arith.constant 96 : i32
      %add3A_597 = arith.addi %mul3A_595, %add3A_596 : i32
      %get3A_598 = arith.index_cast %add3A_597 : i32 to index
      %get3A_599 = tpu.vector_load %arg11[%get3A_598] {strides = array<i32>} : memref<1664xi32, #tpu.memory_space<vmem>>, vector<16xi32>,
      tpu.vector_store_idx %arg16[%get3A_599], %broadcast_in_dim3A_87 {add = true} : memref<10000xf32, #tpu.memory_space<vmem>>[vector<16xi32>], vector<16xf32>,
      %mul3A_600 = arith.constant 128 : i32
      %mul3A_601 = arith.muli %mul3A_549, %mul3A_600 : i32
      %add3A_602 = arith.constant 112 : i32
      %add3A_603 = arith.addi %mul3A_601, %add3A_602 : i32
      %get3A_604 = arith.index_cast %add3A_603 : i32 to index
      %get3A_605 = tpu.vector_load %arg11[%get3A_604] {strides = array<i32>} : memref<1664xi32, #tpu.memory_space<vmem>>, vector<16xi32>,
      tpu.vector_store_idx %arg16[%get3A_605], %broadcast_in_dim3A_87 {add = true} : memref<10000xf32, #tpu.memory_space<vmem>>[vector<16xi32>], vector<16xf32>,
      %dma_wait3A_606 = arith.constant 0 : i32
      %dma_wait3A_607 = tpu.memref_slice %arg8[%dma_wait3A_606] : memref<1664xi32, #tpu.memory_space<vmem>> -> memref<128xi32, #tpu.memory_space<vmem>>
      %dma_wait3A_608 = arith.constant 0 : i32
      %dma_wait3A_609 = arith.constant 0 : i32
      %dma_wait3A_610 = tpu.memref_slice %arg3[%dma_wait3A_608, %dma_wait3A_609] : memref<10000x128xf32, #tpu.memory_space<hbm>> -> memref<10000x128xf32, #tpu.memory_space<hbm>>
      tpu.wait_indirect_dma semaphore(%arg19 : memref<!tpu.dma_semaphore, #tpu.memory_space<semaphore_mem>>) src(%dma_wait3A_610 : memref<10000x128xf32, #tpu.memory_space<hbm>>) dst(%arg15 : memref<128x128xf32, #tpu.memory_space<vmem>>)
      %mul3A_611 = arith.constant 128 : i32
      %mul3A_612 = arith.muli %mul3A_549, %mul3A_611 : i32
      "tpu.region"() ({
        %run_scoped3A = tpu.sem_alloc : memref<!tpu.dma_semaphore, #tpu.memory_space<semaphore_mem>>
        %dma_start3A_680 = tpu.memref_slice %arg11[%mul3A_612] : memref<1664xi32, #tpu.memory_space<vmem>> -> memref<128xi32, #tpu.memory_space<vmem>>
        %dma_start3A_681 = arith.constant 0 : i32
        %dma_start3A_682 = arith.constant 0 : i32
        %dma_start3A_683 = tpu.memref_slice %arg17[%dma_start3A_681, %dma_start3A_682] : memref<10000x128xf32, #tpu.memory_space<vmem_shared>> -> memref<10000x128xf32, #tpu.memory_space<vmem_shared>>
        tpu.enqueue_indirect_dma source(%arg15 : memref<128x128xf32, #tpu.memory_space<vmem>>) target(%dma_start3A_683 : memref<10000x128xf32, #tpu.memory_space<vmem_shared>>) offsets(%dma_start3A_680 : memref<128xi32, #tpu.memory_space<vmem>>) semaphore(%run_scoped3A : memref<!tpu.dma_semaphore, #tpu.memory_space<semaphore_mem>>) {add = true}
        %dma_wait3A_684 = tpu.memref_slice %arg11[%mul3A_612] : memref<1664xi32, #tpu.memory_space<vmem>> -> memref<128xi32, #tpu.memory_space<vmem>>
        %dma_wait3A_685 = arith.constant 0 : i32
        %dma_wait3A_686 = arith.constant 0 : i32
        %dma_wait3A_687 = tpu.memref_slice %arg17[%dma_wait3A_685, %dma_wait3A_686] : memref<10000x128xf32, #tpu.memory_space<vmem_shared>> -> memref<10000x128xf32, #tpu.memory_space<vmem_shared>>
        tpu.wait_indirect_dma semaphore(%run_scoped3A : memref<!tpu.dma_semaphore, #tpu.memory_space<semaphore_mem>>) src(%arg15 : memref<128x128xf32, #tpu.memory_space<vmem>>) dst(%dma_wait3A_687 : memref<10000x128xf32, #tpu.memory_space<vmem_shared>>)
        tpu.yield
      }) : () -> ()
      %add3A_613 = arith.constant 2 : i32
      %add3A_614 = arith.addi %mul3A_549, %add3A_613 : i32
      %mul3A_615 = arith.constant 128 : i32
      %mul3A_616 = arith.muli %add3A_614, %mul3A_615 : i32
      %dma_start3A_617 = tpu.memref_slice %arg9[%mul3A_616] : memref<1664xi32, #tpu.memory_space<vmem>> -> memref<128xi32, #tpu.memory_space<vmem>>
      %dma_start3A_618 = arith.constant 0 : i32
      %dma_start3A_619 = arith.constant 0 : i32
      %dma_start3A_620 = tpu.memref_slice %arg3[%dma_start3A_618, %dma_start3A_619] : memref<10000x128xf32, #tpu.memory_space<hbm>> -> memref<10000x128xf32, #tpu.memory_space<hbm>>
      tpu.enqueue_indirect_dma source(%dma_start3A_620 : memref<10000x128xf32, #tpu.memory_space<hbm>>) target(%arg15 : memref<128x128xf32, #tpu.memory_space<vmem>>) offsets(%dma_start3A_617 : memref<128xi32, #tpu.memory_space<vmem>>) semaphore(%arg19 : memref<!tpu.dma_semaphore, #tpu.memory_space<semaphore_mem>>)
      %add3A_621 = arith.constant 1 : i32
      %add3A_622 = arith.addi %mul3A_549, %add3A_621 : i32
      %mul3A_623 = arith.constant 128 : i32
      %mul3A_624 = arith.muli %add3A_622, %mul3A_623 : i32
      %add3A_625 = arith.constant 0 : i32
      %add3A_626 = arith.addi %mul3A_624, %add3A_625 : i32
      %get3A_627 = arith.index_cast %add3A_626 : i32 to index
      %get3A_628 = tpu.vector_load %arg11[%get3A_627] {strides = array<i32>} : memref<1664xi32, #tpu.memory_space<vmem>>, vector<16xi32>,
      tpu.vector_store_idx %arg16[%get3A_628], %broadcast_in_dim3A_87 {add = true} : memref<10000xf32, #tpu.memory_space<vmem>>[vector<16xi32>], vector<16xf32>,
      %mul3A_629 = arith.constant 128 : i32
      %mul3A_630 = arith.muli %add3A_622, %mul3A_629 : i32
      %add3A_631 = arith.constant 16 : i32
      %add3A_632 = arith.addi %mul3A_630, %add3A_631 : i32
      %get3A_633 = arith.index_cast %add3A_632 : i32 to index
      %get3A_634 = tpu.vector_load %arg11[%get3A_633] {strides = array<i32>} : memref<1664xi32, #tpu.memory_space<vmem>>, vector<16xi32>,
      tpu.vector_store_idx %arg16[%get3A_634], %broadcast_in_dim3A_87 {add = true} : memref<10000xf32, #tpu.memory_space<vmem>>[vector<16xi32>], vector<16xf32>,
      %mul3A_635 = arith.constant 128 : i32
      %mul3A_636 = arith.muli %add3A_622, %mul3A_635 : i32
      %add3A_637 = arith.constant 32 : i32
      %add3A_638 = arith.addi %mul3A_636, %add3A_637 : i32
      %get3A_639 = arith.index_cast %add3A_638 : i32 to index
      %get3A_640 = tpu.vector_load %arg11[%get3A_639] {strides = array<i32>} : memref<1664xi32, #tpu.memory_space<vmem>>, vector<16xi32>,
      tpu.vector_store_idx %arg16[%get3A_640], %broadcast_in_dim3A_87 {add = true} : memref<10000xf32, #tpu.memory_space<vmem>>[vector<16xi32>], vector<16xf32>,
      %mul3A_641 = arith.constant 128 : i32
      %mul3A_642 = arith.muli %add3A_622, %mul3A_641 : i32
      %add3A_643 = arith.constant 48 : i32
      %add3A_644 = arith.addi %mul3A_642, %add3A_643 : i32
      %get3A_645 = arith.index_cast %add3A_644 : i32 to index
      %get3A_646 = tpu.vector_load %arg11[%get3A_645] {strides = array<i32>} : memref<1664xi32, #tpu.memory_space<vmem>>, vector<16xi32>,
      tpu.vector_store_idx %arg16[%get3A_646], %broadcast_in_dim3A_87 {add = true} : memref<10000xf32, #tpu.memory_space<vmem>>[vector<16xi32>], vector<16xf32>,
      %mul3A_647 = arith.constant 128 : i32
      %mul3A_648 = arith.muli %add3A_622, %mul3A_647 : i32
      %add3A_649 = arith.constant 64 : i32
      %add3A_650 = arith.addi %mul3A_648, %add3A_649 : i32
      %get3A_651 = arith.index_cast %add3A_650 : i32 to index
      %get3A_652 = tpu.vector_load %arg11[%get3A_651] {strides = array<i32>} : memref<1664xi32, #tpu.memory_space<vmem>>, vector<16xi32>,
      tpu.vector_store_idx %arg16[%get3A_652], %broadcast_in_dim3A_87 {add = true} : memref<10000xf32, #tpu.memory_space<vmem>>[vector<16xi32>], vector<16xf32>,
      %mul3A_653 = arith.constant 128 : i32
      %mul3A_654 = arith.muli %add3A_622, %mul3A_653 : i32
      %add3A_655 = arith.constant 80 : i32
      %add3A_656 = arith.addi %mul3A_654, %add3A_655 : i32
      %get3A_657 = arith.index_cast %add3A_656 : i32 to index
      %get3A_658 = tpu.vector_load %arg11[%get3A_657] {strides = array<i32>} : memref<1664xi32, #tpu.memory_space<vmem>>, vector<16xi32>,
      tpu.vector_store_idx %arg16[%get3A_658], %broadcast_in_dim3A_87 {add = true} : memref<10000xf32, #tpu.memory_space<vmem>>[vector<16xi32>], vector<16xf32>,
      %mul3A_659 = arith.constant 128 : i32
      %mul3A_660 = arith.muli %add3A_622, %mul3A_659 : i32
      %add3A_661 = arith.constant 96 : i32
      %add3A_662 = arith.addi %mul3A_660, %add3A_661 : i32
      %get3A_663 = arith.index_cast %add3A_662 : i32 to index
      %get3A_664 = tpu.vector_load %arg11[%get3A_663] {strides = array<i32>} : memref<1664xi32, #tpu.memory_space<vmem>>, vector<16xi32>,
      tpu.vector_store_idx %arg16[%get3A_664], %broadcast_in_dim3A_87 {add = true} : memref<10000xf32, #tpu.memory_space<vmem>>[vector<16xi32>], vector<16xf32>,
      %mul3A_665 = arith.constant 128 : i32
      %mul3A_666 = arith.muli %add3A_622, %mul3A_665 : i32
      %add3A_667 = arith.constant 112 : i32
      %add3A_668 = arith.addi %mul3A_666, %add3A_667 : i32
      %get3A_669 = arith.index_cast %add3A_668 : i32 to index
      %get3A_670 = tpu.vector_load %arg11[%get3A_669] {strides = array<i32>} : memref<1664xi32, #tpu.memory_space<vmem>>, vector<16xi32>,
      tpu.vector_store_idx %arg16[%get3A_670], %broadcast_in_dim3A_87 {add = true} : memref<10000xf32, #tpu.memory_space<vmem>>[vector<16xi32>], vector<16xf32>,
      %dma_wait3A_671 = arith.constant 0 : i32
      %dma_wait3A_672 = tpu.memref_slice %arg8[%dma_wait3A_671] : memref<1664xi32, #tpu.memory_space<vmem>> -> memref<128xi32, #tpu.memory_space<vmem>>
      %dma_wait3A_673 = arith.constant 0 : i32
      %dma_wait3A_674 = arith.constant 0 : i32
      %dma_wait3A_675 = tpu.memref_slice %arg3[%dma_wait3A_673, %dma_wait3A_674] : memref<10000x128xf32, #tpu.memory_space<hbm>> -> memref<10000x128xf32, #tpu.memory_space<hbm>>
      tpu.wait_indirect_dma semaphore(%arg18 : memref<!tpu.dma_semaphore, #tpu.memory_space<semaphore_mem>>) src(%dma_wait3A_675 : memref<10000x128xf32, #tpu.memory_space<hbm>>) dst(%arg14 : memref<128x128xf32, #tpu.memory_space<vmem>>)
      %add3A_676 = arith.constant 1 : i32
      %add3A_677 = arith.addi %mul3A_549, %add3A_676 : i32
      %mul3A_678 = arith.constant 128 : i32
      %mul3A_679 = arith.muli %add3A_677, %mul3A_678 : i32
      "tpu.region"() ({
        %run_scoped3A = tpu.sem_alloc : memref<!tpu.dma_semaphore, #tpu.memory_space<semaphore_mem>>
        %dma_start3A_680 = tpu.memref_slice %arg11[%mul3A_679] : memref<1664xi32, #tpu.memory_space<vmem>> -> memref<128xi32, #tpu.memory_space<vmem>>
        %dma_start3A_681 = arith.constant 0 : i32
        %dma_start3A_682 = arith.constant 0 : i32
        %dma_start3A_683 = tpu.memref_slice %arg17[%dma_start3A_681, %dma_start3A_682] : memref<10000x128xf32, #tpu.memory_space<vmem_shared>> -> memref<10000x128xf32, #tpu.memory_space<vmem_shared>>
        tpu.enqueue_indirect_dma source(%arg14 : memref<128x128xf32, #tpu.memory_space<vmem>>) target(%dma_start3A_683 : memref<10000x128xf32, #tpu.memory_space<vmem_shared>>) offsets(%dma_start3A_680 : memref<128xi32, #tpu.memory_space<vmem>>) semaphore(%run_scoped3A : memref<!tpu.dma_semaphore, #tpu.memory_space<semaphore_mem>>) {add = true}
        %dma_wait3A_684 = tpu.memref_slice %arg11[%mul3A_679] : memref<1664xi32, #tpu.memory_space<vmem>> -> memref<128xi32, #tpu.memory_space<vmem>>
        %dma_wait3A_685 = arith.constant 0 : i32
        %dma_wait3A_686 = arith.constant 0 : i32
        %dma_wait3A_687 = tpu.memref_slice %arg17[%dma_wait3A_685, %dma_wait3A_686] : memref<10000x128xf32, #tpu.memory_space<vmem_shared>> -> memref<10000x128xf32, #tpu.memory_space<vmem_shared>>
        tpu.wait_indirect_dma semaphore(%run_scoped3A : memref<!tpu.dma_semaphore, #tpu.memory_space<semaphore_mem>>) src(%arg14 : memref<128x128xf32, #tpu.memory_space<vmem>>) dst(%dma_wait3A_687 : memref<10000x128xf32, #tpu.memory_space<vmem_shared>>)
        tpu.yield
      }) : () -> ()
    }
    %scan3A_466 = arith.constant 6 : i32
    %get3A_467 = arith.constant 1536 : index
    %get3A_468 = tpu.vector_load %arg11[%get3A_467] {strides = array<i32>} : memref<1664xi32, #tpu.memory_space<vmem>>, vector<16xi32>,
    tpu.vector_store_idx %arg16[%get3A_468], %broadcast_in_dim3A_87 {add = true} : memref<10000xf32, #tpu.memory_space<vmem>>[vector<16xi32>], vector<16xf32>,
    %get3A_469 = arith.constant 1552 : index
    %get3A_470 = tpu.vector_load %arg11[%get3A_469] {strides = array<i32>} : memref<1664xi32, #tpu.memory_space<vmem>>, vector<16xi32>,
    tpu.vector_store_idx %arg16[%get3A_470], %broadcast_in_dim3A_87 {add = true} : memref<10000xf32, #tpu.memory_space<vmem>>[vector<16xi32>], vector<16xf32>,
    %get3A_471 = arith.constant 1568 : index
    %get3A_472 = tpu.vector_load %arg11[%get3A_471] {strides = array<i32>} : memref<1664xi32, #tpu.memory_space<vmem>>, vector<16xi32>,
    tpu.vector_store_idx %arg16[%get3A_472], %broadcast_in_dim3A_87 {add = true} : memref<10000xf32, #tpu.memory_space<vmem>>[vector<16xi32>], vector<16xf32>,
    %get3A_473 = arith.constant 1584 : index
    %get3A_474 = tpu.vector_load %arg11[%get3A_473] {strides = array<i32>} : memref<1664xi32, #tpu.memory_space<vmem>>, vector<16xi32>,
    tpu.vector_store_idx %arg16[%get3A_474], %broadcast_in_dim3A_87 {add = true} : memref<10000xf32, #tpu.memory_space<vmem>>[vector<16xi32>], vector<16xf32>,
    %get3A_475 = arith.constant 1600 : index
    %get3A_476 = tpu.vector_load %arg11[%get3A_475] {strides = array<i32>} : memref<1664xi32, #tpu.memory_space<vmem>>, vector<16xi32>,
    tpu.vector_store_idx %arg16[%get3A_476], %broadcast_in_dim3A_87 {add = true} : memref<10000xf32, #tpu.memory_space<vmem>>[vector<16xi32>], vector<16xf32>,
    %get3A_477 = arith.constant 1616 : index
    %get3A_478 = tpu.vector_load %arg11[%get3A_477] {strides = array<i32>} : memref<1664xi32, #tpu.memory_space<vmem>>, vector<16xi32>,
    tpu.vector_store_idx %arg16[%get3A_478], %broadcast_in_dim3A_87 {add = true} : memref<10000xf32, #tpu.memory_space<vmem>>[vector<16xi32>], vector<16xf32>,
    %get3A_479 = arith.constant 1632 : index
    %get3A_480 = tpu.vector_load %arg11[%get3A_479] {strides = array<i32>} : memref<1664xi32, #tpu.memory_space<vmem>>, vector<16xi32>,
    tpu.vector_store_idx %arg16[%get3A_480], %broadcast_in_dim3A_87 {add = true} : memref<10000xf32, #tpu.memory_space<vmem>>[vector<16xi32>], vector<16xf32>,
    %get3A_481 = arith.constant 1648 : index
    %get3A_482 = tpu.vector_load %arg11[%get3A_481] {strides = array<i32>} : memref<1664xi32, #tpu.memory_space<vmem>>, vector<16xi32>,
    tpu.vector_store_idx %arg16[%get3A_482], %broadcast_in_dim3A_87 {add = true} : memref<10000xf32, #tpu.memory_space<vmem>>[vector<16xi32>], vector<16xf32>,
    %dma_wait3A_483 = arith.constant 0 : i32
    %dma_wait3A_484 = tpu.memref_slice %arg8[%dma_wait3A_483] : memref<1664xi32, #tpu.memory_space<vmem>> -> memref<128xi32, #tpu.memory_space<vmem>>
    %dma_wait3A_485 = arith.constant 0 : i32
    %dma_wait3A_486 = arith.constant 0 : i32
    %dma_wait3A_487 = tpu.memref_slice %arg3[%dma_wait3A_485, %dma_wait3A_486] : memref<10000x128xf32, #tpu.memory_space<hbm>> -> memref<10000x128xf32, #tpu.memory_space<hbm>>
    tpu.wait_indirect_dma semaphore(%arg19 : memref<!tpu.dma_semaphore, #tpu.memory_space<semaphore_mem>>) src(%dma_wait3A_487 : memref<10000x128xf32, #tpu.memory_space<hbm>>) dst(%arg15 : memref<128x128xf32, #tpu.memory_space<vmem>>)
    "tpu.region"() ({
      %run_scoped3A = tpu.sem_alloc : memref<!tpu.dma_semaphore, #tpu.memory_space<semaphore_mem>>
      %dma_start3A_547 = arith.constant 1536 : i32
      %dma_start3A_548 = tpu.memref_slice %arg11[%dma_start3A_547] : memref<1664xi32, #tpu.memory_space<vmem>> -> memref<128xi32, #tpu.memory_space<vmem>>
      %dma_start3A_549 = arith.constant 0 : i32
      %dma_start3A_550 = arith.constant 0 : i32
      %dma_start3A_551 = tpu.memref_slice %arg17[%dma_start3A_549, %dma_start3A_550] : memref<10000x128xf32, #tpu.memory_space<vmem_shared>> -> memref<10000x128xf32, #tpu.memory_space<vmem_shared>>
      tpu.enqueue_indirect_dma source(%arg15 : memref<128x128xf32, #tpu.memory_space<vmem>>) target(%dma_start3A_551 : memref<10000x128xf32, #tpu.memory_space<vmem_shared>>) offsets(%dma_start3A_548 : memref<128xi32, #tpu.memory_space<vmem>>) semaphore(%run_scoped3A : memref<!tpu.dma_semaphore, #tpu.memory_space<semaphore_mem>>) {add = true}
      %dma_wait3A_552 = arith.constant 1536 : i32
      %dma_wait3A_553 = tpu.memref_slice %arg11[%dma_wait3A_552] : memref<1664xi32, #tpu.memory_space<vmem>> -> memref<128xi32, #tpu.memory_space<vmem>>
      %dma_wait3A_554 = arith.constant 0 : i32
      %dma_wait3A_555 = arith.constant 0 : i32
      %dma_wait3A_556 = tpu.memref_slice %arg17[%dma_wait3A_554, %dma_wait3A_555] : memref<10000x128xf32, #tpu.memory_space<vmem_shared>> -> memref<10000x128xf32, #tpu.memory_space<vmem_shared>>
      tpu.wait_indirect_dma semaphore(%run_scoped3A : memref<!tpu.dma_semaphore, #tpu.memory_space<semaphore_mem>>) src(%arg15 : memref<128x128xf32, #tpu.memory_space<vmem>>) dst(%dma_wait3A_556 : memref<10000x128xf32, #tpu.memory_space<vmem_shared>>)
      tpu.yield
    }) : () -> ()
    %dma_start3A_488 = arith.constant 0 : i32
    %dma_start3A_489 = arith.constant 0 : i32
    %dma_start3A_490 = tpu.memref_slice %arg14[%dma_start3A_488, %dma_start3A_489] : memref<128x128xf32, #tpu.memory_space<vmem>> -> memref<16x128xf32, #tpu.memory_space<vmem>>
    %dma_start3A_491 = arith.constant 0 : i32
    %dma_start3A_492 = arith.constant 0 : i32
    %dma_start3A_493 = tpu.memref_slice %arg3[%dma_start3A_491, %dma_start3A_492] : memref<10000x128xf32, #tpu.memory_space<hbm>> -> memref<10000x128xf32, #tpu.memory_space<hbm>>
    tpu.enqueue_indirect_dma source(%dma_start3A_493 : memref<10000x128xf32, #tpu.memory_space<hbm>>) target(%dma_start3A_490 : memref<16x128xf32, #tpu.memory_space<vmem>>) offsets(%arg12 : memref<16xi32, #tpu.memory_space<vmem>>) semaphore(%arg21 : memref<!tpu.dma_semaphore, #tpu.memory_space<semaphore_mem>>)
    %get3A_494 = arith.constant 0 : index
    %get3A_495 = tpu.vector_load %arg13[%get3A_494] {strides = array<i32>} : memref<16xi32, #tpu.memory_space<vmem>>, vector<16xi32>,
    tpu.vector_store_idx %arg16[%get3A_495], %broadcast_in_dim3A_87 {add = true} : memref<10000xf32, #tpu.memory_space<vmem>>[vector<16xi32>], vector<16xf32>,
    %dma_wait3A_496 = arith.constant 0 : i32
    %dma_wait3A_497 = arith.constant 0 : i32
    %dma_wait3A_498 = tpu.memref_slice %arg14[%dma_wait3A_496, %dma_wait3A_497] : memref<128x128xf32, #tpu.memory_space<vmem>> -> memref<16x128xf32, #tpu.memory_space<vmem>>
    %dma_wait3A_499 = arith.constant 0 : i32
    %dma_wait3A_500 = arith.constant 0 : i32
    %dma_wait3A_501 = tpu.memref_slice %arg3[%dma_wait3A_499, %dma_wait3A_500] : memref<10000x128xf32, #tpu.memory_space<hbm>> -> memref<10000x128xf32, #tpu.memory_space<hbm>>
    tpu.wait_indirect_dma semaphore(%arg21 : memref<!tpu.dma_semaphore, #tpu.memory_space<semaphore_mem>>) src(%dma_wait3A_501 : memref<10000x128xf32, #tpu.memory_space<hbm>>) dst(%dma_wait3A_498 : memref<16x128xf32, #tpu.memory_space<vmem>>)
    "tpu.region"() ({
      %run_scoped3A = tpu.sem_alloc : memref<!tpu.dma_semaphore, #tpu.memory_space<semaphore_mem>>
      %dma_start3A_547 = arith.constant 0 : i32
      %dma_start3A_548 = arith.constant 0 : i32
      %dma_start3A_549 = tpu.memref_slice %arg14[%dma_start3A_547, %dma_start3A_548] : memref<128x128xf32, #tpu.memory_space<vmem>> -> memref<16x128xf32, #tpu.memory_space<vmem>>
      %dma_start3A_550 = arith.constant 0 : i32
      %dma_start3A_551 = arith.constant 0 : i32
      %dma_start3A_552 = tpu.memref_slice %arg17[%dma_start3A_550, %dma_start3A_551] : memref<10000x128xf32, #tpu.memory_space<vmem_shared>> -> memref<10000x128xf32, #tpu.memory_space<vmem_shared>>
      tpu.enqueue_indirect_dma source(%dma_start3A_549 : memref<16x128xf32, #tpu.memory_space<vmem>>) target(%dma_start3A_552 : memref<10000x128xf32, #tpu.memory_space<vmem_shared>>) offsets(%arg13 : memref<16xi32, #tpu.memory_space<vmem>>) semaphore(%run_scoped3A : memref<!tpu.dma_semaphore, #tpu.memory_space<semaphore_mem>>) {add = true}
      %dma_wait3A_553 = arith.constant 0 : i32
      %dma_wait3A_554 = arith.constant 0 : i32
      %dma_wait3A_555 = tpu.memref_slice %arg14[%dma_wait3A_553, %dma_wait3A_554] : memref<128x128xf32, #tpu.memory_space<vmem>> -> memref<16x128xf32, #tpu.memory_space<vmem>>
      %dma_wait3A_556 = arith.constant 0 : i32
      %dma_wait3A_557 = arith.constant 0 : i32
      %dma_wait3A_558 = tpu.memref_slice %arg17[%dma_wait3A_556, %dma_wait3A_557] : memref<10000x128xf32, #tpu.memory_space<vmem_shared>> -> memref<10000x128xf32, #tpu.memory_space<vmem_shared>>
      tpu.wait_indirect_dma semaphore(%run_scoped3A : memref<!tpu.dma_semaphore, #tpu.memory_space<semaphore_mem>>) src(%dma_wait3A_555 : memref<16x128xf32, #tpu.memory_space<vmem>>) dst(%dma_wait3A_558 : memref<10000x128xf32, #tpu.memory_space<vmem_shared>>)
      tpu.yield
    }) : () -> ()
    %barrier3A_502 = arith.constant 0 : index
    tpu.barrier barrier_id(%barrier3A_502)
    %dma_start3A_503 = arith.constant 0 : i32
    %dma_start3A_504 = arith.constant 0 : i32
    %dma_start3A_505 = tpu.memref_slice %arg6[%arg0, %dma_start3A_503, %dma_start3A_504] : memref<2x10000x128xf32, #tpu.memory_space<hbm>> -> memref<1x10000x128xf32, #tpu.memory_space<hbm>>
    %dma_start3A_506 = tpu.memref_squeeze %dma_start3A_505 : memref<1x10000x128xf32, #tpu.memory_space<hbm>> -> memref<10000x128xf32, #tpu.memory_space<hbm>>
    %dma_start3A_507 = arith.constant 0 : i32
    %dma_start3A_508 = tpu.memref_slice %dma_start3A_506[%mul3A_2, %dma_start3A_507] : memref<10000x128xf32, #tpu.memory_space<hbm>> -> memref<625x128xf32, #tpu.memory_space<hbm>>
    %dma_start3A_509 = arith.constant 0 : i32
    %dma_start3A_510 = tpu.memref_slice %arg17[%mul3A_2, %dma_start3A_509] : memref<10000x128xf32, #tpu.memory_space<vmem_shared>> -> memref<625x128xf32, #tpu.memory_space<vmem_shared>>
    tpu.enqueue_dma source(%dma_start3A_510 : memref<625x128xf32, #tpu.memory_space<vmem_shared>>) target(%dma_start3A_508 : memref<625x128xf32, #tpu.memory_space<hbm>>) target_semaphore(%arg20 : memref<!tpu.dma_semaphore, #tpu.memory_space<semaphore_mem>>)
    %dma_start3A_511 = arith.constant 0 : i32
    %dma_start3A_512 = arith.constant 0 : i32
    %dma_start3A_513 = tpu.memref_slice %arg7[%arg0, %dma_start3A_511, %dma_start3A_512] : memref<2x16x10000xf32, #tpu.memory_space<hbm>> -> memref<1x16x10000xf32, #tpu.memory_space<hbm>>
    %dma_start3A_514 = tpu.memref_squeeze %dma_start3A_513 : memref<1x16x10000xf32, #tpu.memory_space<hbm>> -> memref<16x10000xf32, #tpu.memory_space<hbm>>
    %dma_start3A_515 = arith.constant 0 : i32
    %dma_start3A_516 = tpu.memref_slice %dma_start3A_514[%arg1, %dma_start3A_515] : memref<16x10000xf32, #tpu.memory_space<hbm>> -> memref<1x10000xf32, #tpu.memory_space<hbm>>
    %dma_start3A_517 = tpu.memref_squeeze %dma_start3A_516 : memref<1x10000xf32, #tpu.memory_space<hbm>> -> memref<10000xf32, #tpu.memory_space<hbm>>
    %dma_start3A_518 = arith.constant 0 : i32
    %dma_start3A_519 = arith.constant 0 : i32
    %dma_start3A_520 = tpu.memref_slice %arg7[%arg0, %dma_start3A_518, %dma_start3A_519] : memref<2x16x10000xf32, #tpu.memory_space<hbm>> -> memref<1x16x10000xf32, #tpu.memory_space<hbm>>
    %dma_start3A_521 = tpu.memref_squeeze %dma_start3A_520 : memref<1x16x10000xf32, #tpu.memory_space<hbm>> -> memref<16x10000xf32, #tpu.memory_space<hbm>>
    %dma_start3A_522 = arith.constant 0 : i32
    %dma_start3A_523 = tpu.memref_slice %dma_start3A_521[%arg1, %dma_start3A_522] : memref<16x10000xf32, #tpu.memory_space<hbm>> -> memref<1x10000xf32, #tpu.memory_space<hbm>>
    %dma_start3A_524 = tpu.memref_squeeze %dma_start3A_523 : memref<1x10000xf32, #tpu.memory_space<hbm>> -> memref<10000xf32, #tpu.memory_space<hbm>>
    tpu.enqueue_dma source(%arg16 : memref<10000xf32, #tpu.memory_space<vmem>>) target(%dma_start3A_524 : memref<10000xf32, #tpu.memory_space<hbm>>) target_semaphore(%arg20 : memref<!tpu.dma_semaphore, #tpu.memory_space<semaphore_mem>>)
    %dma_wait3A_525 = arith.constant 0 : i32
    %dma_wait3A_526 = arith.constant 0 : i32
    %dma_wait3A_527 = tpu.memref_slice %arg6[%arg0, %dma_wait3A_525, %dma_wait3A_526] : memref<2x10000x128xf32, #tpu.memory_space<hbm>> -> memref<1x10000x128xf32, #tpu.memory_space<hbm>>
    %dma_wait3A_528 = tpu.memref_squeeze %dma_wait3A_527 : memref<1x10000x128xf32, #tpu.memory_space<hbm>> -> memref<10000x128xf32, #tpu.memory_space<hbm>>
    %dma_wait3A_529 = arith.constant 0 : i32
    %dma_wait3A_530 = tpu.memref_slice %dma_wait3A_528[%mul3A_2, %dma_wait3A_529] : memref<10000x128xf32, #tpu.memory_space<hbm>> -> memref<625x128xf32, #tpu.memory_space<hbm>>
    %dma_wait3A_531 = arith.constant 0 : i32
    %dma_wait3A_532 = tpu.memref_slice %arg17[%mul3A_2, %dma_wait3A_531] : memref<10000x128xf32, #tpu.memory_space<vmem_shared>> -> memref<625x128xf32, #tpu.memory_space<vmem_shared>>
    tpu.wait_dma2 semaphore(%arg20 : memref<!tpu.dma_semaphore, #tpu.memory_space<semaphore_mem>>) src(%dma_wait3A_532 : memref<625x128xf32, #tpu.memory_space<vmem_shared>>) dst(%dma_wait3A_530 : memref<625x128xf32, #tpu.memory_space<hbm>>)
    %dma_wait3A_533 = arith.constant 0 : i32
    %dma_wait3A_534 = arith.constant 0 : i32
    %dma_wait3A_535 = tpu.memref_slice %arg7[%arg0, %dma_wait3A_533, %dma_wait3A_534] : memref<2x16x10000xf32, #tpu.memory_space<hbm>> -> memref<1x16x10000xf32, #tpu.memory_space<hbm>>
    %dma_wait3A_536 = tpu.memref_squeeze %dma_wait3A_535 : memref<1x16x10000xf32, #tpu.memory_space<hbm>> -> memref<16x10000xf32, #tpu.memory_space<hbm>>
    %dma_wait3A_537 = arith.constant 0 : i32
    %dma_wait3A_538 = tpu.memref_slice %dma_wait3A_536[%arg1, %dma_wait3A_537] : memref<16x10000xf32, #tpu.memory_space<hbm>> -> memref<1x10000xf32, #tpu.memory_space<hbm>>
    %dma_wait3A_539 = tpu.memref_squeeze %dma_wait3A_538 : memref<1x10000xf32, #tpu.memory_space<hbm>> -> memref<10000xf32, #tpu.memory_space<hbm>>
    %dma_wait3A_540 = arith.constant 0 : i32
    %dma_wait3A_541 = arith.constant 0 : i32
    %dma_wait3A_542 = tpu.memref_slice %arg7[%arg0, %dma_wait3A_540, %dma_wait3A_541] : memref<2x16x10000xf32, #tpu.memory_space<hbm>> -> memref<1x16x10000xf32, #tpu.memory_space<hbm>>
    %dma_wait3A_543 = tpu.memref_squeeze %dma_wait3A_542 : memref<1x16x10000xf32, #tpu.memory_space<hbm>> -> memref<16x10000xf32, #tpu.memory_space<hbm>>
    %dma_wait3A_544 = arith.constant 0 : i32
    %dma_wait3A_545 = tpu.memref_slice %dma_wait3A_543[%arg1, %dma_wait3A_544] : memref<16x10000xf32, #tpu.memory_space<hbm>> -> memref<1x10000xf32, #tpu.memory_space<hbm>>
    %dma_wait3A_546 = tpu.memref_squeeze %dma_wait3A_545 : memref<1x10000xf32, #tpu.memory_space<hbm>> -> memref<10000xf32, #tpu.memory_space<hbm>>
    tpu.wait_dma2 semaphore(%arg20 : memref<!tpu.dma_semaphore, #tpu.memory_space<semaphore_mem>>) src(%arg16 : memref<10000xf32, #tpu.memory_space<vmem>>) dst(%dma_wait3A_546 : memref<10000xf32, #tpu.memory_space<hbm>>)
    return
  }
}

module attributes {stable_mosaic.version = 14 : i64} {
  func.func @_mm_body(%arg0: memref<2x10000x128xf32, #tpu.memory_space<vmem>>, %arg1: memref<2x16x10000xf32, #tpu.memory_space<vmem>>, %arg2: memref<128x128xf32, #tpu.memory_space<vmem>>, %arg3: memref<1x128xf32, #tpu.memory_space<vmem>>, %arg4: memref<10000x128xf32, #tpu.memory_space<vmem>>) attributes {dimension_semantics = [], scalar_prefetch = 0 : i64, scratch_operands = 0 : i64, tpu.core_type = #tpu.core_type<tc>} {
    %get3A = arith.constant 0 : index
    %get3A_0 = arith.constant 0 : index
    %get3A_1 = arith.constant 0 : index
    %get3A_2 = vector.load %arg0[%get3A, %get3A_0, %get3A_1] : memref<2x10000x128xf32, #tpu.memory_space<vmem>>, vector<1x10000x128xf32>
    %get3A_3 = vector.shape_cast %get3A_2 : vector<1x10000x128xf32> to vector<10000x128xf32>
    %get3A_4 = arith.constant 1 : index
    %get3A_5 = arith.constant 0 : index
    %get3A_6 = arith.constant 0 : index
    %get3A_7 = vector.load %arg0[%get3A_4, %get3A_5, %get3A_6] : memref<2x10000x128xf32, #tpu.memory_space<vmem>>, vector<1x10000x128xf32>
    %get3A_8 = vector.shape_cast %get3A_7 : vector<1x10000x128xf32> to vector<10000x128xf32>
    %add3A = arith.addf %get3A_3, %get3A_8 : vector<10000x128xf32>
    %get3A_9 = arith.constant 0 : index
    %get3A_10 = arith.constant 0 : index
    %get3A_11 = arith.constant 0 : index
    %get3A_12 = vector.load %arg1[%get3A_9, %get3A_10, %get3A_11] : memref<2x16x10000xf32, #tpu.memory_space<vmem>>, vector<2x16x10000xf32>
    %reshape3A = vector.shape_cast %get3A_12 : vector<2x16x10000xf32> to vector<32x10000xf32>
    %reduce_sum3A = arith.constant dense<0.000000e+00> : vector<10000xf32>
    %reduce_sum3A_13 = vector.multi_reduction <add>, %reshape3A, %reduce_sum3A [0] : vector<32x10000xf32> to vector<10000xf32>
    %get3A_14 = arith.constant 0 : index
    %get3A_15 = arith.constant 0 : index
    %get3A_16 = vector.load %arg2[%get3A_14, %get3A_15] : memref<128x128xf32, #tpu.memory_space<vmem>>, vector<128x128xf32>
    %dot_general3A = arith.constant dense<0.000000e+00> : vector<10000x128xf32>
    %dot_general3A_17 = tpu.matmul %add3A, %get3A_16, %dot_general3A {dimension_numbers = #tpu.dot_dimension_numbers<[1], [0], [0], [1], [0, 0, 1, 1], [], []>, transpose_lhs_hint = false} : vector<10000x128xf32>, vector<128x128xf32>, vector<10000x128xf32> -> vector<10000x128xf32>
    %broadcast_in_dim3A = vector.shape_cast %reduce_sum3A_13 : vector<10000xf32> to vector<10000x1xf32>
    %get3A_18 = arith.constant 0 : index
    %get3A_19 = arith.constant 0 : index
    %get3A_20 = vector.load %arg3[%get3A_18, %get3A_19] : memref<1x128xf32, #tpu.memory_space<vmem>>, vector<1x128xf32>
    %mul3A = vector.broadcast %broadcast_in_dim3A : vector<10000x1xf32> to vector<10000x128xf32>
    %mul3A_21 = vector.broadcast %get3A_20 : vector<1x128xf32> to vector<10000x128xf32>
    %mul3A_22 = arith.mulf %mul3A, %mul3A_21 : vector<10000x128xf32>
    %add3A_23 = arith.addf %dot_general3A_17, %mul3A_22 : vector<10000x128xf32>
    %swap3A = arith.constant 0 : index
    %swap3A_24 = arith.constant 0 : index
    %swap3A_25 = vector.load %arg4[%swap3A, %swap3A_24] : memref<10000x128xf32, #tpu.memory_space<vmem>>, vector<10000x128xf32>
    tpu.vector_store %arg4[%swap3A, %swap3A_24], %add3A_23 {strides = array<i32>} : memref<10000x128xf32, #tpu.memory_space<vmem>>, vector<10000x128xf32>,
    return
  }
}

</mosaic_0001>

<sc_bundles>
// kernel: kernel.4.cloned.1.call-start
scs
__scs_entry_jumppad:
0x0: {  	(pc) =	sbr.rel $0x88, $3  }
0x1: {  	(tag) =	ssettag $0x0;
	lr =	simm.s32 $0x1  }
0x2: {  	[smem:$0x3F9D] =	sst lr;
	_ =	strace $0xD0000000  }
0x3: {  	_ = 	snop  }
0x4: {  	_ = 	snop  }
0x5: {  	_ = 	snop  }
0x6: {  	_ = 	snop  }
0x7: {  	_ = 	snop  }
__scs_overlays_trampoline_lowered:
0x8: {  	[smem:$0x3FAC] =	sst s0  }
0x9: {  	[smem:$0x3FAD] =	sst s1  }
0xa: {  	[smem:$0x3FAE] =	sst s2  }
0xb: {  	[smem:$0x3FAF] =	sst s3  }
0xc: {  	[smem:$0x3FB0] =	sst s4  }
0xd: {  	[smem:$0x3FB1] =	sst s5  }
0xe: {  	[smem:$0x3FB2] =	sst s6  }
0xf: {  	[smem:$0x3FB3] =	sst s7  }
0x10: {  	[smem:$0x3FB4] =	sst s8  }
0x11: {  	[smem:$0x3FB5] =	sst s9;
	s0 =	simm.s32 @!p0 $0x0  }
0x12: {  	s1 =	sld [smem:$0x3F9B];
	s0 =	simm.s32 @p0 $0x1  }
0x13: {  	[smem:$0x3FB6] =	sst s0;
	s0 =	simm.s32 @!p1 $0x0  }
0x14: {  	s2 =	sld [smem:$0x3F9A];
	s0 =	simm.s32 @p1 $0x1  }
0x15: {  	[smem:$0x3FB7] =	sst s0;
	s0 =	simm.s32 @!p2 $0x0  }
0x16: {  	s3 =	sld [smem:$0x3FDB];
	s0 =	simm.s32 @p2 $0x1  }
0x17: {  	s4 =	simm.s32 $0x1BF5;
	[smem:$0x3FB9] =	sst s0  }
0x18: {  	s0 =	sld [smem:$0x3F9C];
	_ =	swait.ge [sflag:s4], $0x0  }
0x19: {  	s7 =	sld [smem:$0x3F9D]  }
0x1a: {  	s8 =	sadd.s32 $0xFFFFE003, lr  }
0x1b: {  	s9 =	sadd.s32 $0xFFFFFEF7, lr;
	s5 =	simm.s32 $0xFFFFFFFF;
	p2 =	slt.u32 s8, $0xFFFFF086  }
0x1c: {  	p1 =	slt.u32 s9, $0xF7A;
	s5 =	simm.s32 @!p2 $0x0  }
0x1d: {  	s5 =	simm.s32 @p1 $0x1;
	p0 =	seq.s32 s7, s2  }
0x1e: {  	s7 =	smul.u32 @!p0 $0xF7A, s2;
	p2 =	seq.s32 @!p0 s5, $0x0  }
0x1f: {  	s9 =	smul.u32 $0xF7A, s1;
	s8 =	simm.s32 @!p0 $0x1BF5;
	p2 =	por !p2, p0  }
0x20: {  	[sflag:s8] =	ssyncset.s32 @!p0 $0xFFFFF086;
	s6 =	sadd.s32 @!p0 s3, s7;
	s7 =	simm.s32 @!p0 $0x108  }
0x21: {  	s3 =	sadd.s32 s3, s9;
	s6 =	sadd.s32 @!p0 $0x88, s6;
	s7 =	simm.s32 @p2 $0x1082  }
0x22: {  	[simem:s7], [sflag:s8] =	dma.local @!p0 [hbm:s6], $0xF7A  }
0x23: {  	s9 =	sor.u32 $0xD0000000, s2;
	s6 =	simm.s32 $0x108;
	_ =	swait.ge @!p0 [sflag:s8], $0x0  }
0x24: {  	s3 =	sadd.s32 $0x88, s3;
	s6 =	simm.s32 @!p1 $0x1082;
	[sflag:s4] =	ssyncset.s32 $0xFFFFF086  }
0x25: {  	[simem:s6], [sflag:s4] =	dma.local [hbm:s3], $0xF7A  }
0x26: {  	[smem:$0x3F9D] =	sst s1;
	(tag) =	ssettag s2;
	_ =	strace s9  }
0x27: {  	s1 =	sld [smem:$0x3FAD]  }
0x28: {  	s2 =	sld [smem:$0x3FAE]  }
0x29: {  	s4 =	sld [smem:$0x3FB0]  }
0x2a: {  	p0 =	seq.s32 s5, $0x0;
	s5 =	sld [smem:$0x3FB1]  }
0x2b: {  	s6 =	sld [smem:$0x3FB2]  }
0x2c: {  	s7 =	sld [smem:$0x3FB3]  }
0x2d: {  	s3 =	simm.s32 $0x108;
	s8 =	sld [smem:$0x3FB4]  }
0x2e: {  	s3 =	simm.s32 @!p0 $0x1082;
	s9 =	sld [smem:$0x3FB5]  }
0x2f: {  	lr =	sadd.s32 s0, s3;
	s0 =	sld [smem:$0x3FAC]  }
0x30: {  	s3 =	sld [smem:$0x3FAF]  }
0x31: {  	[smem:$0x3FB8] =	sst s10  }
0x32: {  	s10 =	sld [smem:$0x3FB6];
	_ =	sdelay $0x3  }
0x33: {  	p0 =	seq.s32 s10, $0x1;
	s10 =	sld [smem:$0x3FB8];
	_ =	sdelay $0x3  }
0x34: {  	[smem:$0x3FB8] =	sst s10  }
0x35: {  	s10 =	sld [smem:$0x3FB7];
	_ =	sdelay $0x3  }
0x36: {  	p1 =	seq.s32 s10, $0x1;
	s10 =	sld [smem:$0x3FB8];
	_ =	sdelay $0x3  }
0x37: {  	[smem:$0x3FB8] =	sst s10  }
0x38: {  	s10 =	sld [smem:$0x3FB9]  }
0x39: {  	_ = 	snop;
	(pc) =	sbr.ind lr, $3  }
0x3a: {  	_ = 	snop  }
0x3b: {  	_ = 	snop  }
0x3c: {  	p2 =	seq.s32 s10, $0x1;
	s10 =	sld [smem:$0x3FB8]  }
0x3d: {  	_ =	shalt  }
0x3e: {  	_ =	shalt  }
0x3f: {  	_ =	shalt  }
0x40: {  	_ =	shalt  }
0x41: {  	_ =	shalt  }
0x42: {  	_ =	shalt  }
0x43: {  	_ =	shalt  }
0x44: {  	_ =	shalt  }
0x45: {  	_ =	shalt  }
0x46: {  	_ =	shalt  }
0x47: {  	_ =	shalt  }
0x48: {  	_ =	shalt  }
0x49: {  	_ =	shalt  }
0x4a: {  	_ =	shalt  }
0x4b: {  	_ =	shalt  }
0x4c: {  	_ =	shalt  }
0x4d: {  	_ =	shalt  }
0x4e: {  	_ =	shalt  }
0x4f: {  	_ =	shalt  }
0x50: {  	_ =	shalt  }
0x51: {  	_ =	shalt  }
0x52: {  	_ =	shalt  }
0x53: {  	_ =	shalt  }
0x54: {  	_ =	shalt  }
0x55: {  	_ =	shalt  }
0x56: {  	_ =	shalt  }
0x57: {  	_ =	shalt  }
0x58: {  	_ =	shalt  }
0x59: {  	_ =	shalt  }
0x5a: {  	_ =	shalt  }
0x5b: {  	_ =	shalt  }
0x5c: {  	_ =	shalt  }
0x5d: {  	_ =	shalt  }
0x5e: {  	_ =	shalt  }
0x5f: {  	_ =	shalt  }
0x60: {  	_ =	shalt  }
0x61: {  	_ =	shalt  }
0x62: {  	_ =	shalt  }
0x63: {  	_ =	shalt  }
0x64: {  	_ =	shalt  }
0x65: {  	_ =	shalt  }
0x66: {  	_ =	shalt  }
0x67: {  	_ =	shalt  }
0x68: {  	_ =	shalt  }
0x69: {  	_ =	shalt  }
0x6a: {  	_ =	shalt  }
0x6b: {  	_ =	shalt  }
0x6c: {  	_ =	shalt  }
0x6d: {  	_ =	shalt  }
0x6e: {  	_ =	shalt  }
0x6f: {  	_ =	shalt  }
0x70: {  	_ =	shalt  }
0x71: {  	_ =	shalt  }
0x72: {  	_ =	shalt  }
0x73: {  	_ =	shalt  }
0x74: {  	_ =	shalt  }
0x75: {  	_ =	shalt  }
0x76: {  	_ =	shalt  }
0x77: {  	_ =	shalt  }
0x78: {  	_ =	shalt  }
0x79: {  	_ =	shalt  }
0x7a: {  	_ =	shalt  }
0x7b: {  	_ =	shalt  }
0x7c: {  	_ =	shalt  }
0x7d: {  	_ =	shalt  }
0x7e: {  	_ =	shalt  }
0x7f: {  	_ =	shalt  }
0x80: {  	_ =	shalt  }
0x81: {  	_ =	shalt  }
0x82: {  	_ =	shalt  }
0x83: {  	_ =	shalt  }
0x84: {  	_ =	shalt  }
0x85: {  	_ =	shalt  }
0x86: {  	_ =	shalt  }
0x87: {  	_ =	shalt  }
.Lfunc_end0:
.L_simem_size_0:
called_computation_lowered:
.L_overlay_start_0:
0x88: {  	s2 =	sld [smem:$0x3FD9]  }
0x89: {  	s3 =	sld [smem:$0x3FFE];
	_ =	sdelay $0x1  }
0x8a: {  	s1 =	srdreg.scid  }
0x8b: {  	s0 =	sand.u32 $0x1, s1  }
0x8c: {  	s17 =	sshll.u32 s0, $0xA;
	s2 =	sadd.s32 s3, s2  }
0x8d: {  	s2 =	sadd.s32 s2, s17  }
0x8e: {  	[smem:$0x3FC4] =	sst s2  }
0x8f: {  	_ = 	snop  }
0x90: {  	s2 =	sld [smem:$0x3FC9]  }
0x91: {  	s18 =	sld [smem:$0x3FD0];
	(tm) =	ssettm $0x1  }
0x92: {  	s4 =	sld [smem:$0x3FFB];
	_ =	sdelay $0x3  }
0x93: {  	_ =	strace s4  }
0x94: {  	s4 =	sld [smem:$0x3FFC];
	_ =	sdelay $0x3  }
0x95: {  	_ =	strace s4  }
0x96: {  	s4 =	sld [smem:$0x3FFD];
	_ =	sdelay $0x3  }
0x97: {  	_ =	strace s4  }
0x98: {  	_ =	strace $0x8FFFFFFF  }
0x99: {  	s19 =	sld [smem:$0x3FDB];
	_ =	sdelay $0x1  }
0x9a: {  	s5 =	simm.s32 $_scs_section_size  }
0x9b: {  	s6 =	simm.s32 $_size__tile_overlayer_lowered;
	s7 =	simm.s32 $_tile_overlayer_lowered  }
0x9c: {  	s22 =	simm.s32 $0x1BFF;
	s21 =	sshll.u32 s7, $0x1;
	s4 =	sadd.s32 s5, s19  }
0x9d: {  	s8 =	simm.s32 $0x0;
	s20 =	sshll.u32 s6, $0x1;
	s6 =	sadd.s32 s21, s4  }
0x9e: {  	[timem:s8], [sflag:s22] =	dma.local [hbm:s6], s20  }
0x9f: {  	_ =	swait.ge [sflag:s22], s20  }
0xa0: {  	s5 =	ssub.s32 $0x0, s20;
	[sflag:s22] =	ssyncset.done $0x0  }
0xa1: {  	[sflag:s22] =	ssyncadd.s32 s5;
	_ =	sdelay $0x1  }
0xa2: {  	s23 =	simm.s32 $0x1B8B  }
0xa3: {  	_ =	swait.ge [sflag:s23], $0x1  }
0xa4: {  	[sflag:s23] =	ssyncset.done $0x0  }
0xa5: {  	s25 =	simm.s32 $0x1B8E;
	s24 =	sld [smem:$0x3FFE];
	[sflag:s23] =	ssyncadd.s32 $0xFFFFFFFF  }
0xa6: {  	s26 =	simm.s32 $execute0_lowered;
	[smem:$0x3FD2] =	sst s25  }
0xa7: {  	s6 =	sshll.u32 s26, $0x1;
	_ =	strace $0x80000046;
	[dreg:$0x1] =	wrdreg $0xFFFFFFFF  }
0xa8: {  	s28 =	simm.s32 $_size_execute0_lowered;
	s4 =	sadd.s32 s4, s6;
	[dreg:$0x0] =	wrdreg $0x0  }
0xa9: {  	s6 =	sshll.u32 s28, $0x1;
	[dreg:$0x2] =	wrdreg s4  }
0xaa: {  	[dreg:$0x3] =	wrdreg s6  }
0xab: {  	[dreg:$0x4] =	wrdreg $0xC0  }
0xac: {  	_ =	task [dreg:s8], $0x5FFFF  }
0xad: {  	[dreg:$0x1] =	wrdreg $0xFFFFFFFF  }
0xae: {  	[dreg:$0x0] =	wrdreg $0x60  }
0xaf: {  	[dreg:$0x2] =	wrdreg s24  }
0xb0: {  	[dreg:$0x3] =	wrdreg s2  }
0xb1: {  	[dreg:$0x4] =	wrdreg s18  }
0xb2: {  	[dreg:$0x5] =	wrdreg $0xC1300  }
0xb3: {  	[dreg:$0x6] =	wrdreg $0x9  }
0xb4: {  	_ =	task.clear_ibuf [dreg:s8], $0x7FFFF;
	_ =	strace $0x90000046  }
0xb5: {  	s29 =	simm.s32 $0x9;
	_ =	strace $0x80000048  }
0xb6: {  	_ =	swait.ge [sflag:s29], $0x1  }
0xb7: {  	[sflag:s29] =	ssyncadd.s32 $0xFFFFFFFF  }
0xb8: {  	_ =	strace $0x90000048  }
0xb9: {  	_ =	sfence  }
0xba: {  	s30 =	sld [smem:$0x0];
	_ =	sdelay $0x2  }
0xbb: {  	s31 =	sshll.u32 s1, $0xD;
	s1 =	sshrl.u32 s1, $0x2  }
0xbc: {  	s3 =	sand.u32 $0x4000, s31;
	s1 =	sadd.s32 s1, s30  }
0xbd: {  	s0 =	sor.u32 s3, s0;
	s1 =	sshll.u32 s1, $0x11  }
0xbe: {  	s0 =	sor.u32 s1, s0  }
0xbf: {  	s0 =	sadd.s32 $0x8F2B, s0  }
0xc0: {  	[sflag:s0] =	ssyncadd.remote.s32 $0x1  }
0xc1: {  	_ =	sfence.sel $0xFFFF  }
0xc2: {  	[dreg:$0x0] =	wrdreg $0xFFFFFFFF;
	(pc) =	sbr.abs _section_cstart, $3  }
0xc3: {  	[dreg:$0x1] =	wrdreg $0xFFFFFFFF  }
0xc4: {  	_ =	task.clear_ibuf [dreg:s8], $0x2FFFF;
	_ =	strace $0x9FFFFFFF  }
0xc5: {  	(tm) =	ssettm $0x7FFFFFFF  }
tec
execute0_lowered:
.L_overlay_start_1:
0x0: {  	(tag) =	ssettag $0x1  }
0x1: {  	s0 =	rddreg [dreg:$0x0]  }
0x2: {  	s1 =	rddreg [dreg:$0x1]  }
0x3: {  	s4 =	rddreg [dreg:$0x2]  }
0x4: {  	s2 =	rddreg [dreg:$0x3]  }
0x5: {  	s3 =	simm.s32 $0x0;
	s5 =	srdreg.scid;
	s12 =	stileid.u32  }
0x6: {  	s28 =	simm.s32 $0x9A20;
	s29 =	simm.s32 $0xD00;
	s30 =	simm.s32 $0x1980  }
0x7: {  	s31 =	simm.s32 $0x4;
	[smem:$0x7FF] =	sst s3;
	s5 =	sand.u32 $0x1, s5  }
0x8: {  	s7 =	sadd.s32 $0xE00, s0;
	s8 =	sadd.s32 $0x14800, s0;
	s22 =	smul.u32 $0x13880, s12  }
0x9: {  	s9 =	sshll.u32 s12, $0x1;
	s25 =	sshll.u32 s12, $0x6;
	s20 =	smul.u32 $0x4E2, s12  }
0xa: {  	s11 =	sadd.s32 $0xAA40, s0;
	_ =	strace $0x80000047;
	s6 =	smul.u32 $0x27100, s5  }
0xb: {  	[dreg:$0x5] =	wrdreg s8;
	s21 =	smul.u32 $0x4E20, s5;
	s10 =	ssub.s32 $0x2, s5  }
0xc: {  	s5 =	sor.u32 s5, s9;
	s9 =	sor.u32 $0x1C03, s25;
	s23 =	sshrl.u32 s10, $0x1  }
0xd: {  	s5 =	smul.u32 $0x2710, s5;
	s24 =	sadd.s32 s22, s2;
	s16 =	sshrl.u32 s22, $0x3  }
0xe: {  	s6 =	sadd.s32 s6, s0;
	[dreg:$0x6] =	wrdreg s24;
	s4 =	sadd.s32 s4, s16  }
0xf: {  	s15 =	sadd.s32 s21, s0;
	s10 =	ssub.s32 s10, s23;
	[dreg:$0x7] =	wrdreg s4  }
0x10: {  	s8 =	sshrl.u32 s5, $0x3;
	s19 =	sadd.s32 $0x1EC00, s6;
	s22 =	sadd.s32 $0x14E00, s15  }
0x11: {  	s4 =	simm.s32 $0x80;
	s6 =	simm.s32 $0x680;
	s15 =	simm.s32 $0x1  }
0x12: {  	s26 =	sadd.s32 s7, s8;
	s5 =	sadd.s32 $0x4E0, s8;
	s13 =	sadd.s32 $0xD0, s8  }
0x13: {  	s14 =	sadd.s32 $0x1A0, s8;
	s23 =	sadd.s32 s20, s22;
	[dreg:$0x8] =	wrdreg s26  }
0x14: {  	s20 =	simm.s32 $0x10;
	s22 =	simm.s32 $0x0;
	[dreg:$0x9] =	wrdreg s5  }
0x15: {  	s0 =	sadd.s32 s7, s5;
	[dreg:$0x13] =	wrdreg s13;
	s17 =	sadd.s32 s7, s13  }
0x16: {  	s18 =	sadd.s32 s7, s14;
	[dreg:$0xf] =	wrdreg s23;
	s23 =	sadd.s32 $0x410, s8  }
0x17: {  	s26 =	smax.u32 s10, $0x1;
	s5 =	simm.s32 $0x1A20;
	[dreg:$0xa] =	wrdreg s0  }
0x18: {  	s10 =	simm.s32 $0x5A20;
	s13 =	simm.s32 $0x1A10;
	[dreg:$0xb] =	wrdreg s17  }
0x19: {  	[dreg:$0xc] =	wrdreg s18;
	s18 =	sadd.s32 $0x270, s8;
	s0 =	sadd.s32 s16, s19  }
0x1a: {  	s25 =	sadd.s32 s7, s23;
	[dreg:$0x12] =	wrdreg s26;
	s26 =	simm.s32 $0x1A00  }
0x1b: {  	s16 =	simm.s32 $0x5;
	s21 =	sadd.s32 s7, s18;
	[dreg:$0xe] =	wrdreg s0  }
0x1c: {  	s17 =	simm.s32 $0x2;
	[dreg:$0xd] =	wrdreg s21;
	s21 =	sadd.s32 $0x340, s8  }
0x1d: {  	s19 =	simm.s32 $0x1300;
	[dreg:$0x11] =	wrdreg s25;
	s24 =	sadd.s32 s7, s21  }
0x1e: {  	v0 =	vimm.f32 $1.000000000e+00;
	s0 =	simm.s32 $0x3;
	s7 =	simm.s32 $0x1380;
	[dreg:$0x10] =	wrdreg s24  }
.LBB2_1:
0x1f: {  	s12 =	rddreg [dreg:$0x6]  }
0x20: {  	s25 =	rddreg [dreg:$0x7];
	s24 =	sshrl.u32 s12, $0x3  }
0x21: {  	[spmem:s24], [sflag:s9] =	dma.local [hbm:s25], $0x2710  }
0x22: {  	s12 =	rddreg [dreg:$0x5]  }
0x23: {  	[tilespmem:s28], [sflag:$0x3] =	stream.linear.gather [hbm4b:s12+s3], $0x2710, $0x38;
	[tilespmem:$0x1F9B0] =	vst v63  }
0x24: {  	s25 =	rddreg [dreg:$0x8]  }
0x25: {  	[tilespmem:s3], [sflag:$0x3] =	stream.linear.gather [hbm4b:s25+s3], $0x680, $0x38;
	[tilespmem:$0x1F9B0] =	vst v63  }
0x26: {  	s25 =	sadd.s32 s8, s11  }
0x27: {  	[tilespmem:s29], [sflag:$0x3] =	stream.linear.gather [hbm4b:s25+s3], $0x680, $0x38;
	[tilespmem:$0x1F9B0] =	vst v63  }
0x28: {  	s25 =	rddreg [dreg:$0xa]  }
0x29: {  	[tilespmem:s26], [sflag:$0x3] =	stream.linear.gather [hbm4b:s25+s3], $0x10, $0x38;
	[tilespmem:$0x1F9B0] =	vst v63  }
0x2a: {  	s26 =	rddreg [dreg:$0x9]  }
0x2b: {  	s12 =	sadd.s32 s26, s11  }
0x2c: {  	[tilespmem:s13], [sflag:$0x3] =	stream.linear.gather [hbm4b:s12+s3], $0x10, $0x38;
	[tilespmem:$0x1F9B0] =	vst v63  }
0x2d: {  	_ =	swait.ge [sflag:s0], $0x2710  }
0x2e: {  	[sflag:s0] =	ssyncset.done $0x0  }
0x2f: {  	[sflag:s0] =	ssyncadd.s32 $0xFFFFD8F0  }
0x30: {  	_ =	swait.ge [sflag:s0], $0x2710  }
0x31: {  	[sflag:s0] =	ssyncset.done $0x0  }
0x32: {  	[sflag:s0] =	ssyncadd.s32 $0xFFFFD8F0  }
0x33: {  	_ =	swait.ge [sflag:s0], $0x680  }
0x34: {  	[sflag:s0] =	ssyncset.done $0x0  }
0x35: {  	[sflag:s0] =	ssyncadd.s32 $0xFFFFF980  }
0x36: {  	_ =	swait.ge [sflag:s0], $0x680  }
0x37: {  	[sflag:s0] =	ssyncset.done $0x0  }
0x38: {  	[sflag:s0] =	ssyncadd.s32 $0xFFFFF980  }
0x39: {  	_ =	swait.ge [sflag:s0], $0x10  }
0x3a: {  	[sflag:s0] =	ssyncset.done $0x0  }
0x3b: {  	[sflag:s0] =	ssyncadd.s32 $0xFFFFFFF0  }
0x3c: {  	_ =	swait.ge [sflag:s0], $0x10  }
0x3d: {  	[sflag:s0] =	ssyncset.done $0x0  }
0x3e: {  	[sflag:s0] =	ssyncadd.s32 $0xFFFFFFF0  }
0x3f: {  	[bflag:$0x0] =	sbarrier.arrive $0xFFFF  }
0x40: {  	[tilespmem:s5], [sflag:$0x1] =	stream.indirect.gather [hbm4b:s1+s4], $0x80, s3, s4, $0xb8;
	[tilespmem:$0x1F9B0] =	vst v63  }
0x41: {  	s26 =	rddreg [dreg:$0xb]  }
0x42: {  	s25 =	rddreg [dreg:$0x13]  }
0x43: {  	[tilespmem:s6], [sflag:$0x3] =	stream.linear.gather [hbm4b:s26+s3], $0x680, $0x38;
	[tilespmem:$0x1F9B0] =	vst v63  }
0x44: {  	s26 =	sadd.s32 s25, s11;
	s25 =	simm.s32 $0x0  }
0x45: {  	[tilespmem:s7], [sflag:$0x3] =	stream.linear.gather [hbm4b:s26+s3], $0x680, $0x38;
	[tilespmem:$0x1F9B0] =	vst v63  }
.LBB2_2:
0x46: {  	s26 =	sshra.s32 s25, $0x2  }
0x47: {  	s12 =	sadd.s32 $0x80, s26  }
0x48: {  	[tilespmem:s10], [sflag:$0x2] =	stream.indirect.gather [hbm4b:s1+s4], $0x80, s12, s4, $0xb8;
	[tilespmem:$0x1F9B0] =	vst v63  }
0x49: {  	v1 =	vld [tilespmem:s26+$0xD00];
	_ =	sdelay $0x7  }
0x4a: {  	[tilespmem:v1+s28+$0x0] =	vst.idx.add.f32.msk $0xffff, v0  }
0x4b: {  	v1 =	vld [tilespmem:s26+$0xD10];
	_ =	sdelay $0x7  }
0x4c: {  	[tilespmem:v1+s28+$0x0] =	vst.idx.add.f32.msk $0xffff, v0  }
0x4d: {  	v1 =	vld [tilespmem:s26+$0xD20];
	_ =	sdelay $0x7  }
0x4e: {  	[tilespmem:v1+s28+$0x0] =	vst.idx.add.f32.msk $0xffff, v0  }
0x4f: {  	v1 =	vld [tilespmem:s26+$0xD30];
	_ =	sdelay $0x7  }
0x50: {  	[tilespmem:v1+s28+$0x0] =	vst.idx.add.f32.msk $0xffff, v0  }
0x51: {  	v1 =	vld [tilespmem:s26+$0xD40];
	_ =	sdelay $0x7  }
0x52: {  	[tilespmem:v1+s28+$0x0] =	vst.idx.add.f32.msk $0xffff, v0  }
0x53: {  	v1 =	vld [tilespmem:s26+$0xD50];
	_ =	sdelay $0x7  }
0x54: {  	[tilespmem:v1+s28+$0x0] =	vst.idx.add.f32.msk $0xffff, v0  }
0x55: {  	v1 =	vld [tilespmem:s26+$0xD60];
	_ =	sdelay $0x7  }
0x56: {  	[tilespmem:v1+s28+$0x0] =	vst.idx.add.f32.msk $0xffff, v0  }
0x57: {  	v1 =	vld [tilespmem:s26+$0xD70];
	_ =	sdelay $0x7  }
0x58: {  	[tilespmem:v1+s28+$0x0] =	vst.idx.add.f32.msk $0xffff, v0  }
0x59: {  	_ =	swait.ge [sflag:s15], $0x4000  }
0x5a: {  	[sflag:s15] =	ssyncset.done $0x0  }
0x5b: {  	s12 =	sadd.s32 $0xD00, s26;
	[sflag:s15] =	ssyncadd.s32 $0xFFFFC000  }
0x5c: {  	[spmem:s2] =	stream.indirect.scatter.add.f32 [tilespmem:s5], [sflag:$0x5], $0x80, s12, s4, $0xb8;
	[tilespmem:$0x1F9B0] =	vst v63  }
0x5d: {  	_ =	swait.ge [sflag:s16], $0x4000  }
0x5e: {  	[sflag:s16] =	ssyncset.done $0x0  }
0x5f: {  	s12 =	sadd.s32 $0x100, s26;
	[sflag:s16] =	ssyncadd.s32 $0xFFFFC000  }
0x60: {  	[tilespmem:s5], [sflag:$0x1] =	stream.indirect.gather [hbm4b:s1+s4], $0x80, s12, s4, $0xb8;
	[tilespmem:$0x1F9B0] =	vst v63  }
0x61: {  	v1 =	vld [tilespmem:s26+$0xD80];
	_ =	sdelay $0x7  }
0x62: {  	[tilespmem:v1+s28+$0x0] =	vst.idx.add.f32.msk $0xffff, v0  }
0x63: {  	v1 =	vld [tilespmem:s26+$0xD90];
	_ =	sdelay $0x7  }
0x64: {  	[tilespmem:v1+s28+$0x0] =	vst.idx.add.f32.msk $0xffff, v0  }
0x65: {  	v1 =	vld [tilespmem:s26+$0xDA0];
	_ =	sdelay $0x7  }
0x66: {  	[tilespmem:v1+s28+$0x0] =	vst.idx.add.f32.msk $0xffff, v0  }
0x67: {  	v1 =	vld [tilespmem:s26+$0xDB0];
	_ =	sdelay $0x7  }
0x68: {  	[tilespmem:v1+s28+$0x0] =	vst.idx.add.f32.msk $0xffff, v0  }
0x69: {  	v1 =	vld [tilespmem:s26+$0xDC0];
	_ =	sdelay $0x7  }
0x6a: {  	[tilespmem:v1+s28+$0x0] =	vst.idx.add.f32.msk $0xffff, v0  }
0x6b: {  	v1 =	vld [tilespmem:s26+$0xDD0];
	_ =	sdelay $0x7  }
0x6c: {  	[tilespmem:v1+s28+$0x0] =	vst.idx.add.f32.msk $0xffff, v0  }
0x6d: {  	v1 =	vld [tilespmem:s26+$0xDE0];
	_ =	sdelay $0x7  }
0x6e: {  	[tilespmem:v1+s28+$0x0] =	vst.idx.add.f32.msk $0xffff, v0  }
0x6f: {  	v1 =	vld [tilespmem:s26+$0xDF0];
	_ =	sdelay $0x7  }
0x70: {  	[tilespmem:v1+s28+$0x0] =	vst.idx.add.f32.msk $0xffff, v0  }
0x71: {  	_ =	swait.ge [sflag:s17], $0x4000  }
0x72: {  	p0 =	sne.s32 s25, $0x1400;
	[sflag:s17] =	ssyncset.done $0x0  }
.Ltmp0:
0x73: {  	s26 =	sadd.s32 $0xD80, s26;
	[sflag:s17] =	ssyncadd.s32 $0xFFFFC000;
	(pc) =	sbr.rel @p0 .LBB2_2-.Ltmp0, $4  }
0x74: {  	[spmem:s2] =	stream.indirect.scatter.add.f32 [tilespmem:s10], [sflag:$0x5], $0x80, s26, s4, $0xb8;
	[tilespmem:$0x1F9B0] =	vst v63  }
0x75: {  	_ =	swait.ge [sflag:s16], $0x4000  }
0x76: {  	[sflag:s16] =	ssyncset.done $0x0  }
0x77: {  	s25 =	sadd.s32 $0x400, s25;
	[sflag:s16] =	ssyncadd.s32 $0xFFFFC000  }
0x78: {  	_ =	swait.ge [sflag:s0], $0x680  }
0x79: {  	[sflag:s0] =	ssyncset.done $0x0  }
0x7a: {  	[sflag:s0] =	ssyncadd.s32 $0xFFFFF980  }
0x7b: {  	_ =	swait.ge [sflag:s0], $0x680  }
0x7c: {  	[sflag:s0] =	ssyncset.done $0x0  }
0x7d: {  	[sflag:s0] =	ssyncadd.s32 $0xFFFFF980  }
0x7e: {  	[tilespmem:s10], [sflag:$0x2] =	stream.indirect.gather [hbm4b:s1+s4], $0x80, s6, s4, $0xb8;
	[tilespmem:$0x1F9B0] =	vst v63  }
0x7f: {  	v1 =	vld [tilespmem:$0x1300];
	_ =	sdelay $0x7  }
0x80: {  	[tilespmem:v1+s28+$0x0] =	vst.idx.add.f32.msk $0xffff, v0  }
0x81: {  	v1 =	vld [tilespmem:$0x1310];
	_ =	sdelay $0x7  }
0x82: {  	[tilespmem:v1+s28+$0x0] =	vst.idx.add.f32.msk $0xffff, v0  }
0x83: {  	v1 =	vld [tilespmem:$0x1320];
	_ =	sdelay $0x7  }
0x84: {  	[tilespmem:v1+s28+$0x0] =	vst.idx.add.f32.msk $0xffff, v0  }
0x85: {  	v1 =	vld [tilespmem:$0x1330];
	_ =	sdelay $0x7  }
0x86: {  	[tilespmem:v1+s28+$0x0] =	vst.idx.add.f32.msk $0xffff, v0  }
0x87: {  	v1 =	vld [tilespmem:$0x1340];
	_ =	sdelay $0x7  }
0x88: {  	[tilespmem:v1+s28+$0x0] =	vst.idx.add.f32.msk $0xffff, v0  }
0x89: {  	v1 =	vld [tilespmem:$0x1350];
	_ =	sdelay $0x7  }
0x8a: {  	[tilespmem:v1+s28+$0x0] =	vst.idx.add.f32.msk $0xffff, v0  }
0x8b: {  	v1 =	vld [tilespmem:$0x1360];
	_ =	sdelay $0x7  }
0x8c: {  	[tilespmem:v1+s28+$0x0] =	vst.idx.add.f32.msk $0xffff, v0  }
0x8d: {  	v1 =	vld [tilespmem:$0x1370];
	_ =	sdelay $0x7  }
0x8e: {  	[tilespmem:v1+s28+$0x0] =	vst.idx.add.f32.msk $0xffff, v0  }
0x8f: {  	_ =	swait.ge [sflag:s15], $0x4000  }
0x90: {  	[sflag:s15] =	ssyncset.done $0x0  }
0x91: {  	[sflag:s15] =	ssyncadd.s32 $0xFFFFC000  }
0x92: {  	[spmem:s2] =	stream.indirect.scatter.add.f32 [tilespmem:s5], [sflag:$0x5], $0x80, s19, s4, $0xb8;
	[tilespmem:$0x1F9B0] =	vst v63  }
0x93: {  	_ =	swait.ge [sflag:s16], $0x4000  }
0x94: {  	[sflag:s16] =	ssyncset.done $0x0  }
0x95: {  	s25 =	simm.s32 $0x0;
	s12 =	rddreg [dreg:$0xc];
	[sflag:s16] =	ssyncadd.s32 $0xFFFFC000  }
0x96: {  	[tilespmem:s25], [sflag:$0x3] =	stream.linear.gather [hbm4b:s12+s25], $0x680, $0x38;
	[tilespmem:$0x1F9B0] =	vst v63  }
0x97: {  	s26 =	sadd.s32 s14, s11  }
0x98: {  	[tilespmem:s29], [sflag:$0x3] =	stream.linear.gather [hbm4b:s26+s25], $0x680, $0x38;
	[tilespmem:$0x1F9B0] =	vst v63  }
.LBB2_4:
0x99: {  	s12 =	sshra.s32 s25, $0x2  }
0x9a: {  	s26 =	sadd.s32 $0x700, s12  }
0x9b: {  	[tilespmem:s5], [sflag:$0x1] =	stream.indirect.gather [hbm4b:s1+s4], $0x80, s26, s4, $0xb8;
	[tilespmem:$0x1F9B0] =	vst v63  }
0x9c: {  	v1 =	vld [tilespmem:s12+$0x1380];
	_ =	sdelay $0x7  }
0x9d: {  	[tilespmem:v1+s28+$0x0] =	vst.idx.add.f32.msk $0xffff, v0  }
0x9e: {  	v1 =	vld [tilespmem:s12+$0x1390];
	_ =	sdelay $0x7  }
0x9f: {  	[tilespmem:v1+s28+$0x0] =	vst.idx.add.f32.msk $0xffff, v0  }
0xa0: {  	v1 =	vld [tilespmem:s12+$0x13A0];
	_ =	sdelay $0x7  }
0xa1: {  	[tilespmem:v1+s28+$0x0] =	vst.idx.add.f32.msk $0xffff, v0  }
0xa2: {  	v1 =	vld [tilespmem:s12+$0x13B0];
	_ =	sdelay $0x7  }
0xa3: {  	[tilespmem:v1+s28+$0x0] =	vst.idx.add.f32.msk $0xffff, v0  }
0xa4: {  	v1 =	vld [tilespmem:s12+$0x13C0];
	_ =	sdelay $0x7  }
0xa5: {  	[tilespmem:v1+s28+$0x0] =	vst.idx.add.f32.msk $0xffff, v0  }
0xa6: {  	v1 =	vld [tilespmem:s12+$0x13D0];
	_ =	sdelay $0x7  }
0xa7: {  	[tilespmem:v1+s28+$0x0] =	vst.idx.add.f32.msk $0xffff, v0  }
0xa8: {  	v1 =	vld [tilespmem:s12+$0x13E0];
	_ =	sdelay $0x7  }
0xa9: {  	[tilespmem:v1+s28+$0x0] =	vst.idx.add.f32.msk $0xffff, v0  }
0xaa: {  	v1 =	vld [tilespmem:s12+$0x13F0];
	_ =	sdelay $0x7  }
0xab: {  	[tilespmem:v1+s28+$0x0] =	vst.idx.add.f32.msk $0xffff, v0  }
0xac: {  	_ =	swait.ge [sflag:s17], $0x4000  }
0xad: {  	[sflag:s17] =	ssyncset.done $0x0  }
0xae: {  	s26 =	sadd.s32 $0x1380, s12;
	[sflag:s17] =	ssyncadd.s32 $0xFFFFC000  }
0xaf: {  	[spmem:s2] =	stream.indirect.scatter.add.f32 [tilespmem:s10], [sflag:$0x5], $0x80, s26, s4, $0xb8;
	[tilespmem:$0x1F9B0] =	vst v63  }
0xb0: {  	_ =	swait.ge [sflag:s16], $0x4000  }
0xb1: {  	[sflag:s16] =	ssyncset.done $0x0  }
0xb2: {  	s26 =	sadd.s32 $0x780, s12;
	[sflag:s16] =	ssyncadd.s32 $0xFFFFC000  }
0xb3: {  	[tilespmem:s10], [sflag:$0x2] =	stream.indirect.gather [hbm4b:s1+s4], $0x80, s26, s4, $0xb8;
	[tilespmem:$0x1F9B0] =	vst v63  }
0xb4: {  	v1 =	vld [tilespmem:s12+$0x1400];
	_ =	sdelay $0x7  }
0xb5: {  	[tilespmem:v1+s28+$0x0] =	vst.idx.add.f32.msk $0xffff, v0  }
0xb6: {  	v1 =	vld [tilespmem:s12+$0x1410];
	_ =	sdelay $0x7  }
0xb7: {  	[tilespmem:v1+s28+$0x0] =	vst.idx.add.f32.msk $0xffff, v0  }
0xb8: {  	v1 =	vld [tilespmem:s12+$0x1420];
	_ =	sdelay $0x7  }
0xb9: {  	[tilespmem:v1+s28+$0x0] =	vst.idx.add.f32.msk $0xffff, v0  }
0xba: {  	v1 =	vld [tilespmem:s12+$0x1430];
	_ =	sdelay $0x7  }
0xbb: {  	[tilespmem:v1+s28+$0x0] =	vst.idx.add.f32.msk $0xffff, v0  }
0xbc: {  	v1 =	vld [tilespmem:s12+$0x1440];
	_ =	sdelay $0x7  }
0xbd: {  	[tilespmem:v1+s28+$0x0] =	vst.idx.add.f32.msk $0xffff, v0  }
0xbe: {  	v1 =	vld [tilespmem:s12+$0x1450];
	_ =	sdelay $0x7  }
0xbf: {  	[tilespmem:v1+s28+$0x0] =	vst.idx.add.f32.msk $0xffff, v0  }
0xc0: {  	v1 =	vld [tilespmem:s12+$0x1460];
	_ =	sdelay $0x7  }
0xc1: {  	[tilespmem:v1+s28+$0x0] =	vst.idx.add.f32.msk $0xffff, v0  }
0xc2: {  	v1 =	vld [tilespmem:s12+$0x1470];
	_ =	sdelay $0x7  }
0xc3: {  	[tilespmem:v1+s28+$0x0] =	vst.idx.add.f32.msk $0xffff, v0  }
0xc4: {  	_ =	swait.ge [sflag:s15], $0x4000  }
0xc5: {  	p0 =	sne.s32 s25, $0x1400;
	[sflag:s15] =	ssyncset.done $0x0  }
.Ltmp1:
0xc6: {  	s12 =	sadd.s32 $0x1400, s12;
	[sflag:s15] =	ssyncadd.s32 $0xFFFFC000;
	(pc) =	sbr.rel @p0 .LBB2_4-.Ltmp1, $4  }
0xc7: {  	[spmem:s2] =	stream.indirect.scatter.add.f32 [tilespmem:s5], [sflag:$0x5], $0x80, s12, s4, $0xb8;
	[tilespmem:$0x1F9B0] =	vst v63  }
0xc8: {  	_ =	swait.ge [sflag:s16], $0x4000  }
0xc9: {  	[sflag:s16] =	ssyncset.done $0x0  }
0xca: {  	s25 =	sadd.s32 $0x400, s25;
	[sflag:s16] =	ssyncadd.s32 $0xFFFFC000  }
0xcb: {  	_ =	swait.ge [sflag:s0], $0x680  }
0xcc: {  	[sflag:s0] =	ssyncset.done $0x0  }
0xcd: {  	[sflag:s0] =	ssyncadd.s32 $0xFFFFF980  }
0xce: {  	_ =	swait.ge [sflag:s0], $0x680  }
0xcf: {  	[sflag:s0] =	ssyncset.done $0x0  }
0xd0: {  	s25 =	simm.s32 $0x0;
	[sflag:s0] =	ssyncadd.s32 $0xFFFFF980  }
0xd1: {  	[tilespmem:s5], [sflag:$0x1] =	stream.indirect.gather [hbm4b:s1+s4], $0x80, s25, s4, $0xb8;
	[tilespmem:$0x1F9B0] =	vst v63  }
0xd2: {  	v1 =	vld [tilespmem:$0x1980];
	_ =	sdelay $0x7  }
0xd3: {  	[tilespmem:v1+s28+$0x0] =	vst.idx.add.f32.msk $0xffff, v0  }
0xd4: {  	v1 =	vld [tilespmem:$0x1990];
	_ =	sdelay $0x7  }
0xd5: {  	[tilespmem:v1+s28+$0x0] =	vst.idx.add.f32.msk $0xffff, v0  }
0xd6: {  	v1 =	vld [tilespmem:$0x19A0];
	_ =	sdelay $0x7  }
0xd7: {  	[tilespmem:v1+s28+$0x0] =	vst.idx.add.f32.msk $0xffff, v0  }
0xd8: {  	v1 =	vld [tilespmem:$0x19B0];
	_ =	sdelay $0x7  }
0xd9: {  	[tilespmem:v1+s28+$0x0] =	vst.idx.add.f32.msk $0xffff, v0  }
0xda: {  	v1 =	vld [tilespmem:$0x19C0];
	_ =	sdelay $0x7  }
0xdb: {  	[tilespmem:v1+s28+$0x0] =	vst.idx.add.f32.msk $0xffff, v0  }
0xdc: {  	v1 =	vld [tilespmem:$0x19D0];
	_ =	sdelay $0x7  }
0xdd: {  	[tilespmem:v1+s28+$0x0] =	vst.idx.add.f32.msk $0xffff, v0  }
0xde: {  	v1 =	vld [tilespmem:$0x19E0];
	_ =	sdelay $0x7  }
0xdf: {  	[tilespmem:v1+s28+$0x0] =	vst.idx.add.f32.msk $0xffff, v0  }
0xe0: {  	v1 =	vld [tilespmem:$0x19F0];
	_ =	sdelay $0x7  }
0xe1: {  	[tilespmem:v1+s28+$0x0] =	vst.idx.add.f32.msk $0xffff, v0  }
0xe2: {  	_ =	swait.ge [sflag:s17], $0x4000  }
0xe3: {  	[sflag:s17] =	ssyncset.done $0x0  }
0xe4: {  	[sflag:s17] =	ssyncadd.s32 $0xFFFFC000  }
0xe5: {  	[spmem:s2] =	stream.indirect.scatter.add.f32 [tilespmem:s10], [sflag:$0x5], $0x80, s30, s4, $0xb8;
	[tilespmem:$0x1F9B0] =	vst v63  }
0xe6: {  	_ =	swait.ge [sflag:s16], $0x4000  }
0xe7: {  	[sflag:s16] =	ssyncset.done $0x0  }
0xe8: {  	s12 =	rddreg [dreg:$0xd];
	[sflag:s16] =	ssyncadd.s32 $0xFFFFC000  }
0xe9: {  	[tilespmem:s6], [sflag:$0x3] =	stream.linear.gather [hbm4b:s12+s25], $0x680, $0x38;
	[tilespmem:$0x1F9B0] =	vst v63  }
0xea: {  	s26 =	sadd.s32 s18, s11  }
0xeb: {  	[tilespmem:s7], [sflag:$0x3] =	stream.linear.gather [hbm4b:s26+s25], $0x680, $0x38;
	[tilespmem:$0x1F9B0] =	vst v63  }
.LBB2_6:
0xec: {  	s12 =	sshra.s32 s25, $0x2  }
0xed: {  	s26 =	sadd.s32 $0x80, s12  }
0xee: {  	[tilespmem:s10], [sflag:$0x2] =	stream.indirect.gather [hbm4b:s1+s4], $0x80, s26, s4, $0xb8;
	[tilespmem:$0x1F9B0] =	vst v63  }
0xef: {  	v1 =	vld [tilespmem:s12+$0xD00];
	_ =	sdelay $0x7  }
0xf0: {  	[tilespmem:v1+s28+$0x0] =	vst.idx.add.f32.msk $0xffff, v0  }
0xf1: {  	v1 =	vld [tilespmem:s12+$0xD10];
	_ =	sdelay $0x7  }
0xf2: {  	[tilespmem:v1+s28+$0x0] =	vst.idx.add.f32.msk $0xffff, v0  }
0xf3: {  	v1 =	vld [tilespmem:s12+$0xD20];
	_ =	sdelay $0x7  }
0xf4: {  	[tilespmem:v1+s28+$0x0] =	vst.idx.add.f32.msk $0xffff, v0  }
0xf5: {  	v1 =	vld [tilespmem:s12+$0xD30];
	_ =	sdelay $0x7  }
0xf6: {  	[tilespmem:v1+s28+$0x0] =	vst.idx.add.f32.msk $0xffff, v0  }
0xf7: {  	v1 =	vld [tilespmem:s12+$0xD40];
	_ =	sdelay $0x7  }
0xf8: {  	[tilespmem:v1+s28+$0x0] =	vst.idx.add.f32.msk $0xffff, v0  }
0xf9: {  	v1 =	vld [tilespmem:s12+$0xD50];
	_ =	sdelay $0x7  }
0xfa: {  	[tilespmem:v1+s28+$0x0] =	vst.idx.add.f32.msk $0xffff, v0  }
0xfb: {  	v1 =	vld [tilespmem:s12+$0xD60];
	_ =	sdelay $0x7  }
0xfc: {  	[tilespmem:v1+s28+$0x0] =	vst.idx.add.f32.msk $0xffff, v0  }
0xfd: {  	v1 =	vld [tilespmem:s12+$0xD70];
	_ =	sdelay $0x7  }
0xfe: {  	[tilespmem:v1+s28+$0x0] =	vst.idx.add.f32.msk $0xffff, v0  }
0xff: {  	_ =	swait.ge [sflag:s15], $0x4000  }
0x100: {  	[sflag:s15] =	ssyncset.done $0x0  }
0x101: {  	s26 =	sadd.s32 $0xD00, s12;
	[sflag:s15] =	ssyncadd.s32 $0xFFFFC000  }
0x102: {  	[spmem:s2] =	stream.indirect.scatter.add.f32 [tilespmem:s5], [sflag:$0x5], $0x80, s26, s4, $0xb8;
	[tilespmem:$0x1F9B0] =	vst v63  }
0x103: {  	_ =	swait.ge [sflag:s16], $0x4000  }
0x104: {  	[sflag:s16] =	ssyncset.done $0x0  }
0x105: {  	s26 =	sadd.s32 $0x100, s12;
	[sflag:s16] =	ssyncadd.s32 $0xFFFFC000  }
0x106: {  	[tilespmem:s5], [sflag:$0x1] =	stream.indirect.gather [hbm4b:s1+s4], $0x80, s26, s4, $0xb8;
	[tilespmem:$0x1F9B0] =	vst v63  }
0x107: {  	v1 =	vld [tilespmem:s12+$0xD80];
	_ =	sdelay $0x7  }
0x108: {  	[tilespmem:v1+s28+$0x0] =	vst.idx.add.f32.msk $0xffff, v0  }
0x109: {  	v1 =	vld [tilespmem:s12+$0xD90];
	_ =	sdelay $0x7  }
0x10a: {  	[tilespmem:v1+s28+$0x0] =	vst.idx.add.f32.msk $0xffff, v0  }
0x10b: {  	v1 =	vld [tilespmem:s12+$0xDA0];
	_ =	sdelay $0x7  }
0x10c: {  	[tilespmem:v1+s28+$0x0] =	vst.idx.add.f32.msk $0xffff, v0  }
0x10d: {  	v1 =	vld [tilespmem:s12+$0xDB0];
	_ =	sdelay $0x7  }
0x10e: {  	[tilespmem:v1+s28+$0x0] =	vst.idx.add.f32.msk $0xffff, v0  }
0x10f: {  	v1 =	vld [tilespmem:s12+$0xDC0];
	_ =	sdelay $0x7  }
0x110: {  	[tilespmem:v1+s28+$0x0] =	vst.idx.add.f32.msk $0xffff, v0  }
0x111: {  	v1 =	vld [tilespmem:s12+$0xDD0];
	_ =	sdelay $0x7  }
0x112: {  	[tilespmem:v1+s28+$0x0] =	vst.idx.add.f32.msk $0xffff, v0  }
0x113: {  	v1 =	vld [tilespmem:s12+$0xDE0];
	_ =	sdelay $0x7  }
0x114: {  	[tilespmem:v1+s28+$0x0] =	vst.idx.add.f32.msk $0xffff, v0  }
0x115: {  	v1 =	vld [tilespmem:s12+$0xDF0];
	_ =	sdelay $0x7  }
0x116: {  	[tilespmem:v1+s28+$0x0] =	vst.idx.add.f32.msk $0xffff, v0  }
0x117: {  	_ =	swait.ge [sflag:s17], $0x4000  }
0x118: {  	p0 =	sne.s32 s25, $0x1400;
	[sflag:s17] =	ssyncset.done $0x0  }
.Ltmp2:
0x119: {  	s12 =	sadd.s32 $0xD80, s12;
	[sflag:s17] =	ssyncadd.s32 $0xFFFFC000;
	(pc) =	sbr.rel @p0 .LBB2_6-.Ltmp2, $4  }
0x11a: {  	[spmem:s2] =	stream.indirect.scatter.add.f32 [tilespmem:s10], [sflag:$0x5], $0x80, s12, s4, $0xb8;
	[tilespmem:$0x1F9B0] =	vst v63  }
0x11b: {  	_ =	swait.ge [sflag:s16], $0x4000  }
0x11c: {  	[sflag:s16] =	ssyncset.done $0x0  }
0x11d: {  	s25 =	sadd.s32 $0x400, s25;
	[sflag:s16] =	ssyncadd.s32 $0xFFFFC000  }
0x11e: {  	_ =	swait.ge [sflag:s0], $0x680  }
0x11f: {  	[sflag:s0] =	ssyncset.done $0x0  }
0x120: {  	[sflag:s0] =	ssyncadd.s32 $0xFFFFF980  }
0x121: {  	_ =	swait.ge [sflag:s0], $0x680  }
0x122: {  	[sflag:s0] =	ssyncset.done $0x0  }
0x123: {  	[sflag:s0] =	ssyncadd.s32 $0xFFFFF980  }
0x124: {  	[tilespmem:s10], [sflag:$0x2] =	stream.indirect.gather [hbm4b:s1+s4], $0x80, s6, s4, $0xb8;
	[tilespmem:$0x1F9B0] =	vst v63  }
0x125: {  	v1 =	vld [tilespmem:$0x1300];
	_ =	sdelay $0x7  }
0x126: {  	[tilespmem:v1+s28+$0x0] =	vst.idx.add.f32.msk $0xffff, v0  }
0x127: {  	v1 =	vld [tilespmem:$0x1310];
	_ =	sdelay $0x7  }
0x128: {  	[tilespmem:v1+s28+$0x0] =	vst.idx.add.f32.msk $0xffff, v0  }
0x129: {  	v1 =	vld [tilespmem:$0x1320];
	_ =	sdelay $0x7  }
0x12a: {  	[tilespmem:v1+s28+$0x0] =	vst.idx.add.f32.msk $0xffff, v0  }
0x12b: {  	v1 =	vld [tilespmem:$0x1330];
	_ =	sdelay $0x7  }
0x12c: {  	[tilespmem:v1+s28+$0x0] =	vst.idx.add.f32.msk $0xffff, v0  }
0x12d: {  	v1 =	vld [tilespmem:$0x1340];
	_ =	sdelay $0x7  }
0x12e: {  	[tilespmem:v1+s28+$0x0] =	vst.idx.add.f32.msk $0xffff, v0  }
0x12f: {  	v1 =	vld [tilespmem:$0x1350];
	_ =	sdelay $0x7  }
0x130: {  	[tilespmem:v1+s28+$0x0] =	vst.idx.add.f32.msk $0xffff, v0  }
0x131: {  	v1 =	vld [tilespmem:$0x1360];
	_ =	sdelay $0x7  }
0x132: {  	[tilespmem:v1+s28+$0x0] =	vst.idx.add.f32.msk $0xffff, v0  }
0x133: {  	v1 =	vld [tilespmem:$0x1370];
	_ =	sdelay $0x7  }
0x134: {  	[tilespmem:v1+s28+$0x0] =	vst.idx.add.f32.msk $0xffff, v0  }
0x135: {  	_ =	swait.ge [sflag:s15], $0x4000  }
0x136: {  	[sflag:s15] =	ssyncset.done $0x0  }
0x137: {  	[sflag:s15] =	ssyncadd.s32 $0xFFFFC000  }
0x138: {  	[spmem:s2] =	stream.indirect.scatter.add.f32 [tilespmem:s5], [sflag:$0x5], $0x80, s19, s4, $0xb8;
	[tilespmem:$0x1F9B0] =	vst v63  }
0x139: {  	_ =	swait.ge [sflag:s16], $0x4000  }
0x13a: {  	[sflag:s16] =	ssyncset.done $0x0  }
0x13b: {  	s25 =	simm.s32 $0x0;
	s12 =	rddreg [dreg:$0x10];
	[sflag:s16] =	ssyncadd.s32 $0xFFFFC000  }
0x13c: {  	[tilespmem:s25], [sflag:$0x3] =	stream.linear.gather [hbm4b:s12+s25], $0x680, $0x38;
	[tilespmem:$0x1F9B0] =	vst v63  }
0x13d: {  	s26 =	sadd.s32 s21, s11  }
0x13e: {  	[tilespmem:s29], [sflag:$0x3] =	stream.linear.gather [hbm4b:s26+s25], $0x680, $0x38;
	[tilespmem:$0x1F9B0] =	vst v63  }
.LBB2_8:
0x13f: {  	s12 =	sshra.s32 s25, $0x2  }
0x140: {  	s26 =	sadd.s32 $0x700, s12  }
0x141: {  	[tilespmem:s5], [sflag:$0x1] =	stream.indirect.gather [hbm4b:s1+s4], $0x80, s26, s4, $0xb8;
	[tilespmem:$0x1F9B0] =	vst v63  }
0x142: {  	v1 =	vld [tilespmem:s12+$0x1380];
	_ =	sdelay $0x7  }
0x143: {  	[tilespmem:v1+s28+$0x0] =	vst.idx.add.f32.msk $0xffff, v0  }
0x144: {  	v1 =	vld [tilespmem:s12+$0x1390];
	_ =	sdelay $0x7  }
0x145: {  	[tilespmem:v1+s28+$0x0] =	vst.idx.add.f32.msk $0xffff, v0  }
0x146: {  	v1 =	vld [tilespmem:s12+$0x13A0];
	_ =	sdelay $0x7  }
0x147: {  	[tilespmem:v1+s28+$0x0] =	vst.idx.add.f32.msk $0xffff, v0  }
0x148: {  	v1 =	vld [tilespmem:s12+$0x13B0];
	_ =	sdelay $0x7  }
0x149: {  	[tilespmem:v1+s28+$0x0] =	vst.idx.add.f32.msk $0xffff, v0  }
0x14a: {  	v1 =	vld [tilespmem:s12+$0x13C0];
	_ =	sdelay $0x7  }
0x14b: {  	[tilespmem:v1+s28+$0x0] =	vst.idx.add.f32.msk $0xffff, v0  }
0x14c: {  	v1 =	vld [tilespmem:s12+$0x13D0];
	_ =	sdelay $0x7  }
0x14d: {  	[tilespmem:v1+s28+$0x0] =	vst.idx.add.f32.msk $0xffff, v0  }
0x14e: {  	v1 =	vld [tilespmem:s12+$0x13E0];
	_ =	sdelay $0x7  }
0x14f: {  	[tilespmem:v1+s28+$0x0] =	vst.idx.add.f32.msk $0xffff, v0  }
0x150: {  	v1 =	vld [tilespmem:s12+$0x13F0];
	_ =	sdelay $0x7  }
0x151: {  	[tilespmem:v1+s28+$0x0] =	vst.idx.add.f32.msk $0xffff, v0  }
0x152: {  	_ =	swait.ge [sflag:s17], $0x4000  }
0x153: {  	[sflag:s17] =	ssyncset.done $0x0  }
0x154: {  	s26 =	sadd.s32 $0x1380, s12;
	[sflag:s17] =	ssyncadd.s32 $0xFFFFC000  }
0x155: {  	[spmem:s2] =	stream.indirect.scatter.add.f32 [tilespmem:s10], [sflag:$0x5], $0x80, s26, s4, $0xb8;
	[tilespmem:$0x1F9B0] =	vst v63  }
0x156: {  	_ =	swait.ge [sflag:s16], $0x4000  }
0x157: {  	[sflag:s16] =	ssyncset.done $0x0  }
0x158: {  	s26 =	sadd.s32 $0x780, s12;
	[sflag:s16] =	ssyncadd.s32 $0xFFFFC000  }
0x159: {  	[tilespmem:s10], [sflag:$0x2] =	stream.indirect.gather [hbm4b:s1+s4], $0x80, s26, s4, $0xb8;
	[tilespmem:$0x1F9B0] =	vst v63  }
0x15a: {  	v1 =	vld [tilespmem:s12+$0x1400];
	_ =	sdelay $0x7  }
0x15b: {  	[tilespmem:v1+s28+$0x0] =	vst.idx.add.f32.msk $0xffff, v0  }
0x15c: {  	v1 =	vld [tilespmem:s12+$0x1410];
	_ =	sdelay $0x7  }
0x15d: {  	[tilespmem:v1+s28+$0x0] =	vst.idx.add.f32.msk $0xffff, v0  }
0x15e: {  	v1 =	vld [tilespmem:s12+$0x1420];
	_ =	sdelay $0x7  }
0x15f: {  	[tilespmem:v1+s28+$0x0] =	vst.idx.add.f32.msk $0xffff, v0  }
0x160: {  	v1 =	vld [tilespmem:s12+$0x1430];
	_ =	sdelay $0x7  }
0x161: {  	[tilespmem:v1+s28+$0x0] =	vst.idx.add.f32.msk $0xffff, v0  }
0x162: {  	v1 =	vld [tilespmem:s12+$0x1440];
	_ =	sdelay $0x7  }
0x163: {  	[tilespmem:v1+s28+$0x0] =	vst.idx.add.f32.msk $0xffff, v0  }
0x164: {  	v1 =	vld [tilespmem:s12+$0x1450];
	_ =	sdelay $0x7  }
0x165: {  	[tilespmem:v1+s28+$0x0] =	vst.idx.add.f32.msk $0xffff, v0  }
0x166: {  	v1 =	vld [tilespmem:s12+$0x1460];
	_ =	sdelay $0x7  }
0x167: {  	[tilespmem:v1+s28+$0x0] =	vst.idx.add.f32.msk $0xffff, v0  }
0x168: {  	v1 =	vld [tilespmem:s12+$0x1470];
	_ =	sdelay $0x7  }
0x169: {  	[tilespmem:v1+s28+$0x0] =	vst.idx.add.f32.msk $0xffff, v0  }
0x16a: {  	_ =	swait.ge [sflag:s15], $0x4000  }
0x16b: {  	p0 =	sne.s32 s25, $0x1400;
	[sflag:s15] =	ssyncset.done $0x0  }
.Ltmp3:
0x16c: {  	s12 =	sadd.s32 $0x1400, s12;
	[sflag:s15] =	ssyncadd.s32 $0xFFFFC000;
	(pc) =	sbr.rel @p0 .LBB2_8-.Ltmp3, $4  }
0x16d: {  	[spmem:s2] =	stream.indirect.scatter.add.f32 [tilespmem:s5], [sflag:$0x5], $0x80, s12, s4, $0xb8;
	[tilespmem:$0x1F9B0] =	vst v63  }
0x16e: {  	_ =	swait.ge [sflag:s16], $0x4000  }
0x16f: {  	[sflag:s16] =	ssyncset.done $0x0  }
0x170: {  	s25 =	sadd.s32 $0x400, s25;
	[sflag:s16] =	ssyncadd.s32 $0xFFFFC000  }
0x171: {  	_ =	swait.ge [sflag:s0], $0x680  }
0x172: {  	[sflag:s0] =	ssyncset.done $0x0  }
0x173: {  	[sflag:s0] =	ssyncadd.s32 $0xFFFFF980  }
0x174: {  	_ =	swait.ge [sflag:s0], $0x680  }
0x175: {  	[sflag:s0] =	ssyncset.done $0x0  }
0x176: {  	s25 =	simm.s32 $0x0;
	[sflag:s0] =	ssyncadd.s32 $0xFFFFF980  }
0x177: {  	[tilespmem:s5], [sflag:$0x1] =	stream.indirect.gather [hbm4b:s1+s4], $0x80, s25, s4, $0xb8;
	[tilespmem:$0x1F9B0] =	vst v63  }
0x178: {  	v1 =	vld [tilespmem:$0x1980];
	_ =	sdelay $0x7  }
0x179: {  	[tilespmem:v1+s28+$0x0] =	vst.idx.add.f32.msk $0xffff, v0  }
0x17a: {  	v1 =	vld [tilespmem:$0x1990];
	_ =	sdelay $0x7  }
0x17b: {  	[tilespmem:v1+s28+$0x0] =	vst.idx.add.f32.msk $0xffff, v0  }
0x17c: {  	v1 =	vld [tilespmem:$0x19A0];
	_ =	sdelay $0x7  }
0x17d: {  	[tilespmem:v1+s28+$0x0] =	vst.idx.add.f32.msk $0xffff, v0  }
0x17e: {  	v1 =	vld [tilespmem:$0x19B0];
	_ =	sdelay $0x7  }
0x17f: {  	[tilespmem:v1+s28+$0x0] =	vst.idx.add.f32.msk $0xffff, v0  }
0x180: {  	v1 =	vld [tilespmem:$0x19C0];
	_ =	sdelay $0x7  }
0x181: {  	[tilespmem:v1+s28+$0x0] =	vst.idx.add.f32.msk $0xffff, v0  }
0x182: {  	v1 =	vld [tilespmem:$0x19D0];
	_ =	sdelay $0x7  }
0x183: {  	[tilespmem:v1+s28+$0x0] =	vst.idx.add.f32.msk $0xffff, v0  }
0x184: {  	v1 =	vld [tilespmem:$0x19E0];
	_ =	sdelay $0x7  }
0x185: {  	[tilespmem:v1+s28+$0x0] =	vst.idx.add.f32.msk $0xffff, v0  }
0x186: {  	v1 =	vld [tilespmem:$0x19F0];
	_ =	sdelay $0x7  }
0x187: {  	[tilespmem:v1+s28+$0x0] =	vst.idx.add.f32.msk $0xffff, v0  }
0x188: {  	_ =	swait.ge [sflag:s17], $0x4000  }
0x189: {  	[sflag:s17] =	ssyncset.done $0x0  }
0x18a: {  	[sflag:s17] =	ssyncadd.s32 $0xFFFFC000  }
0x18b: {  	[spmem:s2] =	stream.indirect.scatter.add.f32 [tilespmem:s10], [sflag:$0x5], $0x80, s30, s4, $0xb8;
	[tilespmem:$0x1F9B0] =	vst v63  }
0x18c: {  	_ =	swait.ge [sflag:s16], $0x4000  }
0x18d: {  	[sflag:s16] =	ssyncset.done $0x0  }
0x18e: {  	s12 =	rddreg [dreg:$0x11];
	[sflag:s16] =	ssyncadd.s32 $0xFFFFC000  }
0x18f: {  	[tilespmem:s6], [sflag:$0x3] =	stream.linear.gather [hbm4b:s12+s25], $0x680, $0x38;
	[tilespmem:$0x1F9B0] =	vst v63  }
0x190: {  	s26 =	sadd.s32 s23, s11  }
0x191: {  	[tilespmem:s7], [sflag:$0x3] =	stream.linear.gather [hbm4b:s26+s25], $0x680, $0x38;
	[tilespmem:$0x1F9B0] =	vst v63  }
.LBB2_10:
0x192: {  	s12 =	sshra.s32 s25, $0x2  }
0x193: {  	s26 =	sadd.s32 $0x80, s12  }
0x194: {  	[tilespmem:s10], [sflag:$0x2] =	stream.indirect.gather [hbm4b:s1+s4], $0x80, s26, s4, $0xb8;
	[tilespmem:$0x1F9B0] =	vst v63  }
0x195: {  	v1 =	vld [tilespmem:s12+$0xD00];
	_ =	sdelay $0x7  }
0x196: {  	[tilespmem:v1+s28+$0x0] =	vst.idx.add.f32.msk $0xffff, v0  }
0x197: {  	v1 =	vld [tilespmem:s12+$0xD10];
	_ =	sdelay $0x7  }
0x198: {  	[tilespmem:v1+s28+$0x0] =	vst.idx.add.f32.msk $0xffff, v0  }
0x199: {  	v1 =	vld [tilespmem:s12+$0xD20];
	_ =	sdelay $0x7  }
0x19a: {  	[tilespmem:v1+s28+$0x0] =	vst.idx.add.f32.msk $0xffff, v0  }
0x19b: {  	v1 =	vld [tilespmem:s12+$0xD30];
	_ =	sdelay $0x7  }
0x19c: {  	[tilespmem:v1+s28+$0x0] =	vst.idx.add.f32.msk $0xffff, v0  }
0x19d: {  	v1 =	vld [tilespmem:s12+$0xD40];
	_ =	sdelay $0x7  }
0x19e: {  	[tilespmem:v1+s28+$0x0] =	vst.idx.add.f32.msk $0xffff, v0  }
0x19f: {  	v1 =	vld [tilespmem:s12+$0xD50];
	_ =	sdelay $0x7  }
0x1a0: {  	[tilespmem:v1+s28+$0x0] =	vst.idx.add.f32.msk $0xffff, v0  }
0x1a1: {  	v1 =	vld [tilespmem:s12+$0xD60];
	_ =	sdelay $0x7  }
0x1a2: {  	[tilespmem:v1+s28+$0x0] =	vst.idx.add.f32.msk $0xffff, v0  }
0x1a3: {  	v1 =	vld [tilespmem:s12+$0xD70];
	_ =	sdelay $0x7  }
0x1a4: {  	[tilespmem:v1+s28+$0x0] =	vst.idx.add.f32.msk $0xffff, v0  }
0x1a5: {  	_ =	swait.ge [sflag:s15], $0x4000  }
0x1a6: {  	[sflag:s15] =	ssyncset.done $0x0  }
0x1a7: {  	s26 =	sadd.s32 $0xD00, s12;
	[sflag:s15] =	ssyncadd.s32 $0xFFFFC000  }
0x1a8: {  	[spmem:s2] =	stream.indirect.scatter.add.f32 [tilespmem:s5], [sflag:$0x5], $0x80, s26, s4, $0xb8;
	[tilespmem:$0x1F9B0] =	vst v63  }
0x1a9: {  	_ =	swait.ge [sflag:s16], $0x4000  }
0x1aa: {  	[sflag:s16] =	ssyncset.done $0x0  }
0x1ab: {  	s26 =	sadd.s32 $0x100, s12;
	[sflag:s16] =	ssyncadd.s32 $0xFFFFC000  }
0x1ac: {  	[tilespmem:s5], [sflag:$0x1] =	stream.indirect.gather [hbm4b:s1+s4], $0x80, s26, s4, $0xb8;
	[tilespmem:$0x1F9B0] =	vst v63  }
0x1ad: {  	v1 =	vld [tilespmem:s12+$0xD80];
	_ =	sdelay $0x7  }
0x1ae: {  	[tilespmem:v1+s28+$0x0] =	vst.idx.add.f32.msk $0xffff, v0  }
0x1af: {  	v1 =	vld [tilespmem:s12+$0xD90];
	_ =	sdelay $0x7  }
0x1b0: {  	[tilespmem:v1+s28+$0x0] =	vst.idx.add.f32.msk $0xffff, v0  }
0x1b1: {  	v1 =	vld [tilespmem:s12+$0xDA0];
	_ =	sdelay $0x7  }
0x1b2: {  	[tilespmem:v1+s28+$0x0] =	vst.idx.add.f32.msk $0xffff, v0  }
0x1b3: {  	v1 =	vld [tilespmem:s12+$0xDB0];
	_ =	sdelay $0x7  }
0x1b4: {  	[tilespmem:v1+s28+$0x0] =	vst.idx.add.f32.msk $0xffff, v0  }
0x1b5: {  	v1 =	vld [tilespmem:s12+$0xDC0];
	_ =	sdelay $0x7  }
0x1b6: {  	[tilespmem:v1+s28+$0x0] =	vst.idx.add.f32.msk $0xffff, v0  }
0x1b7: {  	v1 =	vld [tilespmem:s12+$0xDD0];
	_ =	sdelay $0x7  }
0x1b8: {  	[tilespmem:v1+s28+$0x0] =	vst.idx.add.f32.msk $0xffff, v0  }
0x1b9: {  	v1 =	vld [tilespmem:s12+$0xDE0];
	_ =	sdelay $0x7  }
0x1ba: {  	[tilespmem:v1+s28+$0x0] =	vst.idx.add.f32.msk $0xffff, v0  }
0x1bb: {  	v1 =	vld [tilespmem:s12+$0xDF0];
	_ =	sdelay $0x7  }
0x1bc: {  	[tilespmem:v1+s28+$0x0] =	vst.idx.add.f32.msk $0xffff, v0  }
0x1bd: {  	_ =	swait.ge [sflag:s17], $0x4000  }
0x1be: {  	p0 =	sne.s32 s25, $0x1400;
	[sflag:s17] =	ssyncset.done $0x0  }
.Ltmp4:
0x1bf: {  	s12 =	sadd.s32 $0xD80, s12;
	[sflag:s17] =	ssyncadd.s32 $0xFFFFC000;
	(pc) =	sbr.rel @p0 .LBB2_10-.Ltmp4, $4  }
0x1c0: {  	[spmem:s2] =	stream.indirect.scatter.add.f32 [tilespmem:s10], [sflag:$0x5], $0x80, s12, s4, $0xb8;
	[tilespmem:$0x1F9B0] =	vst v63  }
0x1c1: {  	_ =	swait.ge [sflag:s16], $0x4000  }
0x1c2: {  	[sflag:s16] =	ssyncset.done $0x0  }
0x1c3: {  	s25 =	sadd.s32 $0x400, s25;
	[sflag:s16] =	ssyncadd.s32 $0xFFFFC000  }
0x1c4: {  	_ =	swait.ge [sflag:s0], $0x680  }
0x1c5: {  	[sflag:s0] =	ssyncset.done $0x0  }
0x1c6: {  	[sflag:s0] =	ssyncadd.s32 $0xFFFFF980  }
0x1c7: {  	_ =	swait.ge [sflag:s0], $0x680  }
0x1c8: {  	[sflag:s0] =	ssyncset.done $0x0  }
0x1c9: {  	[sflag:s0] =	ssyncadd.s32 $0xFFFFF980  }
0x1ca: {  	[tilespmem:s10], [sflag:$0x2] =	stream.indirect.gather [hbm4b:s1+s4], $0x80, s6, s4, $0xb8;
	[tilespmem:$0x1F9B0] =	vst v63  }
0x1cb: {  	v1 =	vld [tilespmem:$0x1300];
	_ =	sdelay $0x7  }
0x1cc: {  	[tilespmem:v1+s28+$0x0] =	vst.idx.add.f32.msk $0xffff, v0  }
0x1cd: {  	v1 =	vld [tilespmem:$0x1310];
	_ =	sdelay $0x7  }
0x1ce: {  	[tilespmem:v1+s28+$0x0] =	vst.idx.add.f32.msk $0xffff, v0  }
0x1cf: {  	v1 =	vld [tilespmem:$0x1320];
	_ =	sdelay $0x7  }
0x1d0: {  	[tilespmem:v1+s28+$0x0] =	vst.idx.add.f32.msk $0xffff, v0  }
0x1d1: {  	v1 =	vld [tilespmem:$0x1330];
	_ =	sdelay $0x7  }
0x1d2: {  	[tilespmem:v1+s28+$0x0] =	vst.idx.add.f32.msk $0xffff, v0  }
0x1d3: {  	v1 =	vld [tilespmem:$0x1340];
	_ =	sdelay $0x7  }
0x1d4: {  	[tilespmem:v1+s28+$0x0] =	vst.idx.add.f32.msk $0xffff, v0  }
0x1d5: {  	v1 =	vld [tilespmem:$0x1350];
	_ =	sdelay $0x7  }
0x1d6: {  	[tilespmem:v1+s28+$0x0] =	vst.idx.add.f32.msk $0xffff, v0  }
0x1d7: {  	v1 =	vld [tilespmem:$0x1360];
	_ =	sdelay $0x7  }
0x1d8: {  	[tilespmem:v1+s28+$0x0] =	vst.idx.add.f32.msk $0xffff, v0  }
0x1d9: {  	v1 =	vld [tilespmem:$0x1370];
	_ =	sdelay $0x7  }
0x1da: {  	[tilespmem:v1+s28+$0x0] =	vst.idx.add.f32.msk $0xffff, v0  }
0x1db: {  	_ =	swait.ge [sflag:s15], $0x4000  }
0x1dc: {  	[sflag:s15] =	ssyncset.done $0x0  }
0x1dd: {  	[sflag:s15] =	ssyncadd.s32 $0xFFFFC000  }
0x1de: {  	[spmem:s2] =	stream.indirect.scatter.add.f32 [tilespmem:s5], [sflag:$0x5], $0x80, s19, s4, $0xb8;
	[tilespmem:$0x1F9B0] =	vst v63  }
0x1df: {  	_ =	swait.ge [sflag:s16], $0x4000  }
0x1e0: {  	[sflag:s16] =	ssyncset.done $0x0  }
0x1e1: {  	s25 =	simm.s32 $0x0;
	[sflag:s16] =	ssyncadd.s32 $0xFFFFC000  }
.LBB2_12:
0x1e2: {  	s12 =	sshra.s32 s25, $0x2  }
0x1e3: {  	s26 =	sadd.s32 $0x700, s12  }
0x1e4: {  	[tilespmem:s5], [sflag:$0x1] =	stream.indirect.gather [hbm4b:s1+s4], $0x80, s26, s4, $0xb8;
	[tilespmem:$0x1F9B0] =	vst v63  }
0x1e5: {  	v1 =	vld [tilespmem:s12+$0x1380];
	_ =	sdelay $0x7  }
0x1e6: {  	[tilespmem:v1+s28+$0x0] =	vst.idx.add.f32.msk $0xffff, v0  }
0x1e7: {  	v1 =	vld [tilespmem:s12+$0x1390];
	_ =	sdelay $0x7  }
0x1e8: {  	[tilespmem:v1+s28+$0x0] =	vst.idx.add.f32.msk $0xffff, v0  }
0x1e9: {  	v1 =	vld [tilespmem:s12+$0x13A0];
	_ =	sdelay $0x7  }
0x1ea: {  	[tilespmem:v1+s28+$0x0] =	vst.idx.add.f32.msk $0xffff, v0  }
0x1eb: {  	v1 =	vld [tilespmem:s12+$0x13B0];
	_ =	sdelay $0x7  }
0x1ec: {  	[tilespmem:v1+s28+$0x0] =	vst.idx.add.f32.msk $0xffff, v0  }
0x1ed: {  	v1 =	vld [tilespmem:s12+$0x13C0];
	_ =	sdelay $0x7  }
0x1ee: {  	[tilespmem:v1+s28+$0x0] =	vst.idx.add.f32.msk $0xffff, v0  }
0x1ef: {  	v1 =	vld [tilespmem:s12+$0x13D0];
	_ =	sdelay $0x7  }
0x1f0: {  	[tilespmem:v1+s28+$0x0] =	vst.idx.add.f32.msk $0xffff, v0  }
0x1f1: {  	v1 =	vld [tilespmem:s12+$0x13E0];
	_ =	sdelay $0x7  }
0x1f2: {  	[tilespmem:v1+s28+$0x0] =	vst.idx.add.f32.msk $0xffff, v0  }
0x1f3: {  	v1 =	vld [tilespmem:s12+$0x13F0];
	_ =	sdelay $0x7  }
0x1f4: {  	[tilespmem:v1+s28+$0x0] =	vst.idx.add.f32.msk $0xffff, v0  }
0x1f5: {  	_ =	swait.ge [sflag:s17], $0x4000  }
0x1f6: {  	[sflag:s17] =	ssyncset.done $0x0  }
0x1f7: {  	s26 =	sadd.s32 $0x1380, s12;
	[sflag:s17] =	ssyncadd.s32 $0xFFFFC000  }
0x1f8: {  	[spmem:s2] =	stream.indirect.scatter.add.f32 [tilespmem:s10], [sflag:$0x5], $0x80, s26, s4, $0xb8;
	[tilespmem:$0x1F9B0] =	vst v63  }
0x1f9: {  	_ =	swait.ge [sflag:s16], $0x4000  }
0x1fa: {  	[sflag:s16] =	ssyncset.done $0x0  }
0x1fb: {  	s26 =	sadd.s32 $0x780, s12;
	[sflag:s16] =	ssyncadd.s32 $0xFFFFC000  }
0x1fc: {  	[tilespmem:s10], [sflag:$0x2] =	stream.indirect.gather [hbm4b:s1+s4], $0x80, s26, s4, $0xb8;
	[tilespmem:$0x1F9B0] =	vst v63  }
0x1fd: {  	v1 =	vld [tilespmem:s12+$0x1400];
	_ =	sdelay $0x7  }
0x1fe: {  	[tilespmem:v1+s28+$0x0] =	vst.idx.add.f32.msk $0xffff, v0  }
0x1ff: {  	v1 =	vld [tilespmem:s12+$0x1410];
	_ =	sdelay $0x7  }
0x200: {  	[tilespmem:v1+s28+$0x0] =	vst.idx.add.f32.msk $0xffff, v0  }
0x201: {  	v1 =	vld [tilespmem:s12+$0x1420];
	_ =	sdelay $0x7  }
0x202: {  	[tilespmem:v1+s28+$0x0] =	vst.idx.add.f32.msk $0xffff, v0  }
0x203: {  	v1 =	vld [tilespmem:s12+$0x1430];
	_ =	sdelay $0x7  }
0x204: {  	[tilespmem:v1+s28+$0x0] =	vst.idx.add.f32.msk $0xffff, v0  }
0x205: {  	v1 =	vld [tilespmem:s12+$0x1440];
	_ =	sdelay $0x7  }
0x206: {  	[tilespmem:v1+s28+$0x0] =	vst.idx.add.f32.msk $0xffff, v0  }
0x207: {  	v1 =	vld [tilespmem:s12+$0x1450];
	_ =	sdelay $0x7  }
0x208: {  	[tilespmem:v1+s28+$0x0] =	vst.idx.add.f32.msk $0xffff, v0  }
0x209: {  	v1 =	vld [tilespmem:s12+$0x1460];
	_ =	sdelay $0x7  }
0x20a: {  	[tilespmem:v1+s28+$0x0] =	vst.idx.add.f32.msk $0xffff, v0  }
0x20b: {  	v1 =	vld [tilespmem:s12+$0x1470];
	_ =	sdelay $0x7  }
0x20c: {  	[tilespmem:v1+s28+$0x0] =	vst.idx.add.f32.msk $0xffff, v0  }
0x20d: {  	_ =	swait.ge [sflag:s15], $0x4000  }
0x20e: {  	p0 =	sne.s32 s25, $0x1400;
	[sflag:s15] =	ssyncset.done $0x0  }
.Ltmp5:
0x20f: {  	s12 =	sadd.s32 $0x1400, s12;
	[sflag:s15] =	ssyncadd.s32 $0xFFFFC000;
	(pc) =	sbr.rel @p0 .LBB2_12-.Ltmp5, $4  }
0x210: {  	[spmem:s2] =	stream.indirect.scatter.add.f32 [tilespmem:s5], [sflag:$0x5], $0x80, s12, s4, $0xb8;
	[tilespmem:$0x1F9B0] =	vst v63  }
0x211: {  	_ =	swait.ge [sflag:s16], $0x4000  }
0x212: {  	[sflag:s16] =	ssyncset.done $0x0  }
0x213: {  	s25 =	sadd.s32 $0x400, s25;
	[sflag:s16] =	ssyncadd.s32 $0xFFFFC000  }
0x214: {  	v1 =	vld [tilespmem:$0x1980];
	_ =	sdelay $0x7  }
0x215: {  	[tilespmem:v1+s28+$0x0] =	vst.idx.add.f32.msk $0xffff, v0  }
0x216: {  	v1 =	vld [tilespmem:$0x1990];
	_ =	sdelay $0x7  }
0x217: {  	[tilespmem:v1+s28+$0x0] =	vst.idx.add.f32.msk $0xffff, v0  }
0x218: {  	v1 =	vld [tilespmem:$0x19A0];
	_ =	sdelay $0x7  }
0x219: {  	[tilespmem:v1+s28+$0x0] =	vst.idx.add.f32.msk $0xffff, v0  }
0x21a: {  	v1 =	vld [tilespmem:$0x19B0];
	_ =	sdelay $0x7  }
0x21b: {  	[tilespmem:v1+s28+$0x0] =	vst.idx.add.f32.msk $0xffff, v0  }
0x21c: {  	v1 =	vld [tilespmem:$0x19C0];
	_ =	sdelay $0x7  }
0x21d: {  	[tilespmem:v1+s28+$0x0] =	vst.idx.add.f32.msk $0xffff, v0  }
0x21e: {  	v1 =	vld [tilespmem:$0x19D0];
	_ =	sdelay $0x7  }
0x21f: {  	[tilespmem:v1+s28+$0x0] =	vst.idx.add.f32.msk $0xffff, v0  }
0x220: {  	v1 =	vld [tilespmem:$0x19E0];
	_ =	sdelay $0x7  }
0x221: {  	[tilespmem:v1+s28+$0x0] =	vst.idx.add.f32.msk $0xffff, v0  }
0x222: {  	v1 =	vld [tilespmem:$0x19F0];
	_ =	sdelay $0x7  }
0x223: {  	[tilespmem:v1+s28+$0x0] =	vst.idx.add.f32.msk $0xffff, v0  }
0x224: {  	_ =	swait.ge [sflag:s17], $0x4000  }
0x225: {  	[sflag:s17] =	ssyncset.done $0x0  }
0x226: {  	[sflag:s17] =	ssyncadd.s32 $0xFFFFC000  }
0x227: {  	[spmem:s2] =	stream.indirect.scatter.add.f32 [tilespmem:s10], [sflag:$0x5], $0x80, s30, s4, $0xb8;
	[tilespmem:$0x1F9B0] =	vst v63  }
0x228: {  	_ =	swait.ge [sflag:s16], $0x4000  }
0x229: {  	[sflag:s16] =	ssyncset.done $0x0  }
0x22a: {  	s26 =	simm.s32 $0x1A00;
	[sflag:s16] =	ssyncadd.s32 $0xFFFFC000  }
0x22b: {  	[tilespmem:s5], [sflag:$0x4] =	stream.indirect.gather [hbm4b:s1+s20], $0x80, s26, s20, $0xb8;
	[tilespmem:$0x1F9B0] =	vst v63  }
0x22c: {  	v1 =	vld [tilespmem:$0x1A10];
	_ =	sdelay $0x7  }
0x22d: {  	[tilespmem:v1+s28+$0x0] =	vst.idx.add.f32.msk $0xffff, v0  }
0x22e: {  	_ =	swait.ge [sflag:s31], $0x800  }
0x22f: {  	[sflag:s31] =	ssyncset.done $0x0  }
0x230: {  	s12 =	simm.s32 $0x1A10;
	[sflag:s31] =	ssyncadd.s32 $0xFFFFF800  }
0x231: {  	[spmem:s2] =	stream.indirect.scatter.add.f32 [tilespmem:s5], [sflag:$0x5], $0x80, s12, s20, $0xb8;
	[tilespmem:$0x1F9B0] =	vst v63  }
0x232: {  	_ =	swait.ge [sflag:s16], $0x800  }
0x233: {  	[sflag:s16] =	ssyncset.done $0x0  }
0x234: {  	[sflag:s16] =	ssyncadd.s32 $0xFFFFF800  }
0x235: {  	[bflag:$0x0] =	sbarrier.arrive $0xFFFF  }
0x236: {  	s25 =	rddreg [dreg:$0xe]  }
0x237: {  	[hbm:s25], [sflag:s9] =	dma.local [spmem:s24], $0x2710  }
0x238: {  	s12 =	rddreg [dreg:$0xf]  }
0x239: {  	[hbm4b:s12+s3] =	stream.linear.scatter [tilespmem:s28], [sflag:$0x3], $0x2710, $0x38;
	[tilespmem:$0x1F9B0] =	vst v63  }
0x23a: {  	_ =	swait.ge [sflag:s0], $0x2710  }
0x23b: {  	[sflag:s0] =	ssyncset.done $0x0  }
0x23c: {  	[sflag:s0] =	ssyncadd.s32 $0xFFFFD8F0  }
0x23d: {  	_ =	swait.ge [sflag:s0], $0x2710  }
0x23e: {  	s22 =	sadd.s32 $0x1, s22;
	s25 =	rddreg [dreg:$0x12]  }
0x23f: {  	p0 =	sne.s32 s22, s25  }
.Ltmp6:
0x240: {  	_ = 	snop;
	(pc) =	sbr.rel @p0 .LBB2_1-.Ltmp6, $3  }
0x241: {  	_ =	sdelay $0x1  }
0x242: {  	[sflag:s0] =	ssyncset.done $0x0  }
0x243: {  	[sflag:s0] =	ssyncadd.s32 $0xFFFFD8F0  }
0x244: {  	_ =	sfence.sel $0x180000  }
0x245: {  	[bflag:$0x0] =	sbarrier.arrive $0xFFFF  }
0x246: {  	_ =	strace $0x90000047  }
0x247: {  	s0 =	stileid.u32;
	[bflag:$0x2] =	sbarrier.arrive $0xFFFF  }
0x248: {  	p0 =	sne.s32 s0, $0x0;
	s0 =	rddreg [dreg:$0x4]  }
0x249: {  	s0 =	sadd.s32 @!p0 $0x100000, s0  }
0x24a: {  	[sflag:s0] =	ssyncadd.tile.s32 @!p0 $0x1;
	_ =	shalt  }
.Lfunc_end2:
_tile_overlayer_lowered:
.L_overlay_start_2:
0x24b: {  	(tag) =	ssettag $0x2  }
0x24c: {  	s0 =	rddreg [dreg:$0x0];
	s2 =	stileid.u32  }
0x24d: {  	s1 =	rddreg [dreg:$0x1];
	p0 =	sne.s32 s2, $0x0  }
0x24e: {  	s3 =	rddreg [dreg:$0x2];
	[bflag:$0x3] =	sbarrier.arrive $0xFFFF;
	s2 =	simm.s32 @!p0 $0x1C05  }
0x24f: {  	[timem:s3], [sflag:s2] =	dma.local @!p0 [hbm:s0], s1  }
0x250: {  	s0 =	simm.s32 @!p0 $0x5  }
0x251: {  	_ =	swait.ge @!p0 [sflag:s0], s1  }
0x252: {  	s1 =	ssub.s32 @!p0 $0x0, s1;
	[sflag:s0] =	ssyncset.done @!p0 $0x0  }
0x253: {  	[sflag:s0] =	ssyncadd.s32 @!p0 s1  }
0x254: {  	[bflag:$0x3] =	sbarrier.arrive $0xFFFF  }
0x255: {  	_ =	shalt  }

</sc_bundles>
